<compile_context>
chip_gen: v7x
topology: tpu7x:2x2x1
jax: 0.10.2.dev20260603
libtpu: 0.0.44.dev20260713+nightly
codegen_flags: <defaults>
</compile_context>

<pallas_src>
import functools

import jax
import jax.numpy as jnp
from jax import lax
from jax.experimental import pallas as pl
from jax.experimental.pallas import tpu as pltpu
from jax.experimental.pallas import tpu_sc as plsc

NC = 2
NS = 16
NW = NC * NS
CHUNK = 128


def _leaky(y):
    return jnp.where(y >= 0, y, 0.01 * y)


NB = 2
NI = 4


@functools.lru_cache(maxsize=None)
def _make_segsum(n_nodes, d, e_pad, gpad):
    kpt = e_pad // (NW * CHUNK)
    assert kpt > 2 * NI and (kpt - 4) % NI == 0
    n_acc = ((n_nodes + 1 + 8 * NS - 1) // (8 * NS)) * (8 * NS)
    zrows = n_acc // NS
    mesh = plsc.VectorSubcoreMesh(core_axis_name="c", subcore_axis_name="s")

    @functools.partial(
        pl.kernel,
        out_type=[
            jax.ShapeDtypeStruct((NC, n_acc, d), jnp.float32),
            jax.ShapeDtypeStruct((gpad, d), jnp.float32),
        ],
        mesh=mesh,
        scratch_types=[
            pltpu.VMEM((NI, 2, CHUNK), jnp.int32),
            pltpu.VMEM((NB, CHUNK, d), jnp.float32),
            pltpu.VMEM_SHARED((n_acc, d), jnp.float32),
            [pltpu.SemaphoreType.DMA] * NI,
            [pltpu.SemaphoreType.DMA] * NB,
            [pltpu.SemaphoreType.DMA] * NB,
            pltpu.SemaphoreType.DMA,
            pltpu.VMEM((gpad,), jnp.int32),
        ],
    )
    def segsum(idx_hbm, feat_hbm, zeros_hbm, bbox_hbm,
               out_hbm, gfeat_hbm,
               idxr, rows, acc, isems, gsems, ssems, sem, bidx):
        c = lax.axis_index("c")
        s = lax.axis_index("s")
        wid = s * NC + c

        pltpu.sync_copy(zeros_hbm, acc.at[pl.ds(s * zrows, zrows)])
        plsc.subcore_barrier()

        def start_idx(k, islot):
            pltpu.async_copy(idx_hbm.at[wid * kpt + k], idxr.at[islot],
                             isems[islot])

        def start_gather(islot, rslot):
            pltpu.async_copy(feat_hbm.at[idxr.at[islot, 0]], rows.at[rslot],
                             gsems[rslot])

        def start_scatter(islot, rslot):
            pltpu.async_copy(rows.at[rslot], acc.at[idxr.at[islot, 1]],
                             ssems[rslot], add=True)

        def wait_rows(semref):
            pltpu.make_async_copy(feat_hbm.at[pl.ds(0, CHUNK)],
                                  rows.at[0], semref).wait()

        def wait_idx(semref):
            pltpu.make_async_copy(idx_hbm.at[0], idxr.at[0], semref).wait()

        def step(t, tm, do_idx=True, do_gather=True, do_ssw=True,
                 do_scatter=True):
            if do_idx:
                start_idx(t + 2, (tm + 2) % NI)
            if do_gather:
                if do_ssw:
                    wait_rows(ssems[(tm + 1) % NB])
                wait_idx(isems[(tm + 1) % NI])
                start_gather((tm + 1) % NI, (tm + 1) % NB)
            if do_scatter:
                wait_rows(gsems[tm % NB])
                start_scatter(tm % NI, tm % NB)

        start_idx(0, 0)
        start_idx(1, 1)
        wait_idx(isems[0])
        start_gather(0, 0)
        step(0, 0, do_ssw=False)

        def body(j, carry):
            for b in range(NI):
                step(1 + j * NI + b, 1 + b)
            return carry

        lax.fori_loop(0, (kpt - 4) // NI, body, 0)
        step(kpt - 3, (kpt - 3) % NI)
        step(kpt - 2, (kpt - 2) % NI, do_idx=False)
        step(kpt - 1, (kpt - 1) % NI, do_idx=False, do_gather=False)
        wait_rows(ssems[(kpt - 2) % NB])
        wait_rows(ssems[(kpt - 1) % NB])

        plsc.subcore_barrier()
        pltpu.sync_copy(acc.at[pl.ds(s * zrows, zrows)],
                        out_hbm.at[c, pl.ds(s * zrows, zrows)])

        @pl.when(wid == 0)
        def _():
            pltpu.sync_copy(bbox_hbm, bidx)
            pltpu.async_copy(feat_hbm.at[bidx],
                             rows.at[0, pl.ds(0, gpad)], sem).wait()
            pltpu.sync_copy(rows.at[0, pl.ds(0, gpad)], gfeat_hbm)

    return segsum


@functools.lru_cache(maxsize=None)
def _make_gatherq(n_nodes, d, gpad):
    mesh = plsc.VectorSubcoreMesh(core_axis_name="c", subcore_axis_name="s")

    @functools.partial(
        pl.kernel,
        out_type=jax.ShapeDtypeStruct((NC, gpad, d), jnp.float32),
        mesh=mesh,
        scratch_types=[
            pltpu.VMEM((gpad,), jnp.int32),
            pltpu.VMEM((gpad, d), jnp.float32),
            pltpu.SemaphoreType.DMA,
        ],
    )
    def gatherq(q_hbm, bbox_hbm, out_hbm, bidx, brows, sem):
        c = lax.axis_index("c")
        s = lax.axis_index("s")
        wid = s * NC + c

        @pl.when(wid < NC)
        def _():
            pltpu.sync_copy(bbox_hbm, bidx)
            pltpu.async_copy(q_hbm.at[wid].at[bidx], brows, sem).wait()
            pltpu.sync_copy(brows, out_hbm.at[wid])

    return gatherq


def _tc1_body(p_ref, x_ref, wrel_ref, b_ref, wroot_ref, o_ref):
    agg = p_ref[0] + p_ref[1]
    y = lax.dot_general(agg, wrel_ref[...], (((1,), (1,)), ((), ())),
                        preferred_element_type=jnp.float32)
    y = y + b_ref[...] + lax.dot_general(
        x_ref[...], wroot_ref[...], (((1,), (1,)), ((), ())),
        preferred_element_type=jnp.float32)
    o_ref[...] = _leaky(y)


def _tc2_body(gq_ref, gh_ref, wrel_ref, b_ref, wroot_ref, o_ref):
    agg = gq_ref[0] + gq_ref[1]
    y = lax.dot_general(agg, wrel_ref[...], (((1,), (1,)), ((), ())),
                        preferred_element_type=jnp.float32)
    y = y + b_ref[...] + lax.dot_general(
        gh_ref[...], wroot_ref[...], (((1,), (1,)), ((), ())),
        preferred_element_type=jnp.float32)
    o_ref[...] = _leaky(y)


def kernel(x, edge_index, bbox, W1_rel, b1, W1_root, W2_rel, b2, W2_root):
    n, d = x.shape
    e = edge_index.shape[1]
    r = bbox.shape[0]

    quantum = NW * CHUNK * NB
    e_pad = ((e + quantum - 1) // quantum) * quantum
    gpad = ((r + 7) // 8) * 8

    src = edge_index[0]
    dst = edge_index[1]
    src_p = jnp.concatenate(
        [src, jnp.zeros((e_pad - e,), jnp.int32)]).reshape(-1, CHUNK)
    dst_p = jnp.concatenate(
        [dst, jnp.full((e_pad - e,), n, jnp.int32)]).reshape(-1, CHUNK)
    idx2 = jnp.stack([src_p, dst_p], axis=1)
    bbox_p = jnp.concatenate([bbox, jnp.zeros((gpad - r,), jnp.int32)])

    n_acc = ((n + 1 + 8 * NS - 1) // (8 * NS)) * (8 * NS)
    zeros_hbm = jnp.zeros((n_acc // NS, d), jnp.float32)
    b1_2d = b1.reshape(1, d)
    b2_2d = b2.reshape(1, d)

    segsum = _make_segsum(n, d, e_pad, gpad)
    gatherq = _make_gatherq(n, d, gpad)

    p1, _ = segsum(idx2, x, zeros_hbm, bbox_p)

    rb = 2000
    h = pl.pallas_call(
        _tc1_body,
        grid=(n // rb,),
        in_specs=[
            pl.BlockSpec((NC, rb, d), lambda i: (0, i, 0)),
            pl.BlockSpec((rb, d), lambda i: (i, 0)),
            pl.BlockSpec((d, d), lambda i: (0, 0)),
            pl.BlockSpec((1, d), lambda i: (0, 0)),
            pl.BlockSpec((d, d), lambda i: (0, 0)),
        ],
        out_specs=pl.BlockSpec((rb, d), lambda i: (i, 0)),
        out_shape=jax.ShapeDtypeStruct((n, d), jnp.float32),
    )(p1, x, W1_rel, b1_2d, W1_root)

    p2, gh = segsum(idx2, h, zeros_hbm, bbox_p)

    gq = gatherq(p2, bbox_p)

    out = pl.pallas_call(
        _tc2_body,
        out_shape=jax.ShapeDtypeStruct((gpad, d), jnp.float32),
    )(gq, gh, W2_rel, b2_2d, W2_root)

    return out[:r]

# --- scband reference (transcript-rebuilt; emitter-appended) ---
"""Pipeline reference for scband-gcn-no-att-39058432590434 (READ-ONLY COPY).

The authoritative reference and input builder live on the scoring server;
editing this copy changes nothing except your own understanding.
"""

import jax, jax.numpy as jnp
import numpy as np

N = 10000
E = 320000
D_IN = 128
D_HID = 128
D_OUT = 128
R = 100


def setup_inputs(seed: int = 0) -> dict:
    key = jax.random.key(seed)
    ks = jax.random.split(key, 10)
    x = jax.random.normal(ks[0], (N, D_IN), dtype=jnp.float32)
    edge_index = jax.random.randint(ks[1], (2, E), 0, N, dtype=jnp.int32)
    bbox = jax.random.randint(ks[2], (R,), 0, N, dtype=jnp.int32)
    # GraphConv layer 1 params (PyG GraphConv: lin_rel has bias, lin_root has no bias)
    W1_rel = jax.random.normal(ks[3], (D_HID, D_IN), dtype=jnp.float32) * 0.05
    b1 = jnp.zeros((D_HID,), dtype=jnp.float32)
    W1_root = jax.random.normal(ks[4], (D_HID, D_IN), dtype=jnp.float32) * 0.05
    # GraphConv layer 2 params
    W2_rel = jax.random.normal(ks[5], (D_OUT, D_HID), dtype=jnp.float32) * 0.05
    b2 = jnp.zeros((D_OUT,), dtype=jnp.float32)
    W2_root = jax.random.normal(ks[6], (D_OUT, D_HID), dtype=jnp.float32) * 0.05
    return {"x": x, "edge_index": edge_index, "bbox": bbox,
            "W1_rel": W1_rel, "b1": b1, "W1_root": W1_root,
            "W2_rel": W2_rel, "b2": b2, "W2_root": W2_root}


def _graph_conv(x, src, dst, n_nodes, W_rel, b_rel, W_root):
    # PyG GraphConv with aggr='add':
    #   out = lin_rel( sum_{j in N(i)} x_j ) + lin_root(x_i)
    msgs = x[src]                                   # gather (E, D)
    agg = jax.ops.segment_sum(msgs, dst, num_segments=n_nodes)  # scatter-add
    return agg @ W_rel.T + b_rel + x @ W_root.T


def reference(x, edge_index, bbox, W1_rel, b1, W1_root, W2_rel, b2, W2_root):
    n_nodes = x.shape[0]
    src = edge_index[0]
    dst = edge_index[1]
    h = _graph_conv(x, src, dst, n_nodes, W1_rel, b1, W1_root)
    h = jax.nn.leaky_relu(h, negative_slope=0.01)
    # dropout: eval mode (training=False) -> identity
    h = _graph_conv(h, src, dst, n_nodes, W2_rel, b2, W2_root)
    h = jax.nn.leaky_relu(h, negative_slope=0.01)
    return h[bbox]

if __name__ == "__main__":
    import jax
    _d = setup_inputs()
    print(jax.jit(kernel)(*tuple(_d.values())))

</pallas_src>

<mosaic_0001>
#map = affine_map<(d0, d1) -> (0, 0, 0)>
#map1 = affine_map<(d0, d1) -> (0, 0)>
#map2 = affine_map<(d0, d1) -> (0)>
module attributes {stable_mosaic.version = 14 : i64} {
  func.func @segsum(%arg0: i32, %arg1: i32, %arg2: memref<2560x2x128xi32, #tpu.memory_space<hbm>>, %arg3: memref<10000x128xf32, #tpu.memory_space<hbm>>, %arg4: memref<632x128xf32, #tpu.memory_space<hbm>>, %arg5: memref<104xi32, #tpu.memory_space<hbm>>, %arg6: memref<2x10112x128xf32, #tpu.memory_space<hbm>>, %arg7: memref<104x128xf32, #tpu.memory_space<hbm>>, %arg8: memref<4x2x128xi32, #tpu.memory_space<vmem>>, %arg9: memref<2x128x128xf32, #tpu.memory_space<vmem>>, %arg10: memref<10112x128xf32, #tpu.memory_space<vmem_shared>>, %arg11: memref<!tpu.dma_semaphore, #tpu.memory_space<semaphore_mem>>, %arg12: memref<!tpu.dma_semaphore, #tpu.memory_space<semaphore_mem>>, %arg13: memref<!tpu.dma_semaphore, #tpu.memory_space<semaphore_mem>>, %arg14: memref<!tpu.dma_semaphore, #tpu.memory_space<semaphore_mem>>, %arg15: memref<!tpu.dma_semaphore, #tpu.memory_space<semaphore_mem>>, %arg16: memref<!tpu.dma_semaphore, #tpu.memory_space<semaphore_mem>>, %arg17: memref<!tpu.dma_semaphore, #tpu.memory_space<semaphore_mem>>, %arg18: memref<!tpu.dma_semaphore, #tpu.memory_space<semaphore_mem>>, %arg19: memref<!tpu.dma_semaphore, #tpu.memory_space<semaphore_mem>>, %arg20: memref<104xi32, #tpu.memory_space<vmem>>) attributes {dimension_semantics = [#tpu.dimension_semantics<core_parallel>, #tpu.dimension_semantics<subcore_parallel>], iteration_bounds = array<i64: 2, 16>, scalar_prefetch = 0 : i64, scratch_operands = 13 : i64, tpu.core_type = #tpu.core_type<sc_vector_subcore>, window_params = [{transform_indices = #map}, {transform_indices = #map1}, {transform_indices = #map1}, {transform_indices = #map2}, {transform_indices = #map}, {transform_indices = #map1}]} {
    %mul3A = arith.constant 2 : i32
    %mul3A_0 = arith.muli %arg1, %mul3A : i32
    %add3A = arith.addi %mul3A_0, %arg0 : i32
    %mul3A_1 = arith.constant 632 : i32
    %mul3A_2 = arith.muli %arg1, %mul3A_1 : i32
    "tpu.region"() ({
      %run_scoped3A = tpu.sem_alloc : memref<!tpu.dma_semaphore, #tpu.memory_space<semaphore_mem>>
      %dma_start3A_393 = arith.constant 0 : i32
      %dma_start3A_394 = tpu.memref_slice %arg10[%mul3A_2, %dma_start3A_393] : memref<10112x128xf32, #tpu.memory_space<vmem_shared>> -> memref<632x128xf32, #tpu.memory_space<vmem_shared>>
      tpu.enqueue_dma source(%arg4 : memref<632x128xf32, #tpu.memory_space<hbm>>) target(%dma_start3A_394 : memref<632x128xf32, #tpu.memory_space<vmem_shared>>) target_semaphore(%run_scoped3A : memref<!tpu.dma_semaphore, #tpu.memory_space<semaphore_mem>>)
      %dma_wait3A_395 = arith.constant 0 : i32
      %dma_wait3A_396 = tpu.memref_slice %arg10[%mul3A_2, %dma_wait3A_395] : memref<10112x128xf32, #tpu.memory_space<vmem_shared>> -> memref<632x128xf32, #tpu.memory_space<vmem_shared>>
      tpu.wait_dma2 semaphore(%run_scoped3A : memref<!tpu.dma_semaphore, #tpu.memory_space<semaphore_mem>>) src(%arg4 : memref<632x128xf32, #tpu.memory_space<hbm>>) dst(%dma_wait3A_396 : memref<632x128xf32, #tpu.memory_space<vmem_shared>>)
      tpu.yield
    }) : () -> ()
    %barrier3A = arith.constant 0 : index
    tpu.barrier barrier_id(%barrier3A)
    %mul3A_3 = arith.constant 80 : i32
    %mul3A_4 = arith.muli %add3A, %mul3A_3 : i32
    %add3A_5 = arith.constant 0 : i32
    %add3A_6 = arith.addi %mul3A_4, %add3A_5 : i32
    %dma_start3A = arith.constant 0 : i32
    %dma_start3A_7 = arith.constant 0 : i32
    %dma_start3A_8 = arith.constant 0 : i32
    %dma_start3A_9 = tpu.memref_slice %arg8[%dma_start3A, %dma_start3A_7, %dma_start3A_8] : memref<4x2x128xi32, #tpu.memory_space<vmem>> -> memref<1x2x128xi32, #tpu.memory_space<vmem>>
    %dma_start3A_10 = tpu.memref_squeeze %dma_start3A_9 : memref<1x2x128xi32, #tpu.memory_space<vmem>> -> memref<2x128xi32, #tpu.memory_space<vmem>>
    %dma_start3A_11 = arith.constant 0 : i32
    %dma_start3A_12 = arith.constant 0 : i32
    %dma_start3A_13 = tpu.memref_slice %arg2[%add3A_6, %dma_start3A_11, %dma_start3A_12] : memref<2560x2x128xi32, #tpu.memory_space<hbm>> -> memref<1x2x128xi32, #tpu.memory_space<hbm>>
    %dma_start3A_14 = tpu.memref_squeeze %dma_start3A_13 : memref<1x2x128xi32, #tpu.memory_space<hbm>> -> memref<2x128xi32, #tpu.memory_space<hbm>>
    %dma_start3A_15 = arith.constant 0 : i32
    %dma_start3A_16 = arith.constant 0 : i32
    %dma_start3A_17 = tpu.memref_slice %arg8[%dma_start3A, %dma_start3A_15, %dma_start3A_16] : memref<4x2x128xi32, #tpu.memory_space<vmem>> -> memref<1x2x128xi32, #tpu.memory_space<vmem>>
    %dma_start3A_18 = tpu.memref_squeeze %dma_start3A_17 : memref<1x2x128xi32, #tpu.memory_space<vmem>> -> memref<2x128xi32, #tpu.memory_space<vmem>>
    %dma_start3A_19 = arith.constant 0 : i32
    %dma_start3A_20 = arith.constant 0 : i32
    %dma_start3A_21 = tpu.memref_slice %arg2[%add3A_6, %dma_start3A_19, %dma_start3A_20] : memref<2560x2x128xi32, #tpu.memory_space<hbm>> -> memref<1x2x128xi32, #tpu.memory_space<hbm>>
    %dma_start3A_22 = tpu.memref_squeeze %dma_start3A_21 : memref<1x2x128xi32, #tpu.memory_space<hbm>> -> memref<2x128xi32, #tpu.memory_space<hbm>>
    tpu.enqueue_dma source(%dma_start3A_22 : memref<2x128xi32, #tpu.memory_space<hbm>>) target(%dma_start3A_18 : memref<2x128xi32, #tpu.memory_space<vmem>>) target_semaphore(%arg11 : memref<!tpu.dma_semaphore, #tpu.memory_space<semaphore_mem>>)
    %mul3A_23 = arith.constant 80 : i32
    %mul3A_24 = arith.muli %add3A, %mul3A_23 : i32
    %add3A_25 = arith.constant 1 : i32
    %add3A_26 = arith.addi %mul3A_24, %add3A_25 : i32
    %dma_start3A_27 = arith.constant 1 : i32
    %dma_start3A_28 = arith.constant 0 : i32
    %dma_start3A_29 = arith.constant 0 : i32
    %dma_start3A_30 = tpu.memref_slice %arg8[%dma_start3A_27, %dma_start3A_28, %dma_start3A_29] : memref<4x2x128xi32, #tpu.memory_space<vmem>> -> memref<1x2x128xi32, #tpu.memory_space<vmem>>
    %dma_start3A_31 = tpu.memref_squeeze %dma_start3A_30 : memref<1x2x128xi32, #tpu.memory_space<vmem>> -> memref<2x128xi32, #tpu.memory_space<vmem>>
    %dma_start3A_32 = arith.constant 0 : i32
    %dma_start3A_33 = arith.constant 0 : i32
    %dma_start3A_34 = tpu.memref_slice %arg2[%add3A_26, %dma_start3A_32, %dma_start3A_33] : memref<2560x2x128xi32, #tpu.memory_space<hbm>> -> memref<1x2x128xi32, #tpu.memory_space<hbm>>
    %dma_start3A_35 = tpu.memref_squeeze %dma_start3A_34 : memref<1x2x128xi32, #tpu.memory_space<hbm>> -> memref<2x128xi32, #tpu.memory_space<hbm>>
    %dma_start3A_36 = arith.constant 0 : i32
    %dma_start3A_37 = arith.constant 0 : i32
    %dma_start3A_38 = tpu.memref_slice %arg8[%dma_start3A_27, %dma_start3A_36, %dma_start3A_37] : memref<4x2x128xi32, #tpu.memory_space<vmem>> -> memref<1x2x128xi32, #tpu.memory_space<vmem>>
    %dma_start3A_39 = tpu.memref_squeeze %dma_start3A_38 : memref<1x2x128xi32, #tpu.memory_space<vmem>> -> memref<2x128xi32, #tpu.memory_space<vmem>>
    %dma_start3A_40 = arith.constant 0 : i32
    %dma_start3A_41 = arith.constant 0 : i32
    %dma_start3A_42 = tpu.memref_slice %arg2[%add3A_26, %dma_start3A_40, %dma_start3A_41] : memref<2560x2x128xi32, #tpu.memory_space<hbm>> -> memref<1x2x128xi32, #tpu.memory_space<hbm>>
    %dma_start3A_43 = tpu.memref_squeeze %dma_start3A_42 : memref<1x2x128xi32, #tpu.memory_space<hbm>> -> memref<2x128xi32, #tpu.memory_space<hbm>>
    tpu.enqueue_dma source(%dma_start3A_43 : memref<2x128xi32, #tpu.memory_space<hbm>>) target(%dma_start3A_39 : memref<2x128xi32, #tpu.memory_space<vmem>>) target_semaphore(%arg12 : memref<!tpu.dma_semaphore, #tpu.memory_space<semaphore_mem>>)
    %dma_wait3A = arith.constant 0 : i32
    %dma_wait3A_44 = arith.constant 0 : i32
    %dma_wait3A_45 = arith.constant 0 : i32
    %dma_wait3A_46 = arith.constant 0 : i32
    %dma_wait3A_47 = tpu.memref_slice %arg8[%dma_wait3A_44, %dma_wait3A_45, %dma_wait3A_46] : memref<4x2x128xi32, #tpu.memory_space<vmem>> -> memref<1x2x128xi32, #tpu.memory_space<vmem>>
    %dma_wait3A_48 = tpu.memref_squeeze %dma_wait3A_47 : memref<1x2x128xi32, #tpu.memory_space<vmem>> -> memref<2x128xi32, #tpu.memory_space<vmem>>
    %dma_wait3A_49 = arith.constant 0 : i32
    %dma_wait3A_50 = arith.constant 0 : i32
    %dma_wait3A_51 = tpu.memref_slice %arg2[%dma_wait3A, %dma_wait3A_49, %dma_wait3A_50] : memref<2560x2x128xi32, #tpu.memory_space<hbm>> -> memref<1x2x128xi32, #tpu.memory_space<hbm>>
    %dma_wait3A_52 = tpu.memref_squeeze %dma_wait3A_51 : memref<1x2x128xi32, #tpu.memory_space<hbm>> -> memref<2x128xi32, #tpu.memory_space<hbm>>
    %dma_wait3A_53 = arith.constant 0 : i32
    %dma_wait3A_54 = arith.constant 0 : i32
    %dma_wait3A_55 = tpu.memref_slice %arg8[%dma_wait3A_44, %dma_wait3A_53, %dma_wait3A_54] : memref<4x2x128xi32, #tpu.memory_space<vmem>> -> memref<1x2x128xi32, #tpu.memory_space<vmem>>
    %dma_wait3A_56 = tpu.memref_squeeze %dma_wait3A_55 : memref<1x2x128xi32, #tpu.memory_space<vmem>> -> memref<2x128xi32, #tpu.memory_space<vmem>>
    %dma_wait3A_57 = arith.constant 0 : i32
    %dma_wait3A_58 = arith.constant 0 : i32
    %dma_wait3A_59 = tpu.memref_slice %arg2[%dma_wait3A, %dma_wait3A_57, %dma_wait3A_58] : memref<2560x2x128xi32, #tpu.memory_space<hbm>> -> memref<1x2x128xi32, #tpu.memory_space<hbm>>
    %dma_wait3A_60 = tpu.memref_squeeze %dma_wait3A_59 : memref<1x2x128xi32, #tpu.memory_space<hbm>> -> memref<2x128xi32, #tpu.memory_space<hbm>>
    tpu.wait_dma2 semaphore(%arg11 : memref<!tpu.dma_semaphore, #tpu.memory_space<semaphore_mem>>) src(%dma_wait3A_60 : memref<2x128xi32, #tpu.memory_space<hbm>>) dst(%dma_wait3A_56 : memref<2x128xi32, #tpu.memory_space<vmem>>)
    %dma_start3A_61 = arith.constant 0 : i32
    %dma_start3A_62 = arith.constant 0 : i32
    %dma_start3A_63 = arith.constant 0 : i32
    %dma_start3A_64 = arith.constant 0 : i32
    %dma_start3A_65 = arith.constant 0 : i32
    %dma_start3A_66 = tpu.memref_slice %arg9[%dma_start3A_63, %dma_start3A_64, %dma_start3A_65] : memref<2x128x128xf32, #tpu.memory_space<vmem>> -> memref<1x128x128xf32, #tpu.memory_space<vmem>>
    %dma_start3A_67 = tpu.memref_squeeze %dma_start3A_66 : memref<1x128x128xf32, #tpu.memory_space<vmem>> -> memref<128x128xf32, #tpu.memory_space<vmem>>
    %dma_start3A_68 = arith.constant 0 : i32
    %dma_start3A_69 = tpu.memref_slice %arg8[%dma_start3A_61, %dma_start3A_62, %dma_start3A_68] : memref<4x2x128xi32, #tpu.memory_space<vmem>> -> memref<1x1x128xi32, #tpu.memory_space<vmem>>
    %dma_start3A_70 = tpu.memref_squeeze %dma_start3A_69 : memref<1x1x128xi32, #tpu.memory_space<vmem>> -> memref<128xi32, #tpu.memory_space<vmem>>
    %dma_start3A_71 = arith.constant 0 : i32
    %dma_start3A_72 = arith.constant 0 : i32
    %dma_start3A_73 = tpu.memref_slice %arg3[%dma_start3A_71, %dma_start3A_72] : memref<10000x128xf32, #tpu.memory_space<hbm>> -> memref<10000x128xf32, #tpu.memory_space<hbm>>
    tpu.enqueue_indirect_dma source(%dma_start3A_73 : memref<10000x128xf32, #tpu.memory_space<hbm>>) target(%dma_start3A_67 : memref<128x128xf32, #tpu.memory_space<vmem>>) offsets(%dma_start3A_70 : memref<128xi32, #tpu.memory_space<vmem>>) semaphore(%arg15 : memref<!tpu.dma_semaphore, #tpu.memory_space<semaphore_mem>>)
    %mul3A_74 = arith.constant 80 : i32
    %mul3A_75 = arith.muli %add3A, %mul3A_74 : i32
    %add3A_76 = arith.constant 2 : i32
    %add3A_77 = arith.addi %mul3A_75, %add3A_76 : i32
    %dma_start3A_78 = arith.constant 2 : i32
    %dma_start3A_79 = arith.constant 0 : i32
    %dma_start3A_80 = arith.constant 0 : i32
    %dma_start3A_81 = tpu.memref_slice %arg8[%dma_start3A_78, %dma_start3A_79, %dma_start3A_80] : memref<4x2x128xi32, #tpu.memory_space<vmem>> -> memref<1x2x128xi32, #tpu.memory_space<vmem>>
    %dma_start3A_82 = tpu.memref_squeeze %dma_start3A_81 : memref<1x2x128xi32, #tpu.memory_space<vmem>> -> memref<2x128xi32, #tpu.memory_space<vmem>>
    %dma_start3A_83 = arith.constant 0 : i32
    %dma_start3A_84 = arith.constant 0 : i32
    %dma_start3A_85 = tpu.memref_slice %arg2[%add3A_77, %dma_start3A_83, %dma_start3A_84] : memref<2560x2x128xi32, #tpu.memory_space<hbm>> -> memref<1x2x128xi32, #tpu.memory_space<hbm>>
    %dma_start3A_86 = tpu.memref_squeeze %dma_start3A_85 : memref<1x2x128xi32, #tpu.memory_space<hbm>> -> memref<2x128xi32, #tpu.memory_space<hbm>>
    %dma_start3A_87 = arith.constant 0 : i32
    %dma_start3A_88 = arith.constant 0 : i32
    %dma_start3A_89 = tpu.memref_slice %arg8[%dma_start3A_78, %dma_start3A_87, %dma_start3A_88] : memref<4x2x128xi32, #tpu.memory_space<vmem>> -> memref<1x2x128xi32, #tpu.memory_space<vmem>>
    %dma_start3A_90 = tpu.memref_squeeze %dma_start3A_89 : memref<1x2x128xi32, #tpu.memory_space<vmem>> -> memref<2x128xi32, #tpu.memory_space<vmem>>
    %dma_start3A_91 = arith.constant 0 : i32
    %dma_start3A_92 = arith.constant 0 : i32
    %dma_start3A_93 = tpu.memref_slice %arg2[%add3A_77, %dma_start3A_91, %dma_start3A_92] : memref<2560x2x128xi32, #tpu.memory_space<hbm>> -> memref<1x2x128xi32, #tpu.memory_space<hbm>>
    %dma_start3A_94 = tpu.memref_squeeze %dma_start3A_93 : memref<1x2x128xi32, #tpu.memory_space<hbm>> -> memref<2x128xi32, #tpu.memory_space<hbm>>
    tpu.enqueue_dma source(%dma_start3A_94 : memref<2x128xi32, #tpu.memory_space<hbm>>) target(%dma_start3A_90 : memref<2x128xi32, #tpu.memory_space<vmem>>) target_semaphore(%arg13 : memref<!tpu.dma_semaphore, #tpu.memory_space<semaphore_mem>>)
    %dma_wait3A_95 = arith.constant 0 : i32
    %dma_wait3A_96 = arith.constant 0 : i32
    %dma_wait3A_97 = arith.constant 0 : i32
    %dma_wait3A_98 = arith.constant 0 : i32
    %dma_wait3A_99 = tpu.memref_slice %arg8[%dma_wait3A_96, %dma_wait3A_97, %dma_wait3A_98] : memref<4x2x128xi32, #tpu.memory_space<vmem>> -> memref<1x2x128xi32, #tpu.memory_space<vmem>>
    %dma_wait3A_100 = tpu.memref_squeeze %dma_wait3A_99 : memref<1x2x128xi32, #tpu.memory_space<vmem>> -> memref<2x128xi32, #tpu.memory_space<vmem>>
    %dma_wait3A_101 = arith.constant 0 : i32
    %dma_wait3A_102 = arith.constant 0 : i32
    %dma_wait3A_103 = tpu.memref_slice %arg2[%dma_wait3A_95, %dma_wait3A_101, %dma_wait3A_102] : memref<2560x2x128xi32, #tpu.memory_space<hbm>> -> memref<1x2x128xi32, #tpu.memory_space<hbm>>
    %dma_wait3A_104 = tpu.memref_squeeze %dma_wait3A_103 : memref<1x2x128xi32, #tpu.memory_space<hbm>> -> memref<2x128xi32, #tpu.memory_space<hbm>>
    %dma_wait3A_105 = arith.constant 0 : i32
    %dma_wait3A_106 = arith.constant 0 : i32
    %dma_wait3A_107 = tpu.memref_slice %arg8[%dma_wait3A_96, %dma_wait3A_105, %dma_wait3A_106] : memref<4x2x128xi32, #tpu.memory_space<vmem>> -> memref<1x2x128xi32, #tpu.memory_space<vmem>>
    %dma_wait3A_108 = tpu.memref_squeeze %dma_wait3A_107 : memref<1x2x128xi32, #tpu.memory_space<vmem>> -> memref<2x128xi32, #tpu.memory_space<vmem>>
    %dma_wait3A_109 = arith.constant 0 : i32
    %dma_wait3A_110 = arith.constant 0 : i32
    %dma_wait3A_111 = tpu.memref_slice %arg2[%dma_wait3A_95, %dma_wait3A_109, %dma_wait3A_110] : memref<2560x2x128xi32, #tpu.memory_space<hbm>> -> memref<1x2x128xi32, #tpu.memory_space<hbm>>
    %dma_wait3A_112 = tpu.memref_squeeze %dma_wait3A_111 : memref<1x2x128xi32, #tpu.memory_space<hbm>> -> memref<2x128xi32, #tpu.memory_space<hbm>>
    tpu.wait_dma2 semaphore(%arg12 : memref<!tpu.dma_semaphore, #tpu.memory_space<semaphore_mem>>) src(%dma_wait3A_112 : memref<2x128xi32, #tpu.memory_space<hbm>>) dst(%dma_wait3A_108 : memref<2x128xi32, #tpu.memory_space<vmem>>)
    %dma_start3A_113 = arith.constant 1 : i32
    %dma_start3A_114 = arith.constant 0 : i32
    %dma_start3A_115 = arith.constant 1 : i32
    %dma_start3A_116 = arith.constant 0 : i32
    %dma_start3A_117 = arith.constant 0 : i32
    %dma_start3A_118 = tpu.memref_slice %arg9[%dma_start3A_115, %dma_start3A_116, %dma_start3A_117] : memref<2x128x128xf32, #tpu.memory_space<vmem>> -> memref<1x128x128xf32, #tpu.memory_space<vmem>>
    %dma_start3A_119 = tpu.memref_squeeze %dma_start3A_118 : memref<1x128x128xf32, #tpu.memory_space<vmem>> -> memref<128x128xf32, #tpu.memory_space<vmem>>
    %dma_start3A_120 = arith.constant 0 : i32
    %dma_start3A_121 = tpu.memref_slice %arg8[%dma_start3A_113, %dma_start3A_114, %dma_start3A_120] : memref<4x2x128xi32, #tpu.memory_space<vmem>> -> memref<1x1x128xi32, #tpu.memory_space<vmem>>
    %dma_start3A_122 = tpu.memref_squeeze %dma_start3A_121 : memref<1x1x128xi32, #tpu.memory_space<vmem>> -> memref<128xi32, #tpu.memory_space<vmem>>
    %dma_start3A_123 = arith.constant 0 : i32
    %dma_start3A_124 = arith.constant 0 : i32
    %dma_start3A_125 = tpu.memref_slice %arg3[%dma_start3A_123, %dma_start3A_124] : memref<10000x128xf32, #tpu.memory_space<hbm>> -> memref<10000x128xf32, #tpu.memory_space<hbm>>
    tpu.enqueue_indirect_dma source(%dma_start3A_125 : memref<10000x128xf32, #tpu.memory_space<hbm>>) target(%dma_start3A_119 : memref<128x128xf32, #tpu.memory_space<vmem>>) offsets(%dma_start3A_122 : memref<128xi32, #tpu.memory_space<vmem>>) semaphore(%arg16 : memref<!tpu.dma_semaphore, #tpu.memory_space<semaphore_mem>>)
    %dma_wait3A_126 = arith.constant 0 : i32
    %dma_wait3A_127 = arith.constant 0 : i32
    %dma_wait3A_128 = arith.constant 0 : i32
    %dma_wait3A_129 = tpu.memref_slice %arg9[%dma_wait3A_126, %dma_wait3A_127, %dma_wait3A_128] : memref<2x128x128xf32, #tpu.memory_space<vmem>> -> memref<1x128x128xf32, #tpu.memory_space<vmem>>
    %dma_wait3A_130 = tpu.memref_squeeze %dma_wait3A_129 : memref<1x128x128xf32, #tpu.memory_space<vmem>> -> memref<128x128xf32, #tpu.memory_space<vmem>>
    %dma_wait3A_131 = arith.constant 0 : i32
    %dma_wait3A_132 = arith.constant 0 : i32
    %dma_wait3A_133 = tpu.memref_slice %arg3[%dma_wait3A_131, %dma_wait3A_132] : memref<10000x128xf32, #tpu.memory_space<hbm>> -> memref<128x128xf32, #tpu.memory_space<hbm>>
    %dma_wait3A_134 = arith.constant 0 : i32
    %dma_wait3A_135 = arith.constant 0 : i32
    %dma_wait3A_136 = tpu.memref_slice %arg9[%dma_wait3A_126, %dma_wait3A_134, %dma_wait3A_135] : memref<2x128x128xf32, #tpu.memory_space<vmem>> -> memref<1x128x128xf32, #tpu.memory_space<vmem>>
    %dma_wait3A_137 = tpu.memref_squeeze %dma_wait3A_136 : memref<1x128x128xf32, #tpu.memory_space<vmem>> -> memref<128x128xf32, #tpu.memory_space<vmem>>
    %dma_wait3A_138 = arith.constant 0 : i32
    %dma_wait3A_139 = arith.constant 0 : i32
    %dma_wait3A_140 = tpu.memref_slice %arg3[%dma_wait3A_138, %dma_wait3A_139] : memref<10000x128xf32, #tpu.memory_space<hbm>> -> memref<128x128xf32, #tpu.memory_space<hbm>>
    tpu.wait_dma2 semaphore(%arg15 : memref<!tpu.dma_semaphore, #tpu.memory_space<semaphore_mem>>) src(%dma_wait3A_140 : memref<128x128xf32, #tpu.memory_space<hbm>>) dst(%dma_wait3A_137 : memref<128x128xf32, #tpu.memory_space<vmem>>)
    %dma_start3A_141 = arith.constant 0 : i32
    %dma_start3A_142 = arith.constant 0 : i32
    %dma_start3A_143 = arith.constant 1 : i32
    %dma_start3A_144 = arith.constant 0 : i32
    %dma_start3A_145 = arith.constant 0 : i32
    %dma_start3A_146 = tpu.memref_slice %arg9[%dma_start3A_141, %dma_start3A_144, %dma_start3A_145] : memref<2x128x128xf32, #tpu.memory_space<vmem>> -> memref<1x128x128xf32, #tpu.memory_space<vmem>>
    %dma_start3A_147 = tpu.memref_squeeze %dma_start3A_146 : memref<1x128x128xf32, #tpu.memory_space<vmem>> -> memref<128x128xf32, #tpu.memory_space<vmem>>
    %dma_start3A_148 = arith.constant 0 : i32
    %dma_start3A_149 = tpu.memref_slice %arg8[%dma_start3A_142, %dma_start3A_143, %dma_start3A_148] : memref<4x2x128xi32, #tpu.memory_space<vmem>> -> memref<1x1x128xi32, #tpu.memory_space<vmem>>
    %dma_start3A_150 = tpu.memref_squeeze %dma_start3A_149 : memref<1x1x128xi32, #tpu.memory_space<vmem>> -> memref<128xi32, #tpu.memory_space<vmem>>
    %dma_start3A_151 = arith.constant 0 : i32
    %dma_start3A_152 = arith.constant 0 : i32
    %dma_start3A_153 = tpu.memref_slice %arg10[%dma_start3A_151, %dma_start3A_152] : memref<10112x128xf32, #tpu.memory_space<vmem_shared>> -> memref<10112x128xf32, #tpu.memory_space<vmem_shared>>
    tpu.enqueue_indirect_dma source(%dma_start3A_147 : memref<128x128xf32, #tpu.memory_space<vmem>>) target(%dma_start3A_153 : memref<10112x128xf32, #tpu.memory_space<vmem_shared>>) offsets(%dma_start3A_150 : memref<128xi32, #tpu.memory_space<vmem>>) semaphore(%arg17 : memref<!tpu.dma_semaphore, #tpu.memory_space<semaphore_mem>>) {add = true}
    %scan3A = arith.constant 0 : i32
    %scan3A_154 = arith.constant 0 : i32
    %scan3A_155 = arith.constant 19 : i32
    %scan3A_156 = arith.addi %scan3A_154, %scan3A_155 : i32
    %scan3A_157 = arith.constant 1 : i32
    scf.for %scan3A_393 = %scan3A_154 to %scan3A_156 step %scan3A_157  : i32 {
      %mul3A_394 = arith.constant 4 : i32
      %mul3A_395 = arith.muli %scan3A_393, %mul3A_394 : i32
      %add3A_396 = arith.constant 1 : i32
      %add3A_397 = arith.addi %add3A_396, %mul3A_395 : i32
      %add3A_398 = arith.constant 0 : i32
      %add3A_399 = arith.addi %add3A_397, %add3A_398 : i32
      %add3A_400 = arith.constant 2 : i32
      %add3A_401 = arith.addi %add3A_399, %add3A_400 : i32
      %mul3A_402 = arith.constant 80 : i32
      %mul3A_403 = arith.muli %add3A, %mul3A_402 : i32
      %add3A_404 = arith.addi %mul3A_403, %add3A_401 : i32
      %dma_start3A_405 = arith.constant 3 : i32
      %dma_start3A_406 = arith.constant 0 : i32
      %dma_start3A_407 = arith.constant 0 : i32
      %dma_start3A_408 = tpu.memref_slice %arg8[%dma_start3A_405, %dma_start3A_406, %dma_start3A_407] : memref<4x2x128xi32, #tpu.memory_space<vmem>> -> memref<1x2x128xi32, #tpu.memory_space<vmem>>
      %dma_start3A_409 = tpu.memref_squeeze %dma_start3A_408 : memref<1x2x128xi32, #tpu.memory_space<vmem>> -> memref<2x128xi32, #tpu.memory_space<vmem>>
      %dma_start3A_410 = arith.constant 0 : i32
      %dma_start3A_411 = arith.constant 0 : i32
      %dma_start3A_412 = tpu.memref_slice %arg2[%add3A_404, %dma_start3A_410, %dma_start3A_411] : memref<2560x2x128xi32, #tpu.memory_space<hbm>> -> memref<1x2x128xi32, #tpu.memory_space<hbm>>
      %dma_start3A_413 = tpu.memref_squeeze %dma_start3A_412 : memref<1x2x128xi32, #tpu.memory_space<hbm>> -> memref<2x128xi32, #tpu.memory_space<hbm>>
      %dma_start3A_414 = arith.constant 0 : i32
      %dma_start3A_415 = arith.constant 0 : i32
      %dma_start3A_416 = tpu.memref_slice %arg8[%dma_start3A_405, %dma_start3A_414, %dma_start3A_415] : memref<4x2x128xi32, #tpu.memory_space<vmem>> -> memref<1x2x128xi32, #tpu.memory_space<vmem>>
      %dma_start3A_417 = tpu.memref_squeeze %dma_start3A_416 : memref<1x2x128xi32, #tpu.memory_space<vmem>> -> memref<2x128xi32, #tpu.memory_space<vmem>>
      %dma_start3A_418 = arith.constant 0 : i32
      %dma_start3A_419 = arith.constant 0 : i32
      %dma_start3A_420 = tpu.memref_slice %arg2[%add3A_404, %dma_start3A_418, %dma_start3A_419] : memref<2560x2x128xi32, #tpu.memory_space<hbm>> -> memref<1x2x128xi32, #tpu.memory_space<hbm>>
      %dma_start3A_421 = tpu.memref_squeeze %dma_start3A_420 : memref<1x2x128xi32, #tpu.memory_space<hbm>> -> memref<2x128xi32, #tpu.memory_space<hbm>>
      tpu.enqueue_dma source(%dma_start3A_421 : memref<2x128xi32, #tpu.memory_space<hbm>>) target(%dma_start3A_417 : memref<2x128xi32, #tpu.memory_space<vmem>>) target_semaphore(%arg14 : memref<!tpu.dma_semaphore, #tpu.memory_space<semaphore_mem>>)
      %dma_wait3A_422 = arith.constant 0 : i32
      %dma_wait3A_423 = arith.constant 0 : i32
      %dma_wait3A_424 = arith.constant 0 : i32
      %dma_wait3A_425 = tpu.memref_slice %arg9[%dma_wait3A_422, %dma_wait3A_423, %dma_wait3A_424] : memref<2x128x128xf32, #tpu.memory_space<vmem>> -> memref<1x128x128xf32, #tpu.memory_space<vmem>>
      %dma_wait3A_426 = tpu.memref_squeeze %dma_wait3A_425 : memref<1x128x128xf32, #tpu.memory_space<vmem>> -> memref<128x128xf32, #tpu.memory_space<vmem>>
      %dma_wait3A_427 = arith.constant 0 : i32
      %dma_wait3A_428 = arith.constant 0 : i32
      %dma_wait3A_429 = tpu.memref_slice %arg3[%dma_wait3A_427, %dma_wait3A_428] : memref<10000x128xf32, #tpu.memory_space<hbm>> -> memref<128x128xf32, #tpu.memory_space<hbm>>
      %dma_wait3A_430 = arith.constant 0 : i32
      %dma_wait3A_431 = arith.constant 0 : i32
      %dma_wait3A_432 = tpu.memref_slice %arg9[%dma_wait3A_422, %dma_wait3A_430, %dma_wait3A_431] : memref<2x128x128xf32, #tpu.memory_space<vmem>> -> memref<1x128x128xf32, #tpu.memory_space<vmem>>
      %dma_wait3A_433 = tpu.memref_squeeze %dma_wait3A_432 : memref<1x128x128xf32, #tpu.memory_space<vmem>> -> memref<128x128xf32, #tpu.memory_space<vmem>>
      %dma_wait3A_434 = arith.constant 0 : i32
      %dma_wait3A_435 = arith.constant 0 : i32
      %dma_wait3A_436 = tpu.memref_slice %arg3[%dma_wait3A_434, %dma_wait3A_435] : memref<10000x128xf32, #tpu.memory_space<hbm>> -> memref<128x128xf32, #tpu.memory_space<hbm>>
      tpu.wait_dma2 semaphore(%arg17 : memref<!tpu.dma_semaphore, #tpu.memory_space<semaphore_mem>>) src(%dma_wait3A_436 : memref<128x128xf32, #tpu.memory_space<hbm>>) dst(%dma_wait3A_433 : memref<128x128xf32, #tpu.memory_space<vmem>>)
      %dma_wait3A_437 = arith.constant 0 : i32
      %dma_wait3A_438 = arith.constant 0 : i32
      %dma_wait3A_439 = arith.constant 0 : i32
      %dma_wait3A_440 = arith.constant 0 : i32
      %dma_wait3A_441 = tpu.memref_slice %arg8[%dma_wait3A_438, %dma_wait3A_439, %dma_wait3A_440] : memref<4x2x128xi32, #tpu.memory_space<vmem>> -> memref<1x2x128xi32, #tpu.memory_space<vmem>>
      %dma_wait3A_442 = tpu.memref_squeeze %dma_wait3A_441 : memref<1x2x128xi32, #tpu.memory_space<vmem>> -> memref<2x128xi32, #tpu.memory_space<vmem>>
      %dma_wait3A_443 = arith.constant 0 : i32
      %dma_wait3A_444 = arith.constant 0 : i32
      %dma_wait3A_445 = tpu.memref_slice %arg2[%dma_wait3A_437, %dma_wait3A_443, %dma_wait3A_444] : memref<2560x2x128xi32, #tpu.memory_space<hbm>> -> memref<1x2x128xi32, #tpu.memory_space<hbm>>
      %dma_wait3A_446 = tpu.memref_squeeze %dma_wait3A_445 : memref<1x2x128xi32, #tpu.memory_space<hbm>> -> memref<2x128xi32, #tpu.memory_space<hbm>>
      %dma_wait3A_447 = arith.constant 0 : i32
      %dma_wait3A_448 = arith.constant 0 : i32
      %dma_wait3A_449 = tpu.memref_slice %arg8[%dma_wait3A_438, %dma_wait3A_447, %dma_wait3A_448] : memref<4x2x128xi32, #tpu.memory_space<vmem>> -> memref<1x2x128xi32, #tpu.memory_space<vmem>>
      %dma_wait3A_450 = tpu.memref_squeeze %dma_wait3A_449 : memref<1x2x128xi32, #tpu.memory_space<vmem>> -> memref<2x128xi32, #tpu.memory_space<vmem>>
      %dma_wait3A_451 = arith.constant 0 : i32
      %dma_wait3A_452 = arith.constant 0 : i32
      %dma_wait3A_453 = tpu.memref_slice %arg2[%dma_wait3A_437, %dma_wait3A_451, %dma_wait3A_452] : memref<2560x2x128xi32, #tpu.memory_space<hbm>> -> memref<1x2x128xi32, #tpu.memory_space<hbm>>
      %dma_wait3A_454 = tpu.memref_squeeze %dma_wait3A_453 : memref<1x2x128xi32, #tpu.memory_space<hbm>> -> memref<2x128xi32, #tpu.memory_space<hbm>>
      tpu.wait_dma2 semaphore(%arg13 : memref<!tpu.dma_semaphore, #tpu.memory_space<semaphore_mem>>) src(%dma_wait3A_454 : memref<2x128xi32, #tpu.memory_space<hbm>>) dst(%dma_wait3A_450 : memref<2x128xi32, #tpu.memory_space<vmem>>)
      %dma_start3A_455 = arith.constant 2 : i32
      %dma_start3A_456 = arith.constant 0 : i32
      %dma_start3A_457 = arith.constant 0 : i32
      %dma_start3A_458 = arith.constant 0 : i32
      %dma_start3A_459 = arith.constant 0 : i32
      %dma_start3A_460 = tpu.memref_slice %arg9[%dma_start3A_457, %dma_start3A_458, %dma_start3A_459] : memref<2x128x128xf32, #tpu.memory_space<vmem>> -> memref<1x128x128xf32, #tpu.memory_space<vmem>>
      %dma_start3A_461 = tpu.memref_squeeze %dma_start3A_460 : memref<1x128x128xf32, #tpu.memory_space<vmem>> -> memref<128x128xf32, #tpu.memory_space<vmem>>
      %dma_start3A_462 = arith.constant 0 : i32
      %dma_start3A_463 = tpu.memref_slice %arg8[%dma_start3A_455, %dma_start3A_456, %dma_start3A_462] : memref<4x2x128xi32, #tpu.memory_space<vmem>> -> memref<1x1x128xi32, #tpu.memory_space<vmem>>
      %dma_start3A_464 = tpu.memref_squeeze %dma_start3A_463 : memref<1x1x128xi32, #tpu.memory_space<vmem>> -> memref<128xi32, #tpu.memory_space<vmem>>
      %dma_start3A_465 = arith.constant 0 : i32
      %dma_start3A_466 = arith.constant 0 : i32
      %dma_start3A_467 = tpu.memref_slice %arg3[%dma_start3A_465, %dma_start3A_466] : memref<10000x128xf32, #tpu.memory_space<hbm>> -> memref<10000x128xf32, #tpu.memory_space<hbm>>
      tpu.enqueue_indirect_dma source(%dma_start3A_467 : memref<10000x128xf32, #tpu.memory_space<hbm>>) target(%dma_start3A_461 : memref<128x128xf32, #tpu.memory_space<vmem>>) offsets(%dma_start3A_464 : memref<128xi32, #tpu.memory_space<vmem>>) semaphore(%arg15 : memref<!tpu.dma_semaphore, #tpu.memory_space<semaphore_mem>>)
      %dma_wait3A_468 = arith.constant 0 : i32
      %dma_wait3A_469 = arith.constant 0 : i32
      %dma_wait3A_470 = arith.constant 0 : i32
      %dma_wait3A_471 = tpu.memref_slice %arg9[%dma_wait3A_468, %dma_wait3A_469, %dma_wait3A_470] : memref<2x128x128xf32, #tpu.memory_space<vmem>> -> memref<1x128x128xf32, #tpu.memory_space<vmem>>
      %dma_wait3A_472 = tpu.memref_squeeze %dma_wait3A_471 : memref<1x128x128xf32, #tpu.memory_space<vmem>> -> memref<128x128xf32, #tpu.memory_space<vmem>>
      %dma_wait3A_473 = arith.constant 0 : i32
      %dma_wait3A_474 = arith.constant 0 : i32
      %dma_wait3A_475 = tpu.memref_slice %arg3[%dma_wait3A_473, %dma_wait3A_474] : memref<10000x128xf32, #tpu.memory_space<hbm>> -> memref<128x128xf32, #tpu.memory_space<hbm>>
      %dma_wait3A_476 = arith.constant 0 : i32
      %dma_wait3A_477 = arith.constant 0 : i32
      %dma_wait3A_478 = tpu.memref_slice %arg9[%dma_wait3A_468, %dma_wait3A_476, %dma_wait3A_477] : memref<2x128x128xf32, #tpu.memory_space<vmem>> -> memref<1x128x128xf32, #tpu.memory_space<vmem>>
      %dma_wait3A_479 = tpu.memref_squeeze %dma_wait3A_478 : memref<1x128x128xf32, #tpu.memory_space<vmem>> -> memref<128x128xf32, #tpu.memory_space<vmem>>
      %dma_wait3A_480 = arith.constant 0 : i32
      %dma_wait3A_481 = arith.constant 0 : i32
      %dma_wait3A_482 = tpu.memref_slice %arg3[%dma_wait3A_480, %dma_wait3A_481] : memref<10000x128xf32, #tpu.memory_space<hbm>> -> memref<128x128xf32, #tpu.memory_space<hbm>>
      tpu.wait_dma2 semaphore(%arg16 : memref<!tpu.dma_semaphore, #tpu.memory_space<semaphore_mem>>) src(%dma_wait3A_482 : memref<128x128xf32, #tpu.memory_space<hbm>>) dst(%dma_wait3A_479 : memref<128x128xf32, #tpu.memory_space<vmem>>)
      %dma_start3A_483 = arith.constant 1 : i32
      %dma_start3A_484 = arith.constant 1 : i32
      %dma_start3A_485 = arith.constant 1 : i32
      %dma_start3A_486 = arith.constant 0 : i32
      %dma_start3A_487 = arith.constant 0 : i32
      %dma_start3A_488 = tpu.memref_slice %arg9[%dma_start3A_483, %dma_start3A_486, %dma_start3A_487] : memref<2x128x128xf32, #tpu.memory_space<vmem>> -> memref<1x128x128xf32, #tpu.memory_space<vmem>>
      %dma_start3A_489 = tpu.memref_squeeze %dma_start3A_488 : memref<1x128x128xf32, #tpu.memory_space<vmem>> -> memref<128x128xf32, #tpu.memory_space<vmem>>
      %dma_start3A_490 = arith.constant 0 : i32
      %dma_start3A_491 = tpu.memref_slice %arg8[%dma_start3A_484, %dma_start3A_485, %dma_start3A_490] : memref<4x2x128xi32, #tpu.memory_space<vmem>> -> memref<1x1x128xi32, #tpu.memory_space<vmem>>
      %dma_start3A_492 = tpu.memref_squeeze %dma_start3A_491 : memref<1x1x128xi32, #tpu.memory_space<vmem>> -> memref<128xi32, #tpu.memory_space<vmem>>
      %dma_start3A_493 = arith.constant 0 : i32
      %dma_start3A_494 = arith.constant 0 : i32
      %dma_start3A_495 = tpu.memref_slice %arg10[%dma_start3A_493, %dma_start3A_494] : memref<10112x128xf32, #tpu.memory_space<vmem_shared>> -> memref<10112x128xf32, #tpu.memory_space<vmem_shared>>
      tpu.enqueue_indirect_dma source(%dma_start3A_489 : memref<128x128xf32, #tpu.memory_space<vmem>>) target(%dma_start3A_495 : memref<10112x128xf32, #tpu.memory_space<vmem_shared>>) offsets(%dma_start3A_492 : memref<128xi32, #tpu.memory_space<vmem>>) semaphore(%arg18 : memref<!tpu.dma_semaphore, #tpu.memory_space<semaphore_mem>>) {add = true}
      %mul3A_496 = arith.constant 4 : i32
      %mul3A_497 = arith.muli %scan3A_393, %mul3A_496 : i32
      %add3A_498 = arith.constant 1 : i32
      %add3A_499 = arith.addi %add3A_498, %mul3A_497 : i32
      %add3A_500 = arith.constant 1 : i32
      %add3A_501 = arith.addi %add3A_499, %add3A_500 : i32
      %add3A_502 = arith.constant 2 : i32
      %add3A_503 = arith.addi %add3A_501, %add3A_502 : i32
      %mul3A_504 = arith.constant 80 : i32
      %mul3A_505 = arith.muli %add3A, %mul3A_504 : i32
      %add3A_506 = arith.addi %mul3A_505, %add3A_503 : i32
      %dma_start3A_507 = arith.constant 0 : i32
      %dma_start3A_508 = arith.constant 0 : i32
      %dma_start3A_509 = arith.constant 0 : i32
      %dma_start3A_510 = tpu.memref_slice %arg8[%dma_start3A_507, %dma_start3A_508, %dma_start3A_509] : memref<4x2x128xi32, #tpu.memory_space<vmem>> -> memref<1x2x128xi32, #tpu.memory_space<vmem>>
      %dma_start3A_511 = tpu.memref_squeeze %dma_start3A_510 : memref<1x2x128xi32, #tpu.memory_space<vmem>> -> memref<2x128xi32, #tpu.memory_space<vmem>>
      %dma_start3A_512 = arith.constant 0 : i32
      %dma_start3A_513 = arith.constant 0 : i32
      %dma_start3A_514 = tpu.memref_slice %arg2[%add3A_506, %dma_start3A_512, %dma_start3A_513] : memref<2560x2x128xi32, #tpu.memory_space<hbm>> -> memref<1x2x128xi32, #tpu.memory_space<hbm>>
      %dma_start3A_515 = tpu.memref_squeeze %dma_start3A_514 : memref<1x2x128xi32, #tpu.memory_space<hbm>> -> memref<2x128xi32, #tpu.memory_space<hbm>>
      %dma_start3A_516 = arith.constant 0 : i32
      %dma_start3A_517 = arith.constant 0 : i32
      %dma_start3A_518 = tpu.memref_slice %arg8[%dma_start3A_507, %dma_start3A_516, %dma_start3A_517] : memref<4x2x128xi32, #tpu.memory_space<vmem>> -> memref<1x2x128xi32, #tpu.memory_space<vmem>>
      %dma_start3A_519 = tpu.memref_squeeze %dma_start3A_518 : memref<1x2x128xi32, #tpu.memory_space<vmem>> -> memref<2x128xi32, #tpu.memory_space<vmem>>
      %dma_start3A_520 = arith.constant 0 : i32
      %dma_start3A_521 = arith.constant 0 : i32
      %dma_start3A_522 = tpu.memref_slice %arg2[%add3A_506, %dma_start3A_520, %dma_start3A_521] : memref<2560x2x128xi32, #tpu.memory_space<hbm>> -> memref<1x2x128xi32, #tpu.memory_space<hbm>>
      %dma_start3A_523 = tpu.memref_squeeze %dma_start3A_522 : memref<1x2x128xi32, #tpu.memory_space<hbm>> -> memref<2x128xi32, #tpu.memory_space<hbm>>
      tpu.enqueue_dma source(%dma_start3A_523 : memref<2x128xi32, #tpu.memory_space<hbm>>) target(%dma_start3A_519 : memref<2x128xi32, #tpu.memory_space<vmem>>) target_semaphore(%arg11 : memref<!tpu.dma_semaphore, #tpu.memory_space<semaphore_mem>>)
      %dma_wait3A_524 = arith.constant 0 : i32
      %dma_wait3A_525 = arith.constant 0 : i32
      %dma_wait3A_526 = arith.constant 0 : i32
      %dma_wait3A_527 = tpu.memref_slice %arg9[%dma_wait3A_524, %dma_wait3A_525, %dma_wait3A_526] : memref<2x128x128xf32, #tpu.memory_space<vmem>> -> memref<1x128x128xf32, #tpu.memory_space<vmem>>
      %dma_wait3A_528 = tpu.memref_squeeze %dma_wait3A_527 : memref<1x128x128xf32, #tpu.memory_space<vmem>> -> memref<128x128xf32, #tpu.memory_space<vmem>>
      %dma_wait3A_529 = arith.constant 0 : i32
      %dma_wait3A_530 = arith.constant 0 : i32
      %dma_wait3A_531 = tpu.memref_slice %arg3[%dma_wait3A_529, %dma_wait3A_530] : memref<10000x128xf32, #tpu.memory_space<hbm>> -> memref<128x128xf32, #tpu.memory_space<hbm>>
      %dma_wait3A_532 = arith.constant 0 : i32
      %dma_wait3A_533 = arith.constant 0 : i32
      %dma_wait3A_534 = tpu.memref_slice %arg9[%dma_wait3A_524, %dma_wait3A_532, %dma_wait3A_533] : memref<2x128x128xf32, #tpu.memory_space<vmem>> -> memref<1x128x128xf32, #tpu.memory_space<vmem>>
      %dma_wait3A_535 = tpu.memref_squeeze %dma_wait3A_534 : memref<1x128x128xf32, #tpu.memory_space<vmem>> -> memref<128x128xf32, #tpu.memory_space<vmem>>
      %dma_wait3A_536 = arith.constant 0 : i32
      %dma_wait3A_537 = arith.constant 0 : i32
      %dma_wait3A_538 = tpu.memref_slice %arg3[%dma_wait3A_536, %dma_wait3A_537] : memref<10000x128xf32, #tpu.memory_space<hbm>> -> memref<128x128xf32, #tpu.memory_space<hbm>>
      tpu.wait_dma2 semaphore(%arg18 : memref<!tpu.dma_semaphore, #tpu.memory_space<semaphore_mem>>) src(%dma_wait3A_538 : memref<128x128xf32, #tpu.memory_space<hbm>>) dst(%dma_wait3A_535 : memref<128x128xf32, #tpu.memory_space<vmem>>)
      %dma_wait3A_539 = arith.constant 0 : i32
      %dma_wait3A_540 = arith.constant 0 : i32
      %dma_wait3A_541 = arith.constant 0 : i32
      %dma_wait3A_542 = arith.constant 0 : i32
      %dma_wait3A_543 = tpu.memref_slice %arg8[%dma_wait3A_540, %dma_wait3A_541, %dma_wait3A_542] : memref<4x2x128xi32, #tpu.memory_space<vmem>> -> memref<1x2x128xi32, #tpu.memory_space<vmem>>
      %dma_wait3A_544 = tpu.memref_squeeze %dma_wait3A_543 : memref<1x2x128xi32, #tpu.memory_space<vmem>> -> memref<2x128xi32, #tpu.memory_space<vmem>>
      %dma_wait3A_545 = arith.constant 0 : i32
      %dma_wait3A_546 = arith.constant 0 : i32
      %dma_wait3A_547 = tpu.memref_slice %arg2[%dma_wait3A_539, %dma_wait3A_545, %dma_wait3A_546] : memref<2560x2x128xi32, #tpu.memory_space<hbm>> -> memref<1x2x128xi32, #tpu.memory_space<hbm>>
      %dma_wait3A_548 = tpu.memref_squeeze %dma_wait3A_547 : memref<1x2x128xi32, #tpu.memory_space<hbm>> -> memref<2x128xi32, #tpu.memory_space<hbm>>
      %dma_wait3A_549 = arith.constant 0 : i32
      %dma_wait3A_550 = arith.constant 0 : i32
      %dma_wait3A_551 = tpu.memref_slice %arg8[%dma_wait3A_540, %dma_wait3A_549, %dma_wait3A_550] : memref<4x2x128xi32, #tpu.memory_space<vmem>> -> memref<1x2x128xi32, #tpu.memory_space<vmem>>
      %dma_wait3A_552 = tpu.memref_squeeze %dma_wait3A_551 : memref<1x2x128xi32, #tpu.memory_space<vmem>> -> memref<2x128xi32, #tpu.memory_space<vmem>>
      %dma_wait3A_553 = arith.constant 0 : i32
      %dma_wait3A_554 = arith.constant 0 : i32
      %dma_wait3A_555 = tpu.memref_slice %arg2[%dma_wait3A_539, %dma_wait3A_553, %dma_wait3A_554] : memref<2560x2x128xi32, #tpu.memory_space<hbm>> -> memref<1x2x128xi32, #tpu.memory_space<hbm>>
      %dma_wait3A_556 = tpu.memref_squeeze %dma_wait3A_555 : memref<1x2x128xi32, #tpu.memory_space<hbm>> -> memref<2x128xi32, #tpu.memory_space<hbm>>
      tpu.wait_dma2 semaphore(%arg14 : memref<!tpu.dma_semaphore, #tpu.memory_space<semaphore_mem>>) src(%dma_wait3A_556 : memref<2x128xi32, #tpu.memory_space<hbm>>) dst(%dma_wait3A_552 : memref<2x128xi32, #tpu.memory_space<vmem>>)
      %dma_start3A_557 = arith.constant 3 : i32
      %dma_start3A_558 = arith.constant 0 : i32
      %dma_start3A_559 = arith.constant 1 : i32
      %dma_start3A_560 = arith.constant 0 : i32
      %dma_start3A_561 = arith.constant 0 : i32
      %dma_start3A_562 = tpu.memref_slice %arg9[%dma_start3A_559, %dma_start3A_560, %dma_start3A_561] : memref<2x128x128xf32, #tpu.memory_space<vmem>> -> memref<1x128x128xf32, #tpu.memory_space<vmem>>
      %dma_start3A_563 = tpu.memref_squeeze %dma_start3A_562 : memref<1x128x128xf32, #tpu.memory_space<vmem>> -> memref<128x128xf32, #tpu.memory_space<vmem>>
      %dma_start3A_564 = arith.constant 0 : i32
      %dma_start3A_565 = tpu.memref_slice %arg8[%dma_start3A_557, %dma_start3A_558, %dma_start3A_564] : memref<4x2x128xi32, #tpu.memory_space<vmem>> -> memref<1x1x128xi32, #tpu.memory_space<vmem>>
      %dma_start3A_566 = tpu.memref_squeeze %dma_start3A_565 : memref<1x1x128xi32, #tpu.memory_space<vmem>> -> memref<128xi32, #tpu.memory_space<vmem>>
      %dma_start3A_567 = arith.constant 0 : i32
      %dma_start3A_568 = arith.constant 0 : i32
      %dma_start3A_569 = tpu.memref_slice %arg3[%dma_start3A_567, %dma_start3A_568] : memref<10000x128xf32, #tpu.memory_space<hbm>> -> memref<10000x128xf32, #tpu.memory_space<hbm>>
      tpu.enqueue_indirect_dma source(%dma_start3A_569 : memref<10000x128xf32, #tpu.memory_space<hbm>>) target(%dma_start3A_563 : memref<128x128xf32, #tpu.memory_space<vmem>>) offsets(%dma_start3A_566 : memref<128xi32, #tpu.memory_space<vmem>>) semaphore(%arg16 : memref<!tpu.dma_semaphore, #tpu.memory_space<semaphore_mem>>)
      %dma_wait3A_570 = arith.constant 0 : i32
      %dma_wait3A_571 = arith.constant 0 : i32
      %dma_wait3A_572 = arith.constant 0 : i32
      %dma_wait3A_573 = tpu.memref_slice %arg9[%dma_wait3A_570, %dma_wait3A_571, %dma_wait3A_572] : memref<2x128x128xf32, #tpu.memory_space<vmem>> -> memref<1x128x128xf32, #tpu.memory_space<vmem>>
      %dma_wait3A_574 = tpu.memref_squeeze %dma_wait3A_573 : memref<1x128x128xf32, #tpu.memory_space<vmem>> -> memref<128x128xf32, #tpu.memory_space<vmem>>
      %dma_wait3A_575 = arith.constant 0 : i32
      %dma_wait3A_576 = arith.constant 0 : i32
      %dma_wait3A_577 = tpu.memref_slice %arg3[%dma_wait3A_575, %dma_wait3A_576] : memref<10000x128xf32, #tpu.memory_space<hbm>> -> memref<128x128xf32, #tpu.memory_space<hbm>>
      %dma_wait3A_578 = arith.constant 0 : i32
      %dma_wait3A_579 = arith.constant 0 : i32
      %dma_wait3A_580 = tpu.memref_slice %arg9[%dma_wait3A_570, %dma_wait3A_578, %dma_wait3A_579] : memref<2x128x128xf32, #tpu.memory_space<vmem>> -> memref<1x128x128xf32, #tpu.memory_space<vmem>>
      %dma_wait3A_581 = tpu.memref_squeeze %dma_wait3A_580 : memref<1x128x128xf32, #tpu.memory_space<vmem>> -> memref<128x128xf32, #tpu.memory_space<vmem>>
      %dma_wait3A_582 = arith.constant 0 : i32
      %dma_wait3A_583 = arith.constant 0 : i32
      %dma_wait3A_584 = tpu.memref_slice %arg3[%dma_wait3A_582, %dma_wait3A_583] : memref<10000x128xf32, #tpu.memory_space<hbm>> -> memref<128x128xf32, #tpu.memory_space<hbm>>
      tpu.wait_dma2 semaphore(%arg15 : memref<!tpu.dma_semaphore, #tpu.memory_space<semaphore_mem>>) src(%dma_wait3A_584 : memref<128x128xf32, #tpu.memory_space<hbm>>) dst(%dma_wait3A_581 : memref<128x128xf32, #tpu.memory_space<vmem>>)
      %dma_start3A_585 = arith.constant 0 : i32
      %dma_start3A_586 = arith.constant 2 : i32
      %dma_start3A_587 = arith.constant 1 : i32
      %dma_start3A_588 = arith.constant 0 : i32
      %dma_start3A_589 = arith.constant 0 : i32
      %dma_start3A_590 = tpu.memref_slice %arg9[%dma_start3A_585, %dma_start3A_588, %dma_start3A_589] : memref<2x128x128xf32, #tpu.memory_space<vmem>> -> memref<1x128x128xf32, #tpu.memory_space<vmem>>
      %dma_start3A_591 = tpu.memref_squeeze %dma_start3A_590 : memref<1x128x128xf32, #tpu.memory_space<vmem>> -> memref<128x128xf32, #tpu.memory_space<vmem>>
      %dma_start3A_592 = arith.constant 0 : i32
      %dma_start3A_593 = tpu.memref_slice %arg8[%dma_start3A_586, %dma_start3A_587, %dma_start3A_592] : memref<4x2x128xi32, #tpu.memory_space<vmem>> -> memref<1x1x128xi32, #tpu.memory_space<vmem>>
      %dma_start3A_594 = tpu.memref_squeeze %dma_start3A_593 : memref<1x1x128xi32, #tpu.memory_space<vmem>> -> memref<128xi32, #tpu.memory_space<vmem>>
      %dma_start3A_595 = arith.constant 0 : i32
      %dma_start3A_596 = arith.constant 0 : i32
      %dma_start3A_597 = tpu.memref_slice %arg10[%dma_start3A_595, %dma_start3A_596] : memref<10112x128xf32, #tpu.memory_space<vmem_shared>> -> memref<10112x128xf32, #tpu.memory_space<vmem_shared>>
      tpu.enqueue_indirect_dma source(%dma_start3A_591 : memref<128x128xf32, #tpu.memory_space<vmem>>) target(%dma_start3A_597 : memref<10112x128xf32, #tpu.memory_space<vmem_shared>>) offsets(%dma_start3A_594 : memref<128xi32, #tpu.memory_space<vmem>>) semaphore(%arg17 : memref<!tpu.dma_semaphore, #tpu.memory_space<semaphore_mem>>) {add = true}
      %mul3A_598 = arith.constant 4 : i32
      %mul3A_599 = arith.muli %scan3A_393, %mul3A_598 : i32
      %add3A_600 = arith.constant 1 : i32
      %add3A_601 = arith.addi %add3A_600, %mul3A_599 : i32
      %add3A_602 = arith.constant 2 : i32
      %add3A_603 = arith.addi %add3A_601, %add3A_602 : i32
      %add3A_604 = arith.constant 2 : i32
      %add3A_605 = arith.addi %add3A_603, %add3A_604 : i32
      %mul3A_606 = arith.constant 80 : i32
      %mul3A_607 = arith.muli %add3A, %mul3A_606 : i32
      %add3A_608 = arith.addi %mul3A_607, %add3A_605 : i32
      %dma_start3A_609 = arith.constant 1 : i32
      %dma_start3A_610 = arith.constant 0 : i32
      %dma_start3A_611 = arith.constant 0 : i32
      %dma_start3A_612 = tpu.memref_slice %arg8[%dma_start3A_609, %dma_start3A_610, %dma_start3A_611] : memref<4x2x128xi32, #tpu.memory_space<vmem>> -> memref<1x2x128xi32, #tpu.memory_space<vmem>>
      %dma_start3A_613 = tpu.memref_squeeze %dma_start3A_612 : memref<1x2x128xi32, #tpu.memory_space<vmem>> -> memref<2x128xi32, #tpu.memory_space<vmem>>
      %dma_start3A_614 = arith.constant 0 : i32
      %dma_start3A_615 = arith.constant 0 : i32
      %dma_start3A_616 = tpu.memref_slice %arg2[%add3A_608, %dma_start3A_614, %dma_start3A_615] : memref<2560x2x128xi32, #tpu.memory_space<hbm>> -> memref<1x2x128xi32, #tpu.memory_space<hbm>>
      %dma_start3A_617 = tpu.memref_squeeze %dma_start3A_616 : memref<1x2x128xi32, #tpu.memory_space<hbm>> -> memref<2x128xi32, #tpu.memory_space<hbm>>
      %dma_start3A_618 = arith.constant 0 : i32
      %dma_start3A_619 = arith.constant 0 : i32
      %dma_start3A_620 = tpu.memref_slice %arg8[%dma_start3A_609, %dma_start3A_618, %dma_start3A_619] : memref<4x2x128xi32, #tpu.memory_space<vmem>> -> memref<1x2x128xi32, #tpu.memory_space<vmem>>
      %dma_start3A_621 = tpu.memref_squeeze %dma_start3A_620 : memref<1x2x128xi32, #tpu.memory_space<vmem>> -> memref<2x128xi32, #tpu.memory_space<vmem>>
      %dma_start3A_622 = arith.constant 0 : i32
      %dma_start3A_623 = arith.constant 0 : i32
      %dma_start3A_624 = tpu.memref_slice %arg2[%add3A_608, %dma_start3A_622, %dma_start3A_623] : memref<2560x2x128xi32, #tpu.memory_space<hbm>> -> memref<1x2x128xi32, #tpu.memory_space<hbm>>
      %dma_start3A_625 = tpu.memref_squeeze %dma_start3A_624 : memref<1x2x128xi32, #tpu.memory_space<hbm>> -> memref<2x128xi32, #tpu.memory_space<hbm>>
      tpu.enqueue_dma source(%dma_start3A_625 : memref<2x128xi32, #tpu.memory_space<hbm>>) target(%dma_start3A_621 : memref<2x128xi32, #tpu.memory_space<vmem>>) target_semaphore(%arg12 : memref<!tpu.dma_semaphore, #tpu.memory_space<semaphore_mem>>)
      %dma_wait3A_626 = arith.constant 0 : i32
      %dma_wait3A_627 = arith.constant 0 : i32
      %dma_wait3A_628 = arith.constant 0 : i32
      %dma_wait3A_629 = tpu.memref_slice %arg9[%dma_wait3A_626, %dma_wait3A_627, %dma_wait3A_628] : memref<2x128x128xf32, #tpu.memory_space<vmem>> -> memref<1x128x128xf32, #tpu.memory_space<vmem>>
      %dma_wait3A_630 = tpu.memref_squeeze %dma_wait3A_629 : memref<1x128x128xf32, #tpu.memory_space<vmem>> -> memref<128x128xf32, #tpu.memory_space<vmem>>
      %dma_wait3A_631 = arith.constant 0 : i32
      %dma_wait3A_632 = arith.constant 0 : i32
      %dma_wait3A_633 = tpu.memref_slice %arg3[%dma_wait3A_631, %dma_wait3A_632] : memref<10000x128xf32, #tpu.memory_space<hbm>> -> memref<128x128xf32, #tpu.memory_space<hbm>>
      %dma_wait3A_634 = arith.constant 0 : i32
      %dma_wait3A_635 = arith.constant 0 : i32
      %dma_wait3A_636 = tpu.memref_slice %arg9[%dma_wait3A_626, %dma_wait3A_634, %dma_wait3A_635] : memref<2x128x128xf32, #tpu.memory_space<vmem>> -> memref<1x128x128xf32, #tpu.memory_space<vmem>>
      %dma_wait3A_637 = tpu.memref_squeeze %dma_wait3A_636 : memref<1x128x128xf32, #tpu.memory_space<vmem>> -> memref<128x128xf32, #tpu.memory_space<vmem>>
      %dma_wait3A_638 = arith.constant 0 : i32
      %dma_wait3A_639 = arith.constant 0 : i32
      %dma_wait3A_640 = tpu.memref_slice %arg3[%dma_wait3A_638, %dma_wait3A_639] : memref<10000x128xf32, #tpu.memory_space<hbm>> -> memref<128x128xf32, #tpu.memory_space<hbm>>
      tpu.wait_dma2 semaphore(%arg17 : memref<!tpu.dma_semaphore, #tpu.memory_space<semaphore_mem>>) src(%dma_wait3A_640 : memref<128x128xf32, #tpu.memory_space<hbm>>) dst(%dma_wait3A_637 : memref<128x128xf32, #tpu.memory_space<vmem>>)
      %dma_wait3A_641 = arith.constant 0 : i32
      %dma_wait3A_642 = arith.constant 0 : i32
      %dma_wait3A_643 = arith.constant 0 : i32
      %dma_wait3A_644 = arith.constant 0 : i32
      %dma_wait3A_645 = tpu.memref_slice %arg8[%dma_wait3A_642, %dma_wait3A_643, %dma_wait3A_644] : memref<4x2x128xi32, #tpu.memory_space<vmem>> -> memref<1x2x128xi32, #tpu.memory_space<vmem>>
      %dma_wait3A_646 = tpu.memref_squeeze %dma_wait3A_645 : memref<1x2x128xi32, #tpu.memory_space<vmem>> -> memref<2x128xi32, #tpu.memory_space<vmem>>
      %dma_wait3A_647 = arith.constant 0 : i32
      %dma_wait3A_648 = arith.constant 0 : i32
      %dma_wait3A_649 = tpu.memref_slice %arg2[%dma_wait3A_641, %dma_wait3A_647, %dma_wait3A_648] : memref<2560x2x128xi32, #tpu.memory_space<hbm>> -> memref<1x2x128xi32, #tpu.memory_space<hbm>>
      %dma_wait3A_650 = tpu.memref_squeeze %dma_wait3A_649 : memref<1x2x128xi32, #tpu.memory_space<hbm>> -> memref<2x128xi32, #tpu.memory_space<hbm>>
      %dma_wait3A_651 = arith.constant 0 : i32
      %dma_wait3A_652 = arith.constant 0 : i32
      %dma_wait3A_653 = tpu.memref_slice %arg8[%dma_wait3A_642, %dma_wait3A_651, %dma_wait3A_652] : memref<4x2x128xi32, #tpu.memory_space<vmem>> -> memref<1x2x128xi32, #tpu.memory_space<vmem>>
      %dma_wait3A_654 = tpu.memref_squeeze %dma_wait3A_653 : memref<1x2x128xi32, #tpu.memory_space<vmem>> -> memref<2x128xi32, #tpu.memory_space<vmem>>
      %dma_wait3A_655 = arith.constant 0 : i32
      %dma_wait3A_656 = arith.constant 0 : i32
      %dma_wait3A_657 = tpu.memref_slice %arg2[%dma_wait3A_641, %dma_wait3A_655, %dma_wait3A_656] : memref<2560x2x128xi32, #tpu.memory_space<hbm>> -> memref<1x2x128xi32, #tpu.memory_space<hbm>>
      %dma_wait3A_658 = tpu.memref_squeeze %dma_wait3A_657 : memref<1x2x128xi32, #tpu.memory_space<hbm>> -> memref<2x128xi32, #tpu.memory_space<hbm>>
      tpu.wait_dma2 semaphore(%arg11 : memref<!tpu.dma_semaphore, #tpu.memory_space<semaphore_mem>>) src(%dma_wait3A_658 : memref<2x128xi32, #tpu.memory_space<hbm>>) dst(%dma_wait3A_654 : memref<2x128xi32, #tpu.memory_space<vmem>>)
      %dma_start3A_659 = arith.constant 0 : i32
      %dma_start3A_660 = arith.constant 0 : i32
      %dma_start3A_661 = arith.constant 0 : i32
      %dma_start3A_662 = arith.constant 0 : i32
      %dma_start3A_663 = arith.constant 0 : i32
      %dma_start3A_664 = tpu.memref_slice %arg9[%dma_start3A_661, %dma_start3A_662, %dma_start3A_663] : memref<2x128x128xf32, #tpu.memory_space<vmem>> -> memref<1x128x128xf32, #tpu.memory_space<vmem>>
      %dma_start3A_665 = tpu.memref_squeeze %dma_start3A_664 : memref<1x128x128xf32, #tpu.memory_space<vmem>> -> memref<128x128xf32, #tpu.memory_space<vmem>>
      %dma_start3A_666 = arith.constant 0 : i32
      %dma_start3A_667 = tpu.memref_slice %arg8[%dma_start3A_659, %dma_start3A_660, %dma_start3A_666] : memref<4x2x128xi32, #tpu.memory_space<vmem>> -> memref<1x1x128xi32, #tpu.memory_space<vmem>>
      %dma_start3A_668 = tpu.memref_squeeze %dma_start3A_667 : memref<1x1x128xi32, #tpu.memory_space<vmem>> -> memref<128xi32, #tpu.memory_space<vmem>>
      %dma_start3A_669 = arith.constant 0 : i32
      %dma_start3A_670 = arith.constant 0 : i32
      %dma_start3A_671 = tpu.memref_slice %arg3[%dma_start3A_669, %dma_start3A_670] : memref<10000x128xf32, #tpu.memory_space<hbm>> -> memref<10000x128xf32, #tpu.memory_space<hbm>>
      tpu.enqueue_indirect_dma source(%dma_start3A_671 : memref<10000x128xf32, #tpu.memory_space<hbm>>) target(%dma_start3A_665 : memref<128x128xf32, #tpu.memory_space<vmem>>) offsets(%dma_start3A_668 : memref<128xi32, #tpu.memory_space<vmem>>) semaphore(%arg15 : memref<!tpu.dma_semaphore, #tpu.memory_space<semaphore_mem>>)
      %dma_wait3A_672 = arith.constant 0 : i32
      %dma_wait3A_673 = arith.constant 0 : i32
      %dma_wait3A_674 = arith.constant 0 : i32
      %dma_wait3A_675 = tpu.memref_slice %arg9[%dma_wait3A_672, %dma_wait3A_673, %dma_wait3A_674] : memref<2x128x128xf32, #tpu.memory_space<vmem>> -> memref<1x128x128xf32, #tpu.memory_space<vmem>>
      %dma_wait3A_676 = tpu.memref_squeeze %dma_wait3A_675 : memref<1x128x128xf32, #tpu.memory_space<vmem>> -> memref<128x128xf32, #tpu.memory_space<vmem>>
      %dma_wait3A_677 = arith.constant 0 : i32
      %dma_wait3A_678 = arith.constant 0 : i32
      %dma_wait3A_679 = tpu.memref_slice %arg3[%dma_wait3A_677, %dma_wait3A_678] : memref<10000x128xf32, #tpu.memory_space<hbm>> -> memref<128x128xf32, #tpu.memory_space<hbm>>
      %dma_wait3A_680 = arith.constant 0 : i32
      %dma_wait3A_681 = arith.constant 0 : i32
      %dma_wait3A_682 = tpu.memref_slice %arg9[%dma_wait3A_672, %dma_wait3A_680, %dma_wait3A_681] : memref<2x128x128xf32, #tpu.memory_space<vmem>> -> memref<1x128x128xf32, #tpu.memory_space<vmem>>
      %dma_wait3A_683 = tpu.memref_squeeze %dma_wait3A_682 : memref<1x128x128xf32, #tpu.memory_space<vmem>> -> memref<128x128xf32, #tpu.memory_space<vmem>>
      %dma_wait3A_684 = arith.constant 0 : i32
      %dma_wait3A_685 = arith.constant 0 : i32
      %dma_wait3A_686 = tpu.memref_slice %arg3[%dma_wait3A_684, %dma_wait3A_685] : memref<10000x128xf32, #tpu.memory_space<hbm>> -> memref<128x128xf32, #tpu.memory_space<hbm>>
      tpu.wait_dma2 semaphore(%arg16 : memref<!tpu.dma_semaphore, #tpu.memory_space<semaphore_mem>>) src(%dma_wait3A_686 : memref<128x128xf32, #tpu.memory_space<hbm>>) dst(%dma_wait3A_683 : memref<128x128xf32, #tpu.memory_space<vmem>>)
      %dma_start3A_687 = arith.constant 1 : i32
      %dma_start3A_688 = arith.constant 3 : i32
      %dma_start3A_689 = arith.constant 1 : i32
      %dma_start3A_690 = arith.constant 0 : i32
      %dma_start3A_691 = arith.constant 0 : i32
      %dma_start3A_692 = tpu.memref_slice %arg9[%dma_start3A_687, %dma_start3A_690, %dma_start3A_691] : memref<2x128x128xf32, #tpu.memory_space<vmem>> -> memref<1x128x128xf32, #tpu.memory_space<vmem>>
      %dma_start3A_693 = tpu.memref_squeeze %dma_start3A_692 : memref<1x128x128xf32, #tpu.memory_space<vmem>> -> memref<128x128xf32, #tpu.memory_space<vmem>>
      %dma_start3A_694 = arith.constant 0 : i32
      %dma_start3A_695 = tpu.memref_slice %arg8[%dma_start3A_688, %dma_start3A_689, %dma_start3A_694] : memref<4x2x128xi32, #tpu.memory_space<vmem>> -> memref<1x1x128xi32, #tpu.memory_space<vmem>>
      %dma_start3A_696 = tpu.memref_squeeze %dma_start3A_695 : memref<1x1x128xi32, #tpu.memory_space<vmem>> -> memref<128xi32, #tpu.memory_space<vmem>>
      %dma_start3A_697 = arith.constant 0 : i32
      %dma_start3A_698 = arith.constant 0 : i32
      %dma_start3A_699 = tpu.memref_slice %arg10[%dma_start3A_697, %dma_start3A_698] : memref<10112x128xf32, #tpu.memory_space<vmem_shared>> -> memref<10112x128xf32, #tpu.memory_space<vmem_shared>>
      tpu.enqueue_indirect_dma source(%dma_start3A_693 : memref<128x128xf32, #tpu.memory_space<vmem>>) target(%dma_start3A_699 : memref<10112x128xf32, #tpu.memory_space<vmem_shared>>) offsets(%dma_start3A_696 : memref<128xi32, #tpu.memory_space<vmem>>) semaphore(%arg18 : memref<!tpu.dma_semaphore, #tpu.memory_space<semaphore_mem>>) {add = true}
      %mul3A_700 = arith.constant 4 : i32
      %mul3A_701 = arith.muli %scan3A_393, %mul3A_700 : i32
      %add3A_702 = arith.constant 1 : i32
      %add3A_703 = arith.addi %add3A_702, %mul3A_701 : i32
      %add3A_704 = arith.constant 3 : i32
      %add3A_705 = arith.addi %add3A_703, %add3A_704 : i32
      %add3A_706 = arith.constant 2 : i32
      %add3A_707 = arith.addi %add3A_705, %add3A_706 : i32
      %mul3A_708 = arith.constant 80 : i32
      %mul3A_709 = arith.muli %add3A, %mul3A_708 : i32
      %add3A_710 = arith.addi %mul3A_709, %add3A_707 : i32
      %dma_start3A_711 = arith.constant 2 : i32
      %dma_start3A_712 = arith.constant 0 : i32
      %dma_start3A_713 = arith.constant 0 : i32
      %dma_start3A_714 = tpu.memref_slice %arg8[%dma_start3A_711, %dma_start3A_712, %dma_start3A_713] : memref<4x2x128xi32, #tpu.memory_space<vmem>> -> memref<1x2x128xi32, #tpu.memory_space<vmem>>
      %dma_start3A_715 = tpu.memref_squeeze %dma_start3A_714 : memref<1x2x128xi32, #tpu.memory_space<vmem>> -> memref<2x128xi32, #tpu.memory_space<vmem>>
      %dma_start3A_716 = arith.constant 0 : i32
      %dma_start3A_717 = arith.constant 0 : i32
      %dma_start3A_718 = tpu.memref_slice %arg2[%add3A_710, %dma_start3A_716, %dma_start3A_717] : memref<2560x2x128xi32, #tpu.memory_space<hbm>> -> memref<1x2x128xi32, #tpu.memory_space<hbm>>
      %dma_start3A_719 = tpu.memref_squeeze %dma_start3A_718 : memref<1x2x128xi32, #tpu.memory_space<hbm>> -> memref<2x128xi32, #tpu.memory_space<hbm>>
      %dma_start3A_720 = arith.constant 0 : i32
      %dma_start3A_721 = arith.constant 0 : i32
      %dma_start3A_722 = tpu.memref_slice %arg8[%dma_start3A_711, %dma_start3A_720, %dma_start3A_721] : memref<4x2x128xi32, #tpu.memory_space<vmem>> -> memref<1x2x128xi32, #tpu.memory_space<vmem>>
      %dma_start3A_723 = tpu.memref_squeeze %dma_start3A_722 : memref<1x2x128xi32, #tpu.memory_space<vmem>> -> memref<2x128xi32, #tpu.memory_space<vmem>>
      %dma_start3A_724 = arith.constant 0 : i32
      %dma_start3A_725 = arith.constant 0 : i32
      %dma_start3A_726 = tpu.memref_slice %arg2[%add3A_710, %dma_start3A_724, %dma_start3A_725] : memref<2560x2x128xi32, #tpu.memory_space<hbm>> -> memref<1x2x128xi32, #tpu.memory_space<hbm>>
      %dma_start3A_727 = tpu.memref_squeeze %dma_start3A_726 : memref<1x2x128xi32, #tpu.memory_space<hbm>> -> memref<2x128xi32, #tpu.memory_space<hbm>>
      tpu.enqueue_dma source(%dma_start3A_727 : memref<2x128xi32, #tpu.memory_space<hbm>>) target(%dma_start3A_723 : memref<2x128xi32, #tpu.memory_space<vmem>>) target_semaphore(%arg13 : memref<!tpu.dma_semaphore, #tpu.memory_space<semaphore_mem>>)
      %dma_wait3A_728 = arith.constant 0 : i32
      %dma_wait3A_729 = arith.constant 0 : i32
      %dma_wait3A_730 = arith.constant 0 : i32
      %dma_wait3A_731 = tpu.memref_slice %arg9[%dma_wait3A_728, %dma_wait3A_729, %dma_wait3A_730] : memref<2x128x128xf32, #tpu.memory_space<vmem>> -> memref<1x128x128xf32, #tpu.memory_space<vmem>>
      %dma_wait3A_732 = tpu.memref_squeeze %dma_wait3A_731 : memref<1x128x128xf32, #tpu.memory_space<vmem>> -> memref<128x128xf32, #tpu.memory_space<vmem>>
      %dma_wait3A_733 = arith.constant 0 : i32
      %dma_wait3A_734 = arith.constant 0 : i32
      %dma_wait3A_735 = tpu.memref_slice %arg3[%dma_wait3A_733, %dma_wait3A_734] : memref<10000x128xf32, #tpu.memory_space<hbm>> -> memref<128x128xf32, #tpu.memory_space<hbm>>
      %dma_wait3A_736 = arith.constant 0 : i32
      %dma_wait3A_737 = arith.constant 0 : i32
      %dma_wait3A_738 = tpu.memref_slice %arg9[%dma_wait3A_728, %dma_wait3A_736, %dma_wait3A_737] : memref<2x128x128xf32, #tpu.memory_space<vmem>> -> memref<1x128x128xf32, #tpu.memory_space<vmem>>
      %dma_wait3A_739 = tpu.memref_squeeze %dma_wait3A_738 : memref<1x128x128xf32, #tpu.memory_space<vmem>> -> memref<128x128xf32, #tpu.memory_space<vmem>>
      %dma_wait3A_740 = arith.constant 0 : i32
      %dma_wait3A_741 = arith.constant 0 : i32
      %dma_wait3A_742 = tpu.memref_slice %arg3[%dma_wait3A_740, %dma_wait3A_741] : memref<10000x128xf32, #tpu.memory_space<hbm>> -> memref<128x128xf32, #tpu.memory_space<hbm>>
      tpu.wait_dma2 semaphore(%arg18 : memref<!tpu.dma_semaphore, #tpu.memory_space<semaphore_mem>>) src(%dma_wait3A_742 : memref<128x128xf32, #tpu.memory_space<hbm>>) dst(%dma_wait3A_739 : memref<128x128xf32, #tpu.memory_space<vmem>>)
      %dma_wait3A_743 = arith.constant 0 : i32
      %dma_wait3A_744 = arith.constant 0 : i32
      %dma_wait3A_745 = arith.constant 0 : i32
      %dma_wait3A_746 = arith.constant 0 : i32
      %dma_wait3A_747 = tpu.memref_slice %arg8[%dma_wait3A_744, %dma_wait3A_745, %dma_wait3A_746] : memref<4x2x128xi32, #tpu.memory_space<vmem>> -> memref<1x2x128xi32, #tpu.memory_space<vmem>>
      %dma_wait3A_748 = tpu.memref_squeeze %dma_wait3A_747 : memref<1x2x128xi32, #tpu.memory_space<vmem>> -> memref<2x128xi32, #tpu.memory_space<vmem>>
      %dma_wait3A_749 = arith.constant 0 : i32
      %dma_wait3A_750 = arith.constant 0 : i32
      %dma_wait3A_751 = tpu.memref_slice %arg2[%dma_wait3A_743, %dma_wait3A_749, %dma_wait3A_750] : memref<2560x2x128xi32, #tpu.memory_space<hbm>> -> memref<1x2x128xi32, #tpu.memory_space<hbm>>
      %dma_wait3A_752 = tpu.memref_squeeze %dma_wait3A_751 : memref<1x2x128xi32, #tpu.memory_space<hbm>> -> memref<2x128xi32, #tpu.memory_space<hbm>>
      %dma_wait3A_753 = arith.constant 0 : i32
      %dma_wait3A_754 = arith.constant 0 : i32
      %dma_wait3A_755 = tpu.memref_slice %arg8[%dma_wait3A_744, %dma_wait3A_753, %dma_wait3A_754] : memref<4x2x128xi32, #tpu.memory_space<vmem>> -> memref<1x2x128xi32, #tpu.memory_space<vmem>>
      %dma_wait3A_756 = tpu.memref_squeeze %dma_wait3A_755 : memref<1x2x128xi32, #tpu.memory_space<vmem>> -> memref<2x128xi32, #tpu.memory_space<vmem>>
      %dma_wait3A_757 = arith.constant 0 : i32
      %dma_wait3A_758 = arith.constant 0 : i32
      %dma_wait3A_759 = tpu.memref_slice %arg2[%dma_wait3A_743, %dma_wait3A_757, %dma_wait3A_758] : memref<2560x2x128xi32, #tpu.memory_space<hbm>> -> memref<1x2x128xi32, #tpu.memory_space<hbm>>
      %dma_wait3A_760 = tpu.memref_squeeze %dma_wait3A_759 : memref<1x2x128xi32, #tpu.memory_space<hbm>> -> memref<2x128xi32, #tpu.memory_space<hbm>>
      tpu.wait_dma2 semaphore(%arg12 : memref<!tpu.dma_semaphore, #tpu.memory_space<semaphore_mem>>) src(%dma_wait3A_760 : memref<2x128xi32, #tpu.memory_space<hbm>>) dst(%dma_wait3A_756 : memref<2x128xi32, #tpu.memory_space<vmem>>)
      %dma_start3A_761 = arith.constant 1 : i32
      %dma_start3A_762 = arith.constant 0 : i32
      %dma_start3A_763 = arith.constant 1 : i32
      %dma_start3A_764 = arith.constant 0 : i32
      %dma_start3A_765 = arith.constant 0 : i32
      %dma_start3A_766 = tpu.memref_slice %arg9[%dma_start3A_763, %dma_start3A_764, %dma_start3A_765] : memref<2x128x128xf32, #tpu.memory_space<vmem>> -> memref<1x128x128xf32, #tpu.memory_space<vmem>>
      %dma_start3A_767 = tpu.memref_squeeze %dma_start3A_766 : memref<1x128x128xf32, #tpu.memory_space<vmem>> -> memref<128x128xf32, #tpu.memory_space<vmem>>
      %dma_start3A_768 = arith.constant 0 : i32
      %dma_start3A_769 = tpu.memref_slice %arg8[%dma_start3A_761, %dma_start3A_762, %dma_start3A_768] : memref<4x2x128xi32, #tpu.memory_space<vmem>> -> memref<1x1x128xi32, #tpu.memory_space<vmem>>
      %dma_start3A_770 = tpu.memref_squeeze %dma_start3A_769 : memref<1x1x128xi32, #tpu.memory_space<vmem>> -> memref<128xi32, #tpu.memory_space<vmem>>
      %dma_start3A_771 = arith.constant 0 : i32
      %dma_start3A_772 = arith.constant 0 : i32
      %dma_start3A_773 = tpu.memref_slice %arg3[%dma_start3A_771, %dma_start3A_772] : memref<10000x128xf32, #tpu.memory_space<hbm>> -> memref<10000x128xf32, #tpu.memory_space<hbm>>
      tpu.enqueue_indirect_dma source(%dma_start3A_773 : memref<10000x128xf32, #tpu.memory_space<hbm>>) target(%dma_start3A_767 : memref<128x128xf32, #tpu.memory_space<vmem>>) offsets(%dma_start3A_770 : memref<128xi32, #tpu.memory_space<vmem>>) semaphore(%arg16 : memref<!tpu.dma_semaphore, #tpu.memory_space<semaphore_mem>>)
      %dma_wait3A_774 = arith.constant 0 : i32
      %dma_wait3A_775 = arith.constant 0 : i32
      %dma_wait3A_776 = arith.constant 0 : i32
      %dma_wait3A_777 = tpu.memref_slice %arg9[%dma_wait3A_774, %dma_wait3A_775, %dma_wait3A_776] : memref<2x128x128xf32, #tpu.memory_space<vmem>> -> memref<1x128x128xf32, #tpu.memory_space<vmem>>
      %dma_wait3A_778 = tpu.memref_squeeze %dma_wait3A_777 : memref<1x128x128xf32, #tpu.memory_space<vmem>> -> memref<128x128xf32, #tpu.memory_space<vmem>>
      %dma_wait3A_779 = arith.constant 0 : i32
      %dma_wait3A_780 = arith.constant 0 : i32
      %dma_wait3A_781 = tpu.memref_slice %arg3[%dma_wait3A_779, %dma_wait3A_780] : memref<10000x128xf32, #tpu.memory_space<hbm>> -> memref<128x128xf32, #tpu.memory_space<hbm>>
      %dma_wait3A_782 = arith.constant 0 : i32
      %dma_wait3A_783 = arith.constant 0 : i32
      %dma_wait3A_784 = tpu.memref_slice %arg9[%dma_wait3A_774, %dma_wait3A_782, %dma_wait3A_783] : memref<2x128x128xf32, #tpu.memory_space<vmem>> -> memref<1x128x128xf32, #tpu.memory_space<vmem>>
      %dma_wait3A_785 = tpu.memref_squeeze %dma_wait3A_784 : memref<1x128x128xf32, #tpu.memory_space<vmem>> -> memref<128x128xf32, #tpu.memory_space<vmem>>
      %dma_wait3A_786 = arith.constant 0 : i32
      %dma_wait3A_787 = arith.constant 0 : i32
      %dma_wait3A_788 = tpu.memref_slice %arg3[%dma_wait3A_786, %dma_wait3A_787] : memref<10000x128xf32, #tpu.memory_space<hbm>> -> memref<128x128xf32, #tpu.memory_space<hbm>>
      tpu.wait_dma2 semaphore(%arg15 : memref<!tpu.dma_semaphore, #tpu.memory_space<semaphore_mem>>) src(%dma_wait3A_788 : memref<128x128xf32, #tpu.memory_space<hbm>>) dst(%dma_wait3A_785 : memref<128x128xf32, #tpu.memory_space<vmem>>)
      %dma_start3A_789 = arith.constant 0 : i32
      %dma_start3A_790 = arith.constant 0 : i32
      %dma_start3A_791 = arith.constant 1 : i32
      %dma_start3A_792 = arith.constant 0 : i32
      %dma_start3A_793 = arith.constant 0 : i32
      %dma_start3A_794 = tpu.memref_slice %arg9[%dma_start3A_789, %dma_start3A_792, %dma_start3A_793] : memref<2x128x128xf32, #tpu.memory_space<vmem>> -> memref<1x128x128xf32, #tpu.memory_space<vmem>>
      %dma_start3A_795 = tpu.memref_squeeze %dma_start3A_794 : memref<1x128x128xf32, #tpu.memory_space<vmem>> -> memref<128x128xf32, #tpu.memory_space<vmem>>
      %dma_start3A_796 = arith.constant 0 : i32
      %dma_start3A_797 = tpu.memref_slice %arg8[%dma_start3A_790, %dma_start3A_791, %dma_start3A_796] : memref<4x2x128xi32, #tpu.memory_space<vmem>> -> memref<1x1x128xi32, #tpu.memory_space<vmem>>
      %dma_start3A_798 = tpu.memref_squeeze %dma_start3A_797 : memref<1x1x128xi32, #tpu.memory_space<vmem>> -> memref<128xi32, #tpu.memory_space<vmem>>
      %dma_start3A_799 = arith.constant 0 : i32
      %dma_start3A_800 = arith.constant 0 : i32
      %dma_start3A_801 = tpu.memref_slice %arg10[%dma_start3A_799, %dma_start3A_800] : memref<10112x128xf32, #tpu.memory_space<vmem_shared>> -> memref<10112x128xf32, #tpu.memory_space<vmem_shared>>
      tpu.enqueue_indirect_dma source(%dma_start3A_795 : memref<128x128xf32, #tpu.memory_space<vmem>>) target(%dma_start3A_801 : memref<10112x128xf32, #tpu.memory_space<vmem_shared>>) offsets(%dma_start3A_798 : memref<128xi32, #tpu.memory_space<vmem>>) semaphore(%arg17 : memref<!tpu.dma_semaphore, #tpu.memory_space<semaphore_mem>>) {add = true}
    }
    %scan3A_158 = arith.constant 19 : i32
    %mul3A_159 = arith.constant 80 : i32
    %mul3A_160 = arith.muli %add3A, %mul3A_159 : i32
    %add3A_161 = arith.constant 79 : i32
    %add3A_162 = arith.addi %mul3A_160, %add3A_161 : i32
    %dma_start3A_163 = arith.constant 3 : i32
    %dma_start3A_164 = arith.constant 0 : i32
    %dma_start3A_165 = arith.constant 0 : i32
    %dma_start3A_166 = tpu.memref_slice %arg8[%dma_start3A_163, %dma_start3A_164, %dma_start3A_165] : memref<4x2x128xi32, #tpu.memory_space<vmem>> -> memref<1x2x128xi32, #tpu.memory_space<vmem>>
    %dma_start3A_167 = tpu.memref_squeeze %dma_start3A_166 : memref<1x2x128xi32, #tpu.memory_space<vmem>> -> memref<2x128xi32, #tpu.memory_space<vmem>>
    %dma_start3A_168 = arith.constant 0 : i32
    %dma_start3A_169 = arith.constant 0 : i32
    %dma_start3A_170 = tpu.memref_slice %arg2[%add3A_162, %dma_start3A_168, %dma_start3A_169] : memref<2560x2x128xi32, #tpu.memory_space<hbm>> -> memref<1x2x128xi32, #tpu.memory_space<hbm>>
    %dma_start3A_171 = tpu.memref_squeeze %dma_start3A_170 : memref<1x2x128xi32, #tpu.memory_space<hbm>> -> memref<2x128xi32, #tpu.memory_space<hbm>>
    %dma_start3A_172 = arith.constant 0 : i32
    %dma_start3A_173 = arith.constant 0 : i32
    %dma_start3A_174 = tpu.memref_slice %arg8[%dma_start3A_163, %dma_start3A_172, %dma_start3A_173] : memref<4x2x128xi32, #tpu.memory_space<vmem>> -> memref<1x2x128xi32, #tpu.memory_space<vmem>>
    %dma_start3A_175 = tpu.memref_squeeze %dma_start3A_174 : memref<1x2x128xi32, #tpu.memory_space<vmem>> -> memref<2x128xi32, #tpu.memory_space<vmem>>
    %dma_start3A_176 = arith.constant 0 : i32
    %dma_start3A_177 = arith.constant 0 : i32
    %dma_start3A_178 = tpu.memref_slice %arg2[%add3A_162, %dma_start3A_176, %dma_start3A_177] : memref<2560x2x128xi32, #tpu.memory_space<hbm>> -> memref<1x2x128xi32, #tpu.memory_space<hbm>>
    %dma_start3A_179 = tpu.memref_squeeze %dma_start3A_178 : memref<1x2x128xi32, #tpu.memory_space<hbm>> -> memref<2x128xi32, #tpu.memory_space<hbm>>
    tpu.enqueue_dma source(%dma_start3A_179 : memref<2x128xi32, #tpu.memory_space<hbm>>) target(%dma_start3A_175 : memref<2x128xi32, #tpu.memory_space<vmem>>) target_semaphore(%arg14 : memref<!tpu.dma_semaphore, #tpu.memory_space<semaphore_mem>>)
    %dma_wait3A_180 = arith.constant 0 : i32
    %dma_wait3A_181 = arith.constant 0 : i32
    %dma_wait3A_182 = arith.constant 0 : i32
    %dma_wait3A_183 = tpu.memref_slice %arg9[%dma_wait3A_180, %dma_wait3A_181, %dma_wait3A_182] : memref<2x128x128xf32, #tpu.memory_space<vmem>> -> memref<1x128x128xf32, #tpu.memory_space<vmem>>
    %dma_wait3A_184 = tpu.memref_squeeze %dma_wait3A_183 : memref<1x128x128xf32, #tpu.memory_space<vmem>> -> memref<128x128xf32, #tpu.memory_space<vmem>>
    %dma_wait3A_185 = arith.constant 0 : i32
    %dma_wait3A_186 = arith.constant 0 : i32
    %dma_wait3A_187 = tpu.memref_slice %arg3[%dma_wait3A_185, %dma_wait3A_186] : memref<10000x128xf32, #tpu.memory_space<hbm>> -> memref<128x128xf32, #tpu.memory_space<hbm>>
    %dma_wait3A_188 = arith.constant 0 : i32
    %dma_wait3A_189 = arith.constant 0 : i32
    %dma_wait3A_190 = tpu.memref_slice %arg9[%dma_wait3A_180, %dma_wait3A_188, %dma_wait3A_189] : memref<2x128x128xf32, #tpu.memory_space<vmem>> -> memref<1x128x128xf32, #tpu.memory_space<vmem>>
    %dma_wait3A_191 = tpu.memref_squeeze %dma_wait3A_190 : memref<1x128x128xf32, #tpu.memory_space<vmem>> -> memref<128x128xf32, #tpu.memory_space<vmem>>
    %dma_wait3A_192 = arith.constant 0 : i32
    %dma_wait3A_193 = arith.constant 0 : i32
    %dma_wait3A_194 = tpu.memref_slice %arg3[%dma_wait3A_192, %dma_wait3A_193] : memref<10000x128xf32, #tpu.memory_space<hbm>> -> memref<128x128xf32, #tpu.memory_space<hbm>>
    tpu.wait_dma2 semaphore(%arg17 : memref<!tpu.dma_semaphore, #tpu.memory_space<semaphore_mem>>) src(%dma_wait3A_194 : memref<128x128xf32, #tpu.memory_space<hbm>>) dst(%dma_wait3A_191 : memref<128x128xf32, #tpu.memory_space<vmem>>)
    %dma_wait3A_195 = arith.constant 0 : i32
    %dma_wait3A_196 = arith.constant 0 : i32
    %dma_wait3A_197 = arith.constant 0 : i32
    %dma_wait3A_198 = arith.constant 0 : i32
    %dma_wait3A_199 = tpu.memref_slice %arg8[%dma_wait3A_196, %dma_wait3A_197, %dma_wait3A_198] : memref<4x2x128xi32, #tpu.memory_space<vmem>> -> memref<1x2x128xi32, #tpu.memory_space<vmem>>
    %dma_wait3A_200 = tpu.memref_squeeze %dma_wait3A_199 : memref<1x2x128xi32, #tpu.memory_space<vmem>> -> memref<2x128xi32, #tpu.memory_space<vmem>>
    %dma_wait3A_201 = arith.constant 0 : i32
    %dma_wait3A_202 = arith.constant 0 : i32
    %dma_wait3A_203 = tpu.memref_slice %arg2[%dma_wait3A_195, %dma_wait3A_201, %dma_wait3A_202] : memref<2560x2x128xi32, #tpu.memory_space<hbm>> -> memref<1x2x128xi32, #tpu.memory_space<hbm>>
    %dma_wait3A_204 = tpu.memref_squeeze %dma_wait3A_203 : memref<1x2x128xi32, #tpu.memory_space<hbm>> -> memref<2x128xi32, #tpu.memory_space<hbm>>
    %dma_wait3A_205 = arith.constant 0 : i32
    %dma_wait3A_206 = arith.constant 0 : i32
    %dma_wait3A_207 = tpu.memref_slice %arg8[%dma_wait3A_196, %dma_wait3A_205, %dma_wait3A_206] : memref<4x2x128xi32, #tpu.memory_space<vmem>> -> memref<1x2x128xi32, #tpu.memory_space<vmem>>
    %dma_wait3A_208 = tpu.memref_squeeze %dma_wait3A_207 : memref<1x2x128xi32, #tpu.memory_space<vmem>> -> memref<2x128xi32, #tpu.memory_space<vmem>>
    %dma_wait3A_209 = arith.constant 0 : i32
    %dma_wait3A_210 = arith.constant 0 : i32
    %dma_wait3A_211 = tpu.memref_slice %arg2[%dma_wait3A_195, %dma_wait3A_209, %dma_wait3A_210] : memref<2560x2x128xi32, #tpu.memory_space<hbm>> -> memref<1x2x128xi32, #tpu.memory_space<hbm>>
    %dma_wait3A_212 = tpu.memref_squeeze %dma_wait3A_211 : memref<1x2x128xi32, #tpu.memory_space<hbm>> -> memref<2x128xi32, #tpu.memory_space<hbm>>
    tpu.wait_dma2 semaphore(%arg13 : memref<!tpu.dma_semaphore, #tpu.memory_space<semaphore_mem>>) src(%dma_wait3A_212 : memref<2x128xi32, #tpu.memory_space<hbm>>) dst(%dma_wait3A_208 : memref<2x128xi32, #tpu.memory_space<vmem>>)
    %dma_start3A_213 = arith.constant 2 : i32
    %dma_start3A_214 = arith.constant 0 : i32
    %dma_start3A_215 = arith.constant 0 : i32
    %dma_start3A_216 = arith.constant 0 : i32
    %dma_start3A_217 = arith.constant 0 : i32
    %dma_start3A_218 = tpu.memref_slice %arg9[%dma_start3A_215, %dma_start3A_216, %dma_start3A_217] : memref<2x128x128xf32, #tpu.memory_space<vmem>> -> memref<1x128x128xf32, #tpu.memory_space<vmem>>
    %dma_start3A_219 = tpu.memref_squeeze %dma_start3A_218 : memref<1x128x128xf32, #tpu.memory_space<vmem>> -> memref<128x128xf32, #tpu.memory_space<vmem>>
    %dma_start3A_220 = arith.constant 0 : i32
    %dma_start3A_221 = tpu.memref_slice %arg8[%dma_start3A_213, %dma_start3A_214, %dma_start3A_220] : memref<4x2x128xi32, #tpu.memory_space<vmem>> -> memref<1x1x128xi32, #tpu.memory_space<vmem>>
    %dma_start3A_222 = tpu.memref_squeeze %dma_start3A_221 : memref<1x1x128xi32, #tpu.memory_space<vmem>> -> memref<128xi32, #tpu.memory_space<vmem>>
    %dma_start3A_223 = arith.constant 0 : i32
    %dma_start3A_224 = arith.constant 0 : i32
    %dma_start3A_225 = tpu.memref_slice %arg3[%dma_start3A_223, %dma_start3A_224] : memref<10000x128xf32, #tpu.memory_space<hbm>> -> memref<10000x128xf32, #tpu.memory_space<hbm>>
    tpu.enqueue_indirect_dma source(%dma_start3A_225 : memref<10000x128xf32, #tpu.memory_space<hbm>>) target(%dma_start3A_219 : memref<128x128xf32, #tpu.memory_space<vmem>>) offsets(%dma_start3A_222 : memref<128xi32, #tpu.memory_space<vmem>>) semaphore(%arg15 : memref<!tpu.dma_semaphore, #tpu.memory_space<semaphore_mem>>)
    %dma_wait3A_226 = arith.constant 0 : i32
    %dma_wait3A_227 = arith.constant 0 : i32
    %dma_wait3A_228 = arith.constant 0 : i32
    %dma_wait3A_229 = tpu.memref_slice %arg9[%dma_wait3A_226, %dma_wait3A_227, %dma_wait3A_228] : memref<2x128x128xf32, #tpu.memory_space<vmem>> -> memref<1x128x128xf32, #tpu.memory_space<vmem>>
    %dma_wait3A_230 = tpu.memref_squeeze %dma_wait3A_229 : memref<1x128x128xf32, #tpu.memory_space<vmem>> -> memref<128x128xf32, #tpu.memory_space<vmem>>
    %dma_wait3A_231 = arith.constant 0 : i32
    %dma_wait3A_232 = arith.constant 0 : i32
    %dma_wait3A_233 = tpu.memref_slice %arg3[%dma_wait3A_231, %dma_wait3A_232] : memref<10000x128xf32, #tpu.memory_space<hbm>> -> memref<128x128xf32, #tpu.memory_space<hbm>>
    %dma_wait3A_234 = arith.constant 0 : i32
    %dma_wait3A_235 = arith.constant 0 : i32
    %dma_wait3A_236 = tpu.memref_slice %arg9[%dma_wait3A_226, %dma_wait3A_234, %dma_wait3A_235] : memref<2x128x128xf32, #tpu.memory_space<vmem>> -> memref<1x128x128xf32, #tpu.memory_space<vmem>>
    %dma_wait3A_237 = tpu.memref_squeeze %dma_wait3A_236 : memref<1x128x128xf32, #tpu.memory_space<vmem>> -> memref<128x128xf32, #tpu.memory_space<vmem>>
    %dma_wait3A_238 = arith.constant 0 : i32
    %dma_wait3A_239 = arith.constant 0 : i32
    %dma_wait3A_240 = tpu.memref_slice %arg3[%dma_wait3A_238, %dma_wait3A_239] : memref<10000x128xf32, #tpu.memory_space<hbm>> -> memref<128x128xf32, #tpu.memory_space<hbm>>
    tpu.wait_dma2 semaphore(%arg16 : memref<!tpu.dma_semaphore, #tpu.memory_space<semaphore_mem>>) src(%dma_wait3A_240 : memref<128x128xf32, #tpu.memory_space<hbm>>) dst(%dma_wait3A_237 : memref<128x128xf32, #tpu.memory_space<vmem>>)
    %dma_start3A_241 = arith.constant 1 : i32
    %dma_start3A_242 = arith.constant 1 : i32
    %dma_start3A_243 = arith.constant 1 : i32
    %dma_start3A_244 = arith.constant 0 : i32
    %dma_start3A_245 = arith.constant 0 : i32
    %dma_start3A_246 = tpu.memref_slice %arg9[%dma_start3A_241, %dma_start3A_244, %dma_start3A_245] : memref<2x128x128xf32, #tpu.memory_space<vmem>> -> memref<1x128x128xf32, #tpu.memory_space<vmem>>
    %dma_start3A_247 = tpu.memref_squeeze %dma_start3A_246 : memref<1x128x128xf32, #tpu.memory_space<vmem>> -> memref<128x128xf32, #tpu.memory_space<vmem>>
    %dma_start3A_248 = arith.constant 0 : i32
    %dma_start3A_249 = tpu.memref_slice %arg8[%dma_start3A_242, %dma_start3A_243, %dma_start3A_248] : memref<4x2x128xi32, #tpu.memory_space<vmem>> -> memref<1x1x128xi32, #tpu.memory_space<vmem>>
    %dma_start3A_250 = tpu.memref_squeeze %dma_start3A_249 : memref<1x1x128xi32, #tpu.memory_space<vmem>> -> memref<128xi32, #tpu.memory_space<vmem>>
    %dma_start3A_251 = arith.constant 0 : i32
    %dma_start3A_252 = arith.constant 0 : i32
    %dma_start3A_253 = tpu.memref_slice %arg10[%dma_start3A_251, %dma_start3A_252] : memref<10112x128xf32, #tpu.memory_space<vmem_shared>> -> memref<10112x128xf32, #tpu.memory_space<vmem_shared>>
    tpu.enqueue_indirect_dma source(%dma_start3A_247 : memref<128x128xf32, #tpu.memory_space<vmem>>) target(%dma_start3A_253 : memref<10112x128xf32, #tpu.memory_space<vmem_shared>>) offsets(%dma_start3A_250 : memref<128xi32, #tpu.memory_space<vmem>>) semaphore(%arg18 : memref<!tpu.dma_semaphore, #tpu.memory_space<semaphore_mem>>) {add = true}
    %dma_wait3A_254 = arith.constant 0 : i32
    %dma_wait3A_255 = arith.constant 0 : i32
    %dma_wait3A_256 = arith.constant 0 : i32
    %dma_wait3A_257 = tpu.memref_slice %arg9[%dma_wait3A_254, %dma_wait3A_255, %dma_wait3A_256] : memref<2x128x128xf32, #tpu.memory_space<vmem>> -> memref<1x128x128xf32, #tpu.memory_space<vmem>>
    %dma_wait3A_258 = tpu.memref_squeeze %dma_wait3A_257 : memref<1x128x128xf32, #tpu.memory_space<vmem>> -> memref<128x128xf32, #tpu.memory_space<vmem>>
    %dma_wait3A_259 = arith.constant 0 : i32
    %dma_wait3A_260 = arith.constant 0 : i32
    %dma_wait3A_261 = tpu.memref_slice %arg3[%dma_wait3A_259, %dma_wait3A_260] : memref<10000x128xf32, #tpu.memory_space<hbm>> -> memref<128x128xf32, #tpu.memory_space<hbm>>
    %dma_wait3A_262 = arith.constant 0 : i32
    %dma_wait3A_263 = arith.constant 0 : i32
    %dma_wait3A_264 = tpu.memref_slice %arg9[%dma_wait3A_254, %dma_wait3A_262, %dma_wait3A_263] : memref<2x128x128xf32, #tpu.memory_space<vmem>> -> memref<1x128x128xf32, #tpu.memory_space<vmem>>
    %dma_wait3A_265 = tpu.memref_squeeze %dma_wait3A_264 : memref<1x128x128xf32, #tpu.memory_space<vmem>> -> memref<128x128xf32, #tpu.memory_space<vmem>>
    %dma_wait3A_266 = arith.constant 0 : i32
    %dma_wait3A_267 = arith.constant 0 : i32
    %dma_wait3A_268 = tpu.memref_slice %arg3[%dma_wait3A_266, %dma_wait3A_267] : memref<10000x128xf32, #tpu.memory_space<hbm>> -> memref<128x128xf32, #tpu.memory_space<hbm>>
    tpu.wait_dma2 semaphore(%arg18 : memref<!tpu.dma_semaphore, #tpu.memory_space<semaphore_mem>>) src(%dma_wait3A_268 : memref<128x128xf32, #tpu.memory_space<hbm>>) dst(%dma_wait3A_265 : memref<128x128xf32, #tpu.memory_space<vmem>>)
    %dma_wait3A_269 = arith.constant 0 : i32
    %dma_wait3A_270 = arith.constant 0 : i32
    %dma_wait3A_271 = arith.constant 0 : i32
    %dma_wait3A_272 = arith.constant 0 : i32
    %dma_wait3A_273 = tpu.memref_slice %arg8[%dma_wait3A_270, %dma_wait3A_271, %dma_wait3A_272] : memref<4x2x128xi32, #tpu.memory_space<vmem>> -> memref<1x2x128xi32, #tpu.memory_space<vmem>>
    %dma_wait3A_274 = tpu.memref_squeeze %dma_wait3A_273 : memref<1x2x128xi32, #tpu.memory_space<vmem>> -> memref<2x128xi32, #tpu.memory_space<vmem>>
    %dma_wait3A_275 = arith.constant 0 : i32
    %dma_wait3A_276 = arith.constant 0 : i32
    %dma_wait3A_277 = tpu.memref_slice %arg2[%dma_wait3A_269, %dma_wait3A_275, %dma_wait3A_276] : memref<2560x2x128xi32, #tpu.memory_space<hbm>> -> memref<1x2x128xi32, #tpu.memory_space<hbm>>
    %dma_wait3A_278 = tpu.memref_squeeze %dma_wait3A_277 : memref<1x2x128xi32, #tpu.memory_space<hbm>> -> memref<2x128xi32, #tpu.memory_space<hbm>>
    %dma_wait3A_279 = arith.constant 0 : i32
    %dma_wait3A_280 = arith.constant 0 : i32
    %dma_wait3A_281 = tpu.memref_slice %arg8[%dma_wait3A_270, %dma_wait3A_279, %dma_wait3A_280] : memref<4x2x128xi32, #tpu.memory_space<vmem>> -> memref<1x2x128xi32, #tpu.memory_space<vmem>>
    %dma_wait3A_282 = tpu.memref_squeeze %dma_wait3A_281 : memref<1x2x128xi32, #tpu.memory_space<vmem>> -> memref<2x128xi32, #tpu.memory_space<vmem>>
    %dma_wait3A_283 = arith.constant 0 : i32
    %dma_wait3A_284 = arith.constant 0 : i32
    %dma_wait3A_285 = tpu.memref_slice %arg2[%dma_wait3A_269, %dma_wait3A_283, %dma_wait3A_284] : memref<2560x2x128xi32, #tpu.memory_space<hbm>> -> memref<1x2x128xi32, #tpu.memory_space<hbm>>
    %dma_wait3A_286 = tpu.memref_squeeze %dma_wait3A_285 : memref<1x2x128xi32, #tpu.memory_space<hbm>> -> memref<2x128xi32, #tpu.memory_space<hbm>>
    tpu.wait_dma2 semaphore(%arg14 : memref<!tpu.dma_semaphore, #tpu.memory_space<semaphore_mem>>) src(%dma_wait3A_286 : memref<2x128xi32, #tpu.memory_space<hbm>>) dst(%dma_wait3A_282 : memref<2x128xi32, #tpu.memory_space<vmem>>)
    %dma_start3A_287 = arith.constant 3 : i32
    %dma_start3A_288 = arith.constant 0 : i32
    %dma_start3A_289 = arith.constant 1 : i32
    %dma_start3A_290 = arith.constant 0 : i32
    %dma_start3A_291 = arith.constant 0 : i32
    %dma_start3A_292 = tpu.memref_slice %arg9[%dma_start3A_289, %dma_start3A_290, %dma_start3A_291] : memref<2x128x128xf32, #tpu.memory_space<vmem>> -> memref<1x128x128xf32, #tpu.memory_space<vmem>>
    %dma_start3A_293 = tpu.memref_squeeze %dma_start3A_292 : memref<1x128x128xf32, #tpu.memory_space<vmem>> -> memref<128x128xf32, #tpu.memory_space<vmem>>
    %dma_start3A_294 = arith.constant 0 : i32
    %dma_start3A_295 = tpu.memref_slice %arg8[%dma_start3A_287, %dma_start3A_288, %dma_start3A_294] : memref<4x2x128xi32, #tpu.memory_space<vmem>> -> memref<1x1x128xi32, #tpu.memory_space<vmem>>
    %dma_start3A_296 = tpu.memref_squeeze %dma_start3A_295 : memref<1x1x128xi32, #tpu.memory_space<vmem>> -> memref<128xi32, #tpu.memory_space<vmem>>
    %dma_start3A_297 = arith.constant 0 : i32
    %dma_start3A_298 = arith.constant 0 : i32
    %dma_start3A_299 = tpu.memref_slice %arg3[%dma_start3A_297, %dma_start3A_298] : memref<10000x128xf32, #tpu.memory_space<hbm>> -> memref<10000x128xf32, #tpu.memory_space<hbm>>
    tpu.enqueue_indirect_dma source(%dma_start3A_299 : memref<10000x128xf32, #tpu.memory_space<hbm>>) target(%dma_start3A_293 : memref<128x128xf32, #tpu.memory_space<vmem>>) offsets(%dma_start3A_296 : memref<128xi32, #tpu.memory_space<vmem>>) semaphore(%arg16 : memref<!tpu.dma_semaphore, #tpu.memory_space<semaphore_mem>>)
    %dma_wait3A_300 = arith.constant 0 : i32
    %dma_wait3A_301 = arith.constant 0 : i32
    %dma_wait3A_302 = arith.constant 0 : i32
    %dma_wait3A_303 = tpu.memref_slice %arg9[%dma_wait3A_300, %dma_wait3A_301, %dma_wait3A_302] : memref<2x128x128xf32, #tpu.memory_space<vmem>> -> memref<1x128x128xf32, #tpu.memory_space<vmem>>
    %dma_wait3A_304 = tpu.memref_squeeze %dma_wait3A_303 : memref<1x128x128xf32, #tpu.memory_space<vmem>> -> memref<128x128xf32, #tpu.memory_space<vmem>>
    %dma_wait3A_305 = arith.constant 0 : i32
    %dma_wait3A_306 = arith.constant 0 : i32
    %dma_wait3A_307 = tpu.memref_slice %arg3[%dma_wait3A_305, %dma_wait3A_306] : memref<10000x128xf32, #tpu.memory_space<hbm>> -> memref<128x128xf32, #tpu.memory_space<hbm>>
    %dma_wait3A_308 = arith.constant 0 : i32
    %dma_wait3A_309 = arith.constant 0 : i32
    %dma_wait3A_310 = tpu.memref_slice %arg9[%dma_wait3A_300, %dma_wait3A_308, %dma_wait3A_309] : memref<2x128x128xf32, #tpu.memory_space<vmem>> -> memref<1x128x128xf32, #tpu.memory_space<vmem>>
    %dma_wait3A_311 = tpu.memref_squeeze %dma_wait3A_310 : memref<1x128x128xf32, #tpu.memory_space<vmem>> -> memref<128x128xf32, #tpu.memory_space<vmem>>
    %dma_wait3A_312 = arith.constant 0 : i32
    %dma_wait3A_313 = arith.constant 0 : i32
    %dma_wait3A_314 = tpu.memref_slice %arg3[%dma_wait3A_312, %dma_wait3A_313] : memref<10000x128xf32, #tpu.memory_space<hbm>> -> memref<128x128xf32, #tpu.memory_space<hbm>>
    tpu.wait_dma2 semaphore(%arg15 : memref<!tpu.dma_semaphore, #tpu.memory_space<semaphore_mem>>) src(%dma_wait3A_314 : memref<128x128xf32, #tpu.memory_space<hbm>>) dst(%dma_wait3A_311 : memref<128x128xf32, #tpu.memory_space<vmem>>)
    %dma_start3A_315 = arith.constant 0 : i32
    %dma_start3A_316 = arith.constant 2 : i32
    %dma_start3A_317 = arith.constant 1 : i32
    %dma_start3A_318 = arith.constant 0 : i32
    %dma_start3A_319 = arith.constant 0 : i32
    %dma_start3A_320 = tpu.memref_slice %arg9[%dma_start3A_315, %dma_start3A_318, %dma_start3A_319] : memref<2x128x128xf32, #tpu.memory_space<vmem>> -> memref<1x128x128xf32, #tpu.memory_space<vmem>>
    %dma_start3A_321 = tpu.memref_squeeze %dma_start3A_320 : memref<1x128x128xf32, #tpu.memory_space<vmem>> -> memref<128x128xf32, #tpu.memory_space<vmem>>
    %dma_start3A_322 = arith.constant 0 : i32
    %dma_start3A_323 = tpu.memref_slice %arg8[%dma_start3A_316, %dma_start3A_317, %dma_start3A_322] : memref<4x2x128xi32, #tpu.memory_space<vmem>> -> memref<1x1x128xi32, #tpu.memory_space<vmem>>
    %dma_start3A_324 = tpu.memref_squeeze %dma_start3A_323 : memref<1x1x128xi32, #tpu.memory_space<vmem>> -> memref<128xi32, #tpu.memory_space<vmem>>
    %dma_start3A_325 = arith.constant 0 : i32
    %dma_start3A_326 = arith.constant 0 : i32
    %dma_start3A_327 = tpu.memref_slice %arg10[%dma_start3A_325, %dma_start3A_326] : memref<10112x128xf32, #tpu.memory_space<vmem_shared>> -> memref<10112x128xf32, #tpu.memory_space<vmem_shared>>
    tpu.enqueue_indirect_dma source(%dma_start3A_321 : memref<128x128xf32, #tpu.memory_space<vmem>>) target(%dma_start3A_327 : memref<10112x128xf32, #tpu.memory_space<vmem_shared>>) offsets(%dma_start3A_324 : memref<128xi32, #tpu.memory_space<vmem>>) semaphore(%arg17 : memref<!tpu.dma_semaphore, #tpu.memory_space<semaphore_mem>>) {add = true}
    %dma_wait3A_328 = arith.constant 0 : i32
    %dma_wait3A_329 = arith.constant 0 : i32
    %dma_wait3A_330 = arith.constant 0 : i32
    %dma_wait3A_331 = tpu.memref_slice %arg9[%dma_wait3A_328, %dma_wait3A_329, %dma_wait3A_330] : memref<2x128x128xf32, #tpu.memory_space<vmem>> -> memref<1x128x128xf32, #tpu.memory_space<vmem>>
    %dma_wait3A_332 = tpu.memref_squeeze %dma_wait3A_331 : memref<1x128x128xf32, #tpu.memory_space<vmem>> -> memref<128x128xf32, #tpu.memory_space<vmem>>
    %dma_wait3A_333 = arith.constant 0 : i32
    %dma_wait3A_334 = arith.constant 0 : i32
    %dma_wait3A_335 = tpu.memref_slice %arg3[%dma_wait3A_333, %dma_wait3A_334] : memref<10000x128xf32, #tpu.memory_space<hbm>> -> memref<128x128xf32, #tpu.memory_space<hbm>>
    %dma_wait3A_336 = arith.constant 0 : i32
    %dma_wait3A_337 = arith.constant 0 : i32
    %dma_wait3A_338 = tpu.memref_slice %arg9[%dma_wait3A_328, %dma_wait3A_336, %dma_wait3A_337] : memref<2x128x128xf32, #tpu.memory_space<vmem>> -> memref<1x128x128xf32, #tpu.memory_space<vmem>>
    %dma_wait3A_339 = tpu.memref_squeeze %dma_wait3A_338 : memref<1x128x128xf32, #tpu.memory_space<vmem>> -> memref<128x128xf32, #tpu.memory_space<vmem>>
    %dma_wait3A_340 = arith.constant 0 : i32
    %dma_wait3A_341 = arith.constant 0 : i32
    %dma_wait3A_342 = tpu.memref_slice %arg3[%dma_wait3A_340, %dma_wait3A_341] : memref<10000x128xf32, #tpu.memory_space<hbm>> -> memref<128x128xf32, #tpu.memory_space<hbm>>
    tpu.wait_dma2 semaphore(%arg16 : memref<!tpu.dma_semaphore, #tpu.memory_space<semaphore_mem>>) src(%dma_wait3A_342 : memref<128x128xf32, #tpu.memory_space<hbm>>) dst(%dma_wait3A_339 : memref<128x128xf32, #tpu.memory_space<vmem>>)
    %dma_start3A_343 = arith.constant 1 : i32
    %dma_start3A_344 = arith.constant 3 : i32
    %dma_start3A_345 = arith.constant 1 : i32
    %dma_start3A_346 = arith.constant 0 : i32
    %dma_start3A_347 = arith.constant 0 : i32
    %dma_start3A_348 = tpu.memref_slice %arg9[%dma_start3A_343, %dma_start3A_346, %dma_start3A_347] : memref<2x128x128xf32, #tpu.memory_space<vmem>> -> memref<1x128x128xf32, #tpu.memory_space<vmem>>
    %dma_start3A_349 = tpu.memref_squeeze %dma_start3A_348 : memref<1x128x128xf32, #tpu.memory_space<vmem>> -> memref<128x128xf32, #tpu.memory_space<vmem>>
    %dma_start3A_350 = arith.constant 0 : i32
    %dma_start3A_351 = tpu.memref_slice %arg8[%dma_start3A_344, %dma_start3A_345, %dma_start3A_350] : memref<4x2x128xi32, #tpu.memory_space<vmem>> -> memref<1x1x128xi32, #tpu.memory_space<vmem>>
    %dma_start3A_352 = tpu.memref_squeeze %dma_start3A_351 : memref<1x1x128xi32, #tpu.memory_space<vmem>> -> memref<128xi32, #tpu.memory_space<vmem>>
    %dma_start3A_353 = arith.constant 0 : i32
    %dma_start3A_354 = arith.constant 0 : i32
    %dma_start3A_355 = tpu.memref_slice %arg10[%dma_start3A_353, %dma_start3A_354] : memref<10112x128xf32, #tpu.memory_space<vmem_shared>> -> memref<10112x128xf32, #tpu.memory_space<vmem_shared>>
    tpu.enqueue_indirect_dma source(%dma_start3A_349 : memref<128x128xf32, #tpu.memory_space<vmem>>) target(%dma_start3A_355 : memref<10112x128xf32, #tpu.memory_space<vmem_shared>>) offsets(%dma_start3A_352 : memref<128xi32, #tpu.memory_space<vmem>>) semaphore(%arg18 : memref<!tpu.dma_semaphore, #tpu.memory_space<semaphore_mem>>) {add = true}
    %dma_wait3A_356 = arith.constant 0 : i32
    %dma_wait3A_357 = arith.constant 0 : i32
    %dma_wait3A_358 = arith.constant 0 : i32
    %dma_wait3A_359 = tpu.memref_slice %arg9[%dma_wait3A_356, %dma_wait3A_357, %dma_wait3A_358] : memref<2x128x128xf32, #tpu.memory_space<vmem>> -> memref<1x128x128xf32, #tpu.memory_space<vmem>>
    %dma_wait3A_360 = tpu.memref_squeeze %dma_wait3A_359 : memref<1x128x128xf32, #tpu.memory_space<vmem>> -> memref<128x128xf32, #tpu.memory_space<vmem>>
    %dma_wait3A_361 = arith.constant 0 : i32
    %dma_wait3A_362 = arith.constant 0 : i32
    %dma_wait3A_363 = tpu.memref_slice %arg3[%dma_wait3A_361, %dma_wait3A_362] : memref<10000x128xf32, #tpu.memory_space<hbm>> -> memref<128x128xf32, #tpu.memory_space<hbm>>
    %dma_wait3A_364 = arith.constant 0 : i32
    %dma_wait3A_365 = arith.constant 0 : i32
    %dma_wait3A_366 = tpu.memref_slice %arg9[%dma_wait3A_356, %dma_wait3A_364, %dma_wait3A_365] : memref<2x128x128xf32, #tpu.memory_space<vmem>> -> memref<1x128x128xf32, #tpu.memory_space<vmem>>
    %dma_wait3A_367 = tpu.memref_squeeze %dma_wait3A_366 : memref<1x128x128xf32, #tpu.memory_space<vmem>> -> memref<128x128xf32, #tpu.memory_space<vmem>>
    %dma_wait3A_368 = arith.constant 0 : i32
    %dma_wait3A_369 = arith.constant 0 : i32
    %dma_wait3A_370 = tpu.memref_slice %arg3[%dma_wait3A_368, %dma_wait3A_369] : memref<10000x128xf32, #tpu.memory_space<hbm>> -> memref<128x128xf32, #tpu.memory_space<hbm>>
    tpu.wait_dma2 semaphore(%arg17 : memref<!tpu.dma_semaphore, #tpu.memory_space<semaphore_mem>>) src(%dma_wait3A_370 : memref<128x128xf32, #tpu.memory_space<hbm>>) dst(%dma_wait3A_367 : memref<128x128xf32, #tpu.memory_space<vmem>>)
    %dma_wait3A_371 = arith.constant 0 : i32
    %dma_wait3A_372 = arith.constant 0 : i32
    %dma_wait3A_373 = arith.constant 0 : i32
    %dma_wait3A_374 = tpu.memref_slice %arg9[%dma_wait3A_371, %dma_wait3A_372, %dma_wait3A_373] : memref<2x128x128xf32, #tpu.memory_space<vmem>> -> memref<1x128x128xf32, #tpu.memory_space<vmem>>
    %dma_wait3A_375 = tpu.memref_squeeze %dma_wait3A_374 : memref<1x128x128xf32, #tpu.memory_space<vmem>> -> memref<128x128xf32, #tpu.memory_space<vmem>>
    %dma_wait3A_376 = arith.constant 0 : i32
    %dma_wait3A_377 = arith.constant 0 : i32
    %dma_wait3A_378 = tpu.memref_slice %arg3[%dma_wait3A_376, %dma_wait3A_377] : memref<10000x128xf32, #tpu.memory_space<hbm>> -> memref<128x128xf32, #tpu.memory_space<hbm>>
    %dma_wait3A_379 = arith.constant 0 : i32
    %dma_wait3A_380 = arith.constant 0 : i32
    %dma_wait3A_381 = tpu.memref_slice %arg9[%dma_wait3A_371, %dma_wait3A_379, %dma_wait3A_380] : memref<2x128x128xf32, #tpu.memory_space<vmem>> -> memref<1x128x128xf32, #tpu.memory_space<vmem>>
    %dma_wait3A_382 = tpu.memref_squeeze %dma_wait3A_381 : memref<1x128x128xf32, #tpu.memory_space<vmem>> -> memref<128x128xf32, #tpu.memory_space<vmem>>
    %dma_wait3A_383 = arith.constant 0 : i32
    %dma_wait3A_384 = arith.constant 0 : i32
    %dma_wait3A_385 = tpu.memref_slice %arg3[%dma_wait3A_383, %dma_wait3A_384] : memref<10000x128xf32, #tpu.memory_space<hbm>> -> memref<128x128xf32, #tpu.memory_space<hbm>>
    tpu.wait_dma2 semaphore(%arg18 : memref<!tpu.dma_semaphore, #tpu.memory_space<semaphore_mem>>) src(%dma_wait3A_385 : memref<128x128xf32, #tpu.memory_space<hbm>>) dst(%dma_wait3A_382 : memref<128x128xf32, #tpu.memory_space<vmem>>)
    %barrier3A_386 = arith.constant 0 : index
    tpu.barrier barrier_id(%barrier3A_386)
    %mul3A_387 = arith.constant 632 : i32
    %mul3A_388 = arith.muli %arg1, %mul3A_387 : i32
    %mul3A_389 = arith.constant 632 : i32
    %mul3A_390 = arith.muli %arg1, %mul3A_389 : i32
    "tpu.region"() ({
      %run_scoped3A = tpu.sem_alloc : memref<!tpu.dma_semaphore, #tpu.memory_space<semaphore_mem>>
      %dma_start3A_393 = arith.constant 0 : i32
      %dma_start3A_394 = tpu.memref_slice %arg6[%arg0, %mul3A_390, %dma_start3A_393] : memref<2x10112x128xf32, #tpu.memory_space<hbm>> -> memref<1x632x128xf32, #tpu.memory_space<hbm>>
      %dma_start3A_395 = tpu.memref_squeeze %dma_start3A_394 : memref<1x632x128xf32, #tpu.memory_space<hbm>> -> memref<632x128xf32, #tpu.memory_space<hbm>>
      %dma_start3A_396 = arith.constant 0 : i32
      %dma_start3A_397 = tpu.memref_slice %arg10[%mul3A_388, %dma_start3A_396] : memref<10112x128xf32, #tpu.memory_space<vmem_shared>> -> memref<632x128xf32, #tpu.memory_space<vmem_shared>>
      tpu.enqueue_dma source(%dma_start3A_397 : memref<632x128xf32, #tpu.memory_space<vmem_shared>>) target(%dma_start3A_395 : memref<632x128xf32, #tpu.memory_space<hbm>>) target_semaphore(%run_scoped3A : memref<!tpu.dma_semaphore, #tpu.memory_space<semaphore_mem>>)
      %dma_wait3A_398 = arith.constant 0 : i32
      %dma_wait3A_399 = tpu.memref_slice %arg6[%arg0, %mul3A_390, %dma_wait3A_398] : memref<2x10112x128xf32, #tpu.memory_space<hbm>> -> memref<1x632x128xf32, #tpu.memory_space<hbm>>
      %dma_wait3A_400 = tpu.memref_squeeze %dma_wait3A_399 : memref<1x632x128xf32, #tpu.memory_space<hbm>> -> memref<632x128xf32, #tpu.memory_space<hbm>>
      %dma_wait3A_401 = arith.constant 0 : i32
      %dma_wait3A_402 = tpu.memref_slice %arg10[%mul3A_388, %dma_wait3A_401] : memref<10112x128xf32, #tpu.memory_space<vmem_shared>> -> memref<632x128xf32, #tpu.memory_space<vmem_shared>>
      tpu.wait_dma2 semaphore(%run_scoped3A : memref<!tpu.dma_semaphore, #tpu.memory_space<semaphore_mem>>) src(%dma_wait3A_402 : memref<632x128xf32, #tpu.memory_space<vmem_shared>>) dst(%dma_wait3A_400 : memref<632x128xf32, #tpu.memory_space<hbm>>)
      tpu.yield
    }) : () -> ()
    %eq3A = arith.constant 0 : i32
    %eq3A_391 = arith.cmpi eq, %add3A, %eq3A : i32
    %convert_element_type3A = arith.extui %eq3A_391 : i1 to i32
    %cond3A = arith.constant 0 : i32
    %cond3A_392 = arith.cmpi ne, %convert_element_type3A, %cond3A : i32
    scf.if %cond3A_392 {
      "tpu.region"() ({
        %run_scoped3A_409 = tpu.sem_alloc : memref<!tpu.dma_semaphore, #tpu.memory_space<semaphore_mem>>
        tpu.enqueue_dma source(%arg5 : memref<104xi32, #tpu.memory_space<hbm>>) target(%arg20 : memref<104xi32, #tpu.memory_space<vmem>>) target_semaphore(%run_scoped3A_409 : memref<!tpu.dma_semaphore, #tpu.memory_space<semaphore_mem>>)
        tpu.wait_dma2 semaphore(%run_scoped3A_409 : memref<!tpu.dma_semaphore, #tpu.memory_space<semaphore_mem>>) src(%arg5 : memref<104xi32, #tpu.memory_space<hbm>>) dst(%arg20 : memref<104xi32, #tpu.memory_space<vmem>>)
        tpu.yield
      }) : () -> ()
      %dma_start3A_393 = arith.constant 0 : i32
      %dma_start3A_394 = arith.constant 0 : i32
      %dma_start3A_395 = arith.constant 0 : i32
      %dma_start3A_396 = tpu.memref_slice %arg9[%dma_start3A_393, %dma_start3A_394, %dma_start3A_395] : memref<2x128x128xf32, #tpu.memory_space<vmem>> -> memref<1x104x128xf32, #tpu.memory_space<vmem>>
      %dma_start3A_397 = tpu.memref_squeeze %dma_start3A_396 : memref<1x104x128xf32, #tpu.memory_space<vmem>> -> memref<104x128xf32, #tpu.memory_space<vmem>>
      %dma_start3A_398 = arith.constant 0 : i32
      %dma_start3A_399 = arith.constant 0 : i32
      %dma_start3A_400 = tpu.memref_slice %arg3[%dma_start3A_398, %dma_start3A_399] : memref<10000x128xf32, #tpu.memory_space<hbm>> -> memref<10000x128xf32, #tpu.memory_space<hbm>>
      tpu.enqueue_indirect_dma source(%dma_start3A_400 : memref<10000x128xf32, #tpu.memory_space<hbm>>) target(%dma_start3A_397 : memref<104x128xf32, #tpu.memory_space<vmem>>) offsets(%arg20 : memref<104xi32, #tpu.memory_space<vmem>>) semaphore(%arg19 : memref<!tpu.dma_semaphore, #tpu.memory_space<semaphore_mem>>)
      %dma_wait3A_401 = arith.constant 0 : i32
      %dma_wait3A_402 = arith.constant 0 : i32
      %dma_wait3A_403 = arith.constant 0 : i32
      %dma_wait3A_404 = tpu.memref_slice %arg9[%dma_wait3A_401, %dma_wait3A_402, %dma_wait3A_403] : memref<2x128x128xf32, #tpu.memory_space<vmem>> -> memref<1x104x128xf32, #tpu.memory_space<vmem>>
      %dma_wait3A_405 = tpu.memref_squeeze %dma_wait3A_404 : memref<1x104x128xf32, #tpu.memory_space<vmem>> -> memref<104x128xf32, #tpu.memory_space<vmem>>
      %dma_wait3A_406 = arith.constant 0 : i32
      %dma_wait3A_407 = arith.constant 0 : i32
      %dma_wait3A_408 = tpu.memref_slice %arg3[%dma_wait3A_406, %dma_wait3A_407] : memref<10000x128xf32, #tpu.memory_space<hbm>> -> memref<10000x128xf32, #tpu.memory_space<hbm>>
      tpu.wait_indirect_dma semaphore(%arg19 : memref<!tpu.dma_semaphore, #tpu.memory_space<semaphore_mem>>) src(%dma_wait3A_408 : memref<10000x128xf32, #tpu.memory_space<hbm>>) dst(%dma_wait3A_405 : memref<104x128xf32, #tpu.memory_space<vmem>>)
      %run_scoped3A = arith.constant 0 : i32
      "tpu.region"() ({
        %run_scoped3A_409 = tpu.sem_alloc : memref<!tpu.dma_semaphore, #tpu.memory_space<semaphore_mem>>
        %dma_start3A_410 = arith.constant 0 : i32
        %dma_start3A_411 = arith.constant 0 : i32
        %dma_start3A_412 = tpu.memref_slice %arg9[%run_scoped3A, %dma_start3A_410, %dma_start3A_411] : memref<2x128x128xf32, #tpu.memory_space<vmem>> -> memref<1x104x128xf32, #tpu.memory_space<vmem>>
        %dma_start3A_413 = tpu.memref_squeeze %dma_start3A_412 : memref<1x104x128xf32, #tpu.memory_space<vmem>> -> memref<104x128xf32, #tpu.memory_space<vmem>>
        %dma_start3A_414 = arith.constant 0 : i32
        %dma_start3A_415 = arith.constant 0 : i32
        %dma_start3A_416 = tpu.memref_slice %arg9[%run_scoped3A, %dma_start3A_414, %dma_start3A_415] : memref<2x128x128xf32, #tpu.memory_space<vmem>> -> memref<1x104x128xf32, #tpu.memory_space<vmem>>
        %dma_start3A_417 = tpu.memref_squeeze %dma_start3A_416 : memref<1x104x128xf32, #tpu.memory_space<vmem>> -> memref<104x128xf32, #tpu.memory_space<vmem>>
        tpu.enqueue_dma source(%dma_start3A_417 : memref<104x128xf32, #tpu.memory_space<vmem>>) target(%arg7 : memref<104x128xf32, #tpu.memory_space<hbm>>) target_semaphore(%run_scoped3A_409 : memref<!tpu.dma_semaphore, #tpu.memory_space<semaphore_mem>>)
        %dma_wait3A_418 = arith.constant 0 : i32
        %dma_wait3A_419 = arith.constant 0 : i32
        %dma_wait3A_420 = tpu.memref_slice %arg9[%run_scoped3A, %dma_wait3A_418, %dma_wait3A_419] : memref<2x128x128xf32, #tpu.memory_space<vmem>> -> memref<1x104x128xf32, #tpu.memory_space<vmem>>
        %dma_wait3A_421 = tpu.memref_squeeze %dma_wait3A_420 : memref<1x104x128xf32, #tpu.memory_space<vmem>> -> memref<104x128xf32, #tpu.memory_space<vmem>>
        %dma_wait3A_422 = arith.constant 0 : i32
        %dma_wait3A_423 = arith.constant 0 : i32
        %dma_wait3A_424 = tpu.memref_slice %arg9[%run_scoped3A, %dma_wait3A_422, %dma_wait3A_423] : memref<2x128x128xf32, #tpu.memory_space<vmem>> -> memref<1x104x128xf32, #tpu.memory_space<vmem>>
        %dma_wait3A_425 = tpu.memref_squeeze %dma_wait3A_424 : memref<1x104x128xf32, #tpu.memory_space<vmem>> -> memref<104x128xf32, #tpu.memory_space<vmem>>
        tpu.wait_dma2 semaphore(%run_scoped3A_409 : memref<!tpu.dma_semaphore, #tpu.memory_space<semaphore_mem>>) src(%dma_wait3A_425 : memref<104x128xf32, #tpu.memory_space<vmem>>) dst(%arg7 : memref<104x128xf32, #tpu.memory_space<hbm>>)
        tpu.yield
      }) : () -> ()
    } else {
    }
    return
  }
}

#map = affine_map<(d0, d1) -> (0, 0, 0)>
#map1 = affine_map<(d0, d1) -> (0, 0)>
#map2 = affine_map<(d0, d1) -> (0)>
module attributes {stable_mosaic.version = 14 : i64} {
  func.func @segsum(%arg0: i32, %arg1: i32, %arg2: memref<2560x2x128xi32, #tpu.memory_space<hbm>>, %arg3: memref<10000x128xf32, #tpu.memory_space<hbm>>, %arg4: memref<632x128xf32, #tpu.memory_space<hbm>>, %arg5: memref<104xi32, #tpu.memory_space<hbm>>, %arg6: memref<2x10112x128xf32, #tpu.memory_space<hbm>>, %arg7: memref<104x128xf32, #tpu.memory_space<hbm>>, %arg8: memref<4x2x128xi32, #tpu.memory_space<vmem>>, %arg9: memref<2x128x128xf32, #tpu.memory_space<vmem>>, %arg10: memref<10112x128xf32, #tpu.memory_space<vmem_shared>>, %arg11: memref<!tpu.dma_semaphore, #tpu.memory_space<semaphore_mem>>, %arg12: memref<!tpu.dma_semaphore, #tpu.memory_space<semaphore_mem>>, %arg13: memref<!tpu.dma_semaphore, #tpu.memory_space<semaphore_mem>>, %arg14: memref<!tpu.dma_semaphore, #tpu.memory_space<semaphore_mem>>, %arg15: memref<!tpu.dma_semaphore, #tpu.memory_space<semaphore_mem>>, %arg16: memref<!tpu.dma_semaphore, #tpu.memory_space<semaphore_mem>>, %arg17: memref<!tpu.dma_semaphore, #tpu.memory_space<semaphore_mem>>, %arg18: memref<!tpu.dma_semaphore, #tpu.memory_space<semaphore_mem>>, %arg19: memref<!tpu.dma_semaphore, #tpu.memory_space<semaphore_mem>>, %arg20: memref<104xi32, #tpu.memory_space<vmem>>) attributes {dimension_semantics = [#tpu.dimension_semantics<core_parallel>, #tpu.dimension_semantics<subcore_parallel>], iteration_bounds = array<i64: 2, 16>, scalar_prefetch = 0 : i64, scratch_operands = 13 : i64, tpu.core_type = #tpu.core_type<sc_vector_subcore>, window_params = [{transform_indices = #map}, {transform_indices = #map1}, {transform_indices = #map1}, {transform_indices = #map2}, {transform_indices = #map}, {transform_indices = #map1}]} {
    %mul3A = arith.constant 2 : i32
    %mul3A_0 = arith.muli %arg1, %mul3A : i32
    %add3A = arith.addi %mul3A_0, %arg0 : i32
    %mul3A_1 = arith.constant 632 : i32
    %mul3A_2 = arith.muli %arg1, %mul3A_1 : i32
    "tpu.region"() ({
      %run_scoped3A = tpu.sem_alloc : memref<!tpu.dma_semaphore, #tpu.memory_space<semaphore_mem>>
      %dma_start3A_393 = arith.constant 0 : i32
      %dma_start3A_394 = tpu.memref_slice %arg10[%mul3A_2, %dma_start3A_393] : memref<10112x128xf32, #tpu.memory_space<vmem_shared>> -> memref<632x128xf32, #tpu.memory_space<vmem_shared>>
      tpu.enqueue_dma source(%arg4 : memref<632x128xf32, #tpu.memory_space<hbm>>) target(%dma_start3A_394 : memref<632x128xf32, #tpu.memory_space<vmem_shared>>) target_semaphore(%run_scoped3A : memref<!tpu.dma_semaphore, #tpu.memory_space<semaphore_mem>>)
      %dma_wait3A_395 = arith.constant 0 : i32
      %dma_wait3A_396 = tpu.memref_slice %arg10[%mul3A_2, %dma_wait3A_395] : memref<10112x128xf32, #tpu.memory_space<vmem_shared>> -> memref<632x128xf32, #tpu.memory_space<vmem_shared>>
      tpu.wait_dma2 semaphore(%run_scoped3A : memref<!tpu.dma_semaphore, #tpu.memory_space<semaphore_mem>>) src(%arg4 : memref<632x128xf32, #tpu.memory_space<hbm>>) dst(%dma_wait3A_396 : memref<632x128xf32, #tpu.memory_space<vmem_shared>>)
      tpu.yield
    }) : () -> ()
    %barrier3A = arith.constant 0 : index
    tpu.barrier barrier_id(%barrier3A)
    %mul3A_3 = arith.constant 80 : i32
    %mul3A_4 = arith.muli %add3A, %mul3A_3 : i32
    %add3A_5 = arith.constant 0 : i32
    %add3A_6 = arith.addi %mul3A_4, %add3A_5 : i32
    %dma_start3A = arith.constant 0 : i32
    %dma_start3A_7 = arith.constant 0 : i32
    %dma_start3A_8 = arith.constant 0 : i32
    %dma_start3A_9 = tpu.memref_slice %arg8[%dma_start3A, %dma_start3A_7, %dma_start3A_8] : memref<4x2x128xi32, #tpu.memory_space<vmem>> -> memref<1x2x128xi32, #tpu.memory_space<vmem>>
    %dma_start3A_10 = tpu.memref_squeeze %dma_start3A_9 : memref<1x2x128xi32, #tpu.memory_space<vmem>> -> memref<2x128xi32, #tpu.memory_space<vmem>>
    %dma_start3A_11 = arith.constant 0 : i32
    %dma_start3A_12 = arith.constant 0 : i32
    %dma_start3A_13 = tpu.memref_slice %arg2[%add3A_6, %dma_start3A_11, %dma_start3A_12] : memref<2560x2x128xi32, #tpu.memory_space<hbm>> -> memref<1x2x128xi32, #tpu.memory_space<hbm>>
    %dma_start3A_14 = tpu.memref_squeeze %dma_start3A_13 : memref<1x2x128xi32, #tpu.memory_space<hbm>> -> memref<2x128xi32, #tpu.memory_space<hbm>>
    %dma_start3A_15 = arith.constant 0 : i32
    %dma_start3A_16 = arith.constant 0 : i32
    %dma_start3A_17 = tpu.memref_slice %arg8[%dma_start3A, %dma_start3A_15, %dma_start3A_16] : memref<4x2x128xi32, #tpu.memory_space<vmem>> -> memref<1x2x128xi32, #tpu.memory_space<vmem>>
    %dma_start3A_18 = tpu.memref_squeeze %dma_start3A_17 : memref<1x2x128xi32, #tpu.memory_space<vmem>> -> memref<2x128xi32, #tpu.memory_space<vmem>>
    %dma_start3A_19 = arith.constant 0 : i32
    %dma_start3A_20 = arith.constant 0 : i32
    %dma_start3A_21 = tpu.memref_slice %arg2[%add3A_6, %dma_start3A_19, %dma_start3A_20] : memref<2560x2x128xi32, #tpu.memory_space<hbm>> -> memref<1x2x128xi32, #tpu.memory_space<hbm>>
    %dma_start3A_22 = tpu.memref_squeeze %dma_start3A_21 : memref<1x2x128xi32, #tpu.memory_space<hbm>> -> memref<2x128xi32, #tpu.memory_space<hbm>>
    tpu.enqueue_dma source(%dma_start3A_22 : memref<2x128xi32, #tpu.memory_space<hbm>>) target(%dma_start3A_18 : memref<2x128xi32, #tpu.memory_space<vmem>>) target_semaphore(%arg11 : memref<!tpu.dma_semaphore, #tpu.memory_space<semaphore_mem>>)
    %mul3A_23 = arith.constant 80 : i32
    %mul3A_24 = arith.muli %add3A, %mul3A_23 : i32
    %add3A_25 = arith.constant 1 : i32
    %add3A_26 = arith.addi %mul3A_24, %add3A_25 : i32
    %dma_start3A_27 = arith.constant 1 : i32
    %dma_start3A_28 = arith.constant 0 : i32
    %dma_start3A_29 = arith.constant 0 : i32
    %dma_start3A_30 = tpu.memref_slice %arg8[%dma_start3A_27, %dma_start3A_28, %dma_start3A_29] : memref<4x2x128xi32, #tpu.memory_space<vmem>> -> memref<1x2x128xi32, #tpu.memory_space<vmem>>
    %dma_start3A_31 = tpu.memref_squeeze %dma_start3A_30 : memref<1x2x128xi32, #tpu.memory_space<vmem>> -> memref<2x128xi32, #tpu.memory_space<vmem>>
    %dma_start3A_32 = arith.constant 0 : i32
    %dma_start3A_33 = arith.constant 0 : i32
    %dma_start3A_34 = tpu.memref_slice %arg2[%add3A_26, %dma_start3A_32, %dma_start3A_33] : memref<2560x2x128xi32, #tpu.memory_space<hbm>> -> memref<1x2x128xi32, #tpu.memory_space<hbm>>
    %dma_start3A_35 = tpu.memref_squeeze %dma_start3A_34 : memref<1x2x128xi32, #tpu.memory_space<hbm>> -> memref<2x128xi32, #tpu.memory_space<hbm>>
    %dma_start3A_36 = arith.constant 0 : i32
    %dma_start3A_37 = arith.constant 0 : i32
    %dma_start3A_38 = tpu.memref_slice %arg8[%dma_start3A_27, %dma_start3A_36, %dma_start3A_37] : memref<4x2x128xi32, #tpu.memory_space<vmem>> -> memref<1x2x128xi32, #tpu.memory_space<vmem>>
    %dma_start3A_39 = tpu.memref_squeeze %dma_start3A_38 : memref<1x2x128xi32, #tpu.memory_space<vmem>> -> memref<2x128xi32, #tpu.memory_space<vmem>>
    %dma_start3A_40 = arith.constant 0 : i32
    %dma_start3A_41 = arith.constant 0 : i32
    %dma_start3A_42 = tpu.memref_slice %arg2[%add3A_26, %dma_start3A_40, %dma_start3A_41] : memref<2560x2x128xi32, #tpu.memory_space<hbm>> -> memref<1x2x128xi32, #tpu.memory_space<hbm>>
    %dma_start3A_43 = tpu.memref_squeeze %dma_start3A_42 : memref<1x2x128xi32, #tpu.memory_space<hbm>> -> memref<2x128xi32, #tpu.memory_space<hbm>>
    tpu.enqueue_dma source(%dma_start3A_43 : memref<2x128xi32, #tpu.memory_space<hbm>>) target(%dma_start3A_39 : memref<2x128xi32, #tpu.memory_space<vmem>>) target_semaphore(%arg12 : memref<!tpu.dma_semaphore, #tpu.memory_space<semaphore_mem>>)
    %dma_wait3A = arith.constant 0 : i32
    %dma_wait3A_44 = arith.constant 0 : i32
    %dma_wait3A_45 = arith.constant 0 : i32
    %dma_wait3A_46 = arith.constant 0 : i32
    %dma_wait3A_47 = tpu.memref_slice %arg8[%dma_wait3A_44, %dma_wait3A_45, %dma_wait3A_46] : memref<4x2x128xi32, #tpu.memory_space<vmem>> -> memref<1x2x128xi32, #tpu.memory_space<vmem>>
    %dma_wait3A_48 = tpu.memref_squeeze %dma_wait3A_47 : memref<1x2x128xi32, #tpu.memory_space<vmem>> -> memref<2x128xi32, #tpu.memory_space<vmem>>
    %dma_wait3A_49 = arith.constant 0 : i32
    %dma_wait3A_50 = arith.constant 0 : i32
    %dma_wait3A_51 = tpu.memref_slice %arg2[%dma_wait3A, %dma_wait3A_49, %dma_wait3A_50] : memref<2560x2x128xi32, #tpu.memory_space<hbm>> -> memref<1x2x128xi32, #tpu.memory_space<hbm>>
    %dma_wait3A_52 = tpu.memref_squeeze %dma_wait3A_51 : memref<1x2x128xi32, #tpu.memory_space<hbm>> -> memref<2x128xi32, #tpu.memory_space<hbm>>
    %dma_wait3A_53 = arith.constant 0 : i32
    %dma_wait3A_54 = arith.constant 0 : i32
    %dma_wait3A_55 = tpu.memref_slice %arg8[%dma_wait3A_44, %dma_wait3A_53, %dma_wait3A_54] : memref<4x2x128xi32, #tpu.memory_space<vmem>> -> memref<1x2x128xi32, #tpu.memory_space<vmem>>
    %dma_wait3A_56 = tpu.memref_squeeze %dma_wait3A_55 : memref<1x2x128xi32, #tpu.memory_space<vmem>> -> memref<2x128xi32, #tpu.memory_space<vmem>>
    %dma_wait3A_57 = arith.constant 0 : i32
    %dma_wait3A_58 = arith.constant 0 : i32
    %dma_wait3A_59 = tpu.memref_slice %arg2[%dma_wait3A, %dma_wait3A_57, %dma_wait3A_58] : memref<2560x2x128xi32, #tpu.memory_space<hbm>> -> memref<1x2x128xi32, #tpu.memory_space<hbm>>
    %dma_wait3A_60 = tpu.memref_squeeze %dma_wait3A_59 : memref<1x2x128xi32, #tpu.memory_space<hbm>> -> memref<2x128xi32, #tpu.memory_space<hbm>>
    tpu.wait_dma2 semaphore(%arg11 : memref<!tpu.dma_semaphore, #tpu.memory_space<semaphore_mem>>) src(%dma_wait3A_60 : memref<2x128xi32, #tpu.memory_space<hbm>>) dst(%dma_wait3A_56 : memref<2x128xi32, #tpu.memory_space<vmem>>)
    %dma_start3A_61 = arith.constant 0 : i32
    %dma_start3A_62 = arith.constant 0 : i32
    %dma_start3A_63 = arith.constant 0 : i32
    %dma_start3A_64 = arith.constant 0 : i32
    %dma_start3A_65 = arith.constant 0 : i32
    %dma_start3A_66 = tpu.memref_slice %arg9[%dma_start3A_63, %dma_start3A_64, %dma_start3A_65] : memref<2x128x128xf32, #tpu.memory_space<vmem>> -> memref<1x128x128xf32, #tpu.memory_space<vmem>>
    %dma_start3A_67 = tpu.memref_squeeze %dma_start3A_66 : memref<1x128x128xf32, #tpu.memory_space<vmem>> -> memref<128x128xf32, #tpu.memory_space<vmem>>
    %dma_start3A_68 = arith.constant 0 : i32
    %dma_start3A_69 = tpu.memref_slice %arg8[%dma_start3A_61, %dma_start3A_62, %dma_start3A_68] : memref<4x2x128xi32, #tpu.memory_space<vmem>> -> memref<1x1x128xi32, #tpu.memory_space<vmem>>
    %dma_start3A_70 = tpu.memref_squeeze %dma_start3A_69 : memref<1x1x128xi32, #tpu.memory_space<vmem>> -> memref<128xi32, #tpu.memory_space<vmem>>
    %dma_start3A_71 = arith.constant 0 : i32
    %dma_start3A_72 = arith.constant 0 : i32
    %dma_start3A_73 = tpu.memref_slice %arg3[%dma_start3A_71, %dma_start3A_72] : memref<10000x128xf32, #tpu.memory_space<hbm>> -> memref<10000x128xf32, #tpu.memory_space<hbm>>
    tpu.enqueue_indirect_dma source(%dma_start3A_73 : memref<10000x128xf32, #tpu.memory_space<hbm>>) target(%dma_start3A_67 : memref<128x128xf32, #tpu.memory_space<vmem>>) offsets(%dma_start3A_70 : memref<128xi32, #tpu.memory_space<vmem>>) semaphore(%arg15 : memref<!tpu.dma_semaphore, #tpu.memory_space<semaphore_mem>>)
    %mul3A_74 = arith.constant 80 : i32
    %mul3A_75 = arith.muli %add3A, %mul3A_74 : i32
    %add3A_76 = arith.constant 2 : i32
    %add3A_77 = arith.addi %mul3A_75, %add3A_76 : i32
    %dma_start3A_78 = arith.constant 2 : i32
    %dma_start3A_79 = arith.constant 0 : i32
    %dma_start3A_80 = arith.constant 0 : i32
    %dma_start3A_81 = tpu.memref_slice %arg8[%dma_start3A_78, %dma_start3A_79, %dma_start3A_80] : memref<4x2x128xi32, #tpu.memory_space<vmem>> -> memref<1x2x128xi32, #tpu.memory_space<vmem>>
    %dma_start3A_82 = tpu.memref_squeeze %dma_start3A_81 : memref<1x2x128xi32, #tpu.memory_space<vmem>> -> memref<2x128xi32, #tpu.memory_space<vmem>>
    %dma_start3A_83 = arith.constant 0 : i32
    %dma_start3A_84 = arith.constant 0 : i32
    %dma_start3A_85 = tpu.memref_slice %arg2[%add3A_77, %dma_start3A_83, %dma_start3A_84] : memref<2560x2x128xi32, #tpu.memory_space<hbm>> -> memref<1x2x128xi32, #tpu.memory_space<hbm>>
    %dma_start3A_86 = tpu.memref_squeeze %dma_start3A_85 : memref<1x2x128xi32, #tpu.memory_space<hbm>> -> memref<2x128xi32, #tpu.memory_space<hbm>>
    %dma_start3A_87 = arith.constant 0 : i32
    %dma_start3A_88 = arith.constant 0 : i32
    %dma_start3A_89 = tpu.memref_slice %arg8[%dma_start3A_78, %dma_start3A_87, %dma_start3A_88] : memref<4x2x128xi32, #tpu.memory_space<vmem>> -> memref<1x2x128xi32, #tpu.memory_space<vmem>>
    %dma_start3A_90 = tpu.memref_squeeze %dma_start3A_89 : memref<1x2x128xi32, #tpu.memory_space<vmem>> -> memref<2x128xi32, #tpu.memory_space<vmem>>
    %dma_start3A_91 = arith.constant 0 : i32
    %dma_start3A_92 = arith.constant 0 : i32
    %dma_start3A_93 = tpu.memref_slice %arg2[%add3A_77, %dma_start3A_91, %dma_start3A_92] : memref<2560x2x128xi32, #tpu.memory_space<hbm>> -> memref<1x2x128xi32, #tpu.memory_space<hbm>>
    %dma_start3A_94 = tpu.memref_squeeze %dma_start3A_93 : memref<1x2x128xi32, #tpu.memory_space<hbm>> -> memref<2x128xi32, #tpu.memory_space<hbm>>
    tpu.enqueue_dma source(%dma_start3A_94 : memref<2x128xi32, #tpu.memory_space<hbm>>) target(%dma_start3A_90 : memref<2x128xi32, #tpu.memory_space<vmem>>) target_semaphore(%arg13 : memref<!tpu.dma_semaphore, #tpu.memory_space<semaphore_mem>>)
    %dma_wait3A_95 = arith.constant 0 : i32
    %dma_wait3A_96 = arith.constant 0 : i32
    %dma_wait3A_97 = arith.constant 0 : i32
    %dma_wait3A_98 = arith.constant 0 : i32
    %dma_wait3A_99 = tpu.memref_slice %arg8[%dma_wait3A_96, %dma_wait3A_97, %dma_wait3A_98] : memref<4x2x128xi32, #tpu.memory_space<vmem>> -> memref<1x2x128xi32, #tpu.memory_space<vmem>>
    %dma_wait3A_100 = tpu.memref_squeeze %dma_wait3A_99 : memref<1x2x128xi32, #tpu.memory_space<vmem>> -> memref<2x128xi32, #tpu.memory_space<vmem>>
    %dma_wait3A_101 = arith.constant 0 : i32
    %dma_wait3A_102 = arith.constant 0 : i32
    %dma_wait3A_103 = tpu.memref_slice %arg2[%dma_wait3A_95, %dma_wait3A_101, %dma_wait3A_102] : memref<2560x2x128xi32, #tpu.memory_space<hbm>> -> memref<1x2x128xi32, #tpu.memory_space<hbm>>
    %dma_wait3A_104 = tpu.memref_squeeze %dma_wait3A_103 : memref<1x2x128xi32, #tpu.memory_space<hbm>> -> memref<2x128xi32, #tpu.memory_space<hbm>>
    %dma_wait3A_105 = arith.constant 0 : i32
    %dma_wait3A_106 = arith.constant 0 : i32
    %dma_wait3A_107 = tpu.memref_slice %arg8[%dma_wait3A_96, %dma_wait3A_105, %dma_wait3A_106] : memref<4x2x128xi32, #tpu.memory_space<vmem>> -> memref<1x2x128xi32, #tpu.memory_space<vmem>>
    %dma_wait3A_108 = tpu.memref_squeeze %dma_wait3A_107 : memref<1x2x128xi32, #tpu.memory_space<vmem>> -> memref<2x128xi32, #tpu.memory_space<vmem>>
    %dma_wait3A_109 = arith.constant 0 : i32
    %dma_wait3A_110 = arith.constant 0 : i32
    %dma_wait3A_111 = tpu.memref_slice %arg2[%dma_wait3A_95, %dma_wait3A_109, %dma_wait3A_110] : memref<2560x2x128xi32, #tpu.memory_space<hbm>> -> memref<1x2x128xi32, #tpu.memory_space<hbm>>
    %dma_wait3A_112 = tpu.memref_squeeze %dma_wait3A_111 : memref<1x2x128xi32, #tpu.memory_space<hbm>> -> memref<2x128xi32, #tpu.memory_space<hbm>>
    tpu.wait_dma2 semaphore(%arg12 : memref<!tpu.dma_semaphore, #tpu.memory_space<semaphore_mem>>) src(%dma_wait3A_112 : memref<2x128xi32, #tpu.memory_space<hbm>>) dst(%dma_wait3A_108 : memref<2x128xi32, #tpu.memory_space<vmem>>)
    %dma_start3A_113 = arith.constant 1 : i32
    %dma_start3A_114 = arith.constant 0 : i32
    %dma_start3A_115 = arith.constant 1 : i32
    %dma_start3A_116 = arith.constant 0 : i32
    %dma_start3A_117 = arith.constant 0 : i32
    %dma_start3A_118 = tpu.memref_slice %arg9[%dma_start3A_115, %dma_start3A_116, %dma_start3A_117] : memref<2x128x128xf32, #tpu.memory_space<vmem>> -> memref<1x128x128xf32, #tpu.memory_space<vmem>>
    %dma_start3A_119 = tpu.memref_squeeze %dma_start3A_118 : memref<1x128x128xf32, #tpu.memory_space<vmem>> -> memref<128x128xf32, #tpu.memory_space<vmem>>
    %dma_start3A_120 = arith.constant 0 : i32
    %dma_start3A_121 = tpu.memref_slice %arg8[%dma_start3A_113, %dma_start3A_114, %dma_start3A_120] : memref<4x2x128xi32, #tpu.memory_space<vmem>> -> memref<1x1x128xi32, #tpu.memory_space<vmem>>
    %dma_start3A_122 = tpu.memref_squeeze %dma_start3A_121 : memref<1x1x128xi32, #tpu.memory_space<vmem>> -> memref<128xi32, #tpu.memory_space<vmem>>
    %dma_start3A_123 = arith.constant 0 : i32
    %dma_start3A_124 = arith.constant 0 : i32
    %dma_start3A_125 = tpu.memref_slice %arg3[%dma_start3A_123, %dma_start3A_124] : memref<10000x128xf32, #tpu.memory_space<hbm>> -> memref<10000x128xf32, #tpu.memory_space<hbm>>
    tpu.enqueue_indirect_dma source(%dma_start3A_125 : memref<10000x128xf32, #tpu.memory_space<hbm>>) target(%dma_start3A_119 : memref<128x128xf32, #tpu.memory_space<vmem>>) offsets(%dma_start3A_122 : memref<128xi32, #tpu.memory_space<vmem>>) semaphore(%arg16 : memref<!tpu.dma_semaphore, #tpu.memory_space<semaphore_mem>>)
    %dma_wait3A_126 = arith.constant 0 : i32
    %dma_wait3A_127 = arith.constant 0 : i32
    %dma_wait3A_128 = arith.constant 0 : i32
    %dma_wait3A_129 = tpu.memref_slice %arg9[%dma_wait3A_126, %dma_wait3A_127, %dma_wait3A_128] : memref<2x128x128xf32, #tpu.memory_space<vmem>> -> memref<1x128x128xf32, #tpu.memory_space<vmem>>
    %dma_wait3A_130 = tpu.memref_squeeze %dma_wait3A_129 : memref<1x128x128xf32, #tpu.memory_space<vmem>> -> memref<128x128xf32, #tpu.memory_space<vmem>>
    %dma_wait3A_131 = arith.constant 0 : i32
    %dma_wait3A_132 = arith.constant 0 : i32
    %dma_wait3A_133 = tpu.memref_slice %arg3[%dma_wait3A_131, %dma_wait3A_132] : memref<10000x128xf32, #tpu.memory_space<hbm>> -> memref<128x128xf32, #tpu.memory_space<hbm>>
    %dma_wait3A_134 = arith.constant 0 : i32
    %dma_wait3A_135 = arith.constant 0 : i32
    %dma_wait3A_136 = tpu.memref_slice %arg9[%dma_wait3A_126, %dma_wait3A_134, %dma_wait3A_135] : memref<2x128x128xf32, #tpu.memory_space<vmem>> -> memref<1x128x128xf32, #tpu.memory_space<vmem>>
    %dma_wait3A_137 = tpu.memref_squeeze %dma_wait3A_136 : memref<1x128x128xf32, #tpu.memory_space<vmem>> -> memref<128x128xf32, #tpu.memory_space<vmem>>
    %dma_wait3A_138 = arith.constant 0 : i32
    %dma_wait3A_139 = arith.constant 0 : i32
    %dma_wait3A_140 = tpu.memref_slice %arg3[%dma_wait3A_138, %dma_wait3A_139] : memref<10000x128xf32, #tpu.memory_space<hbm>> -> memref<128x128xf32, #tpu.memory_space<hbm>>
    tpu.wait_dma2 semaphore(%arg15 : memref<!tpu.dma_semaphore, #tpu.memory_space<semaphore_mem>>) src(%dma_wait3A_140 : memref<128x128xf32, #tpu.memory_space<hbm>>) dst(%dma_wait3A_137 : memref<128x128xf32, #tpu.memory_space<vmem>>)
    %dma_start3A_141 = arith.constant 0 : i32
    %dma_start3A_142 = arith.constant 0 : i32
    %dma_start3A_143 = arith.constant 1 : i32
    %dma_start3A_144 = arith.constant 0 : i32
    %dma_start3A_145 = arith.constant 0 : i32
    %dma_start3A_146 = tpu.memref_slice %arg9[%dma_start3A_141, %dma_start3A_144, %dma_start3A_145] : memref<2x128x128xf32, #tpu.memory_space<vmem>> -> memref<1x128x128xf32, #tpu.memory_space<vmem>>
    %dma_start3A_147 = tpu.memref_squeeze %dma_start3A_146 : memref<1x128x128xf32, #tpu.memory_space<vmem>> -> memref<128x128xf32, #tpu.memory_space<vmem>>
    %dma_start3A_148 = arith.constant 0 : i32
    %dma_start3A_149 = tpu.memref_slice %arg8[%dma_start3A_142, %dma_start3A_143, %dma_start3A_148] : memref<4x2x128xi32, #tpu.memory_space<vmem>> -> memref<1x1x128xi32, #tpu.memory_space<vmem>>
    %dma_start3A_150 = tpu.memref_squeeze %dma_start3A_149 : memref<1x1x128xi32, #tpu.memory_space<vmem>> -> memref<128xi32, #tpu.memory_space<vmem>>
    %dma_start3A_151 = arith.constant 0 : i32
    %dma_start3A_152 = arith.constant 0 : i32
    %dma_start3A_153 = tpu.memref_slice %arg10[%dma_start3A_151, %dma_start3A_152] : memref<10112x128xf32, #tpu.memory_space<vmem_shared>> -> memref<10112x128xf32, #tpu.memory_space<vmem_shared>>
    tpu.enqueue_indirect_dma source(%dma_start3A_147 : memref<128x128xf32, #tpu.memory_space<vmem>>) target(%dma_start3A_153 : memref<10112x128xf32, #tpu.memory_space<vmem_shared>>) offsets(%dma_start3A_150 : memref<128xi32, #tpu.memory_space<vmem>>) semaphore(%arg17 : memref<!tpu.dma_semaphore, #tpu.memory_space<semaphore_mem>>) {add = true}
    %scan3A = arith.constant 0 : i32
    %scan3A_154 = arith.constant 0 : i32
    %scan3A_155 = arith.constant 19 : i32
    %scan3A_156 = arith.addi %scan3A_154, %scan3A_155 : i32
    %scan3A_157 = arith.constant 1 : i32
    scf.for %scan3A_393 = %scan3A_154 to %scan3A_156 step %scan3A_157  : i32 {
      %mul3A_394 = arith.constant 4 : i32
      %mul3A_395 = arith.muli %scan3A_393, %mul3A_394 : i32
      %add3A_396 = arith.constant 1 : i32
      %add3A_397 = arith.addi %add3A_396, %mul3A_395 : i32
      %add3A_398 = arith.constant 0 : i32
      %add3A_399 = arith.addi %add3A_397, %add3A_398 : i32
      %add3A_400 = arith.constant 2 : i32
      %add3A_401 = arith.addi %add3A_399, %add3A_400 : i32
      %mul3A_402 = arith.constant 80 : i32
      %mul3A_403 = arith.muli %add3A, %mul3A_402 : i32
      %add3A_404 = arith.addi %mul3A_403, %add3A_401 : i32
      %dma_start3A_405 = arith.constant 3 : i32
      %dma_start3A_406 = arith.constant 0 : i32
      %dma_start3A_407 = arith.constant 0 : i32
      %dma_start3A_408 = tpu.memref_slice %arg8[%dma_start3A_405, %dma_start3A_406, %dma_start3A_407] : memref<4x2x128xi32, #tpu.memory_space<vmem>> -> memref<1x2x128xi32, #tpu.memory_space<vmem>>
      %dma_start3A_409 = tpu.memref_squeeze %dma_start3A_408 : memref<1x2x128xi32, #tpu.memory_space<vmem>> -> memref<2x128xi32, #tpu.memory_space<vmem>>
      %dma_start3A_410 = arith.constant 0 : i32
      %dma_start3A_411 = arith.constant 0 : i32
      %dma_start3A_412 = tpu.memref_slice %arg2[%add3A_404, %dma_start3A_410, %dma_start3A_411] : memref<2560x2x128xi32, #tpu.memory_space<hbm>> -> memref<1x2x128xi32, #tpu.memory_space<hbm>>
      %dma_start3A_413 = tpu.memref_squeeze %dma_start3A_412 : memref<1x2x128xi32, #tpu.memory_space<hbm>> -> memref<2x128xi32, #tpu.memory_space<hbm>>
      %dma_start3A_414 = arith.constant 0 : i32
      %dma_start3A_415 = arith.constant 0 : i32
      %dma_start3A_416 = tpu.memref_slice %arg8[%dma_start3A_405, %dma_start3A_414, %dma_start3A_415] : memref<4x2x128xi32, #tpu.memory_space<vmem>> -> memref<1x2x128xi32, #tpu.memory_space<vmem>>
      %dma_start3A_417 = tpu.memref_squeeze %dma_start3A_416 : memref<1x2x128xi32, #tpu.memory_space<vmem>> -> memref<2x128xi32, #tpu.memory_space<vmem>>
      %dma_start3A_418 = arith.constant 0 : i32
      %dma_start3A_419 = arith.constant 0 : i32
      %dma_start3A_420 = tpu.memref_slice %arg2[%add3A_404, %dma_start3A_418, %dma_start3A_419] : memref<2560x2x128xi32, #tpu.memory_space<hbm>> -> memref<1x2x128xi32, #tpu.memory_space<hbm>>
      %dma_start3A_421 = tpu.memref_squeeze %dma_start3A_420 : memref<1x2x128xi32, #tpu.memory_space<hbm>> -> memref<2x128xi32, #tpu.memory_space<hbm>>
      tpu.enqueue_dma source(%dma_start3A_421 : memref<2x128xi32, #tpu.memory_space<hbm>>) target(%dma_start3A_417 : memref<2x128xi32, #tpu.memory_space<vmem>>) target_semaphore(%arg14 : memref<!tpu.dma_semaphore, #tpu.memory_space<semaphore_mem>>)
      %dma_wait3A_422 = arith.constant 0 : i32
      %dma_wait3A_423 = arith.constant 0 : i32
      %dma_wait3A_424 = arith.constant 0 : i32
      %dma_wait3A_425 = tpu.memref_slice %arg9[%dma_wait3A_422, %dma_wait3A_423, %dma_wait3A_424] : memref<2x128x128xf32, #tpu.memory_space<vmem>> -> memref<1x128x128xf32, #tpu.memory_space<vmem>>
      %dma_wait3A_426 = tpu.memref_squeeze %dma_wait3A_425 : memref<1x128x128xf32, #tpu.memory_space<vmem>> -> memref<128x128xf32, #tpu.memory_space<vmem>>
      %dma_wait3A_427 = arith.constant 0 : i32
      %dma_wait3A_428 = arith.constant 0 : i32
      %dma_wait3A_429 = tpu.memref_slice %arg3[%dma_wait3A_427, %dma_wait3A_428] : memref<10000x128xf32, #tpu.memory_space<hbm>> -> memref<128x128xf32, #tpu.memory_space<hbm>>
      %dma_wait3A_430 = arith.constant 0 : i32
      %dma_wait3A_431 = arith.constant 0 : i32
      %dma_wait3A_432 = tpu.memref_slice %arg9[%dma_wait3A_422, %dma_wait3A_430, %dma_wait3A_431] : memref<2x128x128xf32, #tpu.memory_space<vmem>> -> memref<1x128x128xf32, #tpu.memory_space<vmem>>
      %dma_wait3A_433 = tpu.memref_squeeze %dma_wait3A_432 : memref<1x128x128xf32, #tpu.memory_space<vmem>> -> memref<128x128xf32, #tpu.memory_space<vmem>>
      %dma_wait3A_434 = arith.constant 0 : i32
      %dma_wait3A_435 = arith.constant 0 : i32
      %dma_wait3A_436 = tpu.memref_slice %arg3[%dma_wait3A_434, %dma_wait3A_435] : memref<10000x128xf32, #tpu.memory_space<hbm>> -> memref<128x128xf32, #tpu.memory_space<hbm>>
      tpu.wait_dma2 semaphore(%arg17 : memref<!tpu.dma_semaphore, #tpu.memory_space<semaphore_mem>>) src(%dma_wait3A_436 : memref<128x128xf32, #tpu.memory_space<hbm>>) dst(%dma_wait3A_433 : memref<128x128xf32, #tpu.memory_space<vmem>>)
      %dma_wait3A_437 = arith.constant 0 : i32
      %dma_wait3A_438 = arith.constant 0 : i32
      %dma_wait3A_439 = arith.constant 0 : i32
      %dma_wait3A_440 = arith.constant 0 : i32
      %dma_wait3A_441 = tpu.memref_slice %arg8[%dma_wait3A_438, %dma_wait3A_439, %dma_wait3A_440] : memref<4x2x128xi32, #tpu.memory_space<vmem>> -> memref<1x2x128xi32, #tpu.memory_space<vmem>>
      %dma_wait3A_442 = tpu.memref_squeeze %dma_wait3A_441 : memref<1x2x128xi32, #tpu.memory_space<vmem>> -> memref<2x128xi32, #tpu.memory_space<vmem>>
      %dma_wait3A_443 = arith.constant 0 : i32
      %dma_wait3A_444 = arith.constant 0 : i32
      %dma_wait3A_445 = tpu.memref_slice %arg2[%dma_wait3A_437, %dma_wait3A_443, %dma_wait3A_444] : memref<2560x2x128xi32, #tpu.memory_space<hbm>> -> memref<1x2x128xi32, #tpu.memory_space<hbm>>
      %dma_wait3A_446 = tpu.memref_squeeze %dma_wait3A_445 : memref<1x2x128xi32, #tpu.memory_space<hbm>> -> memref<2x128xi32, #tpu.memory_space<hbm>>
      %dma_wait3A_447 = arith.constant 0 : i32
      %dma_wait3A_448 = arith.constant 0 : i32
      %dma_wait3A_449 = tpu.memref_slice %arg8[%dma_wait3A_438, %dma_wait3A_447, %dma_wait3A_448] : memref<4x2x128xi32, #tpu.memory_space<vmem>> -> memref<1x2x128xi32, #tpu.memory_space<vmem>>
      %dma_wait3A_450 = tpu.memref_squeeze %dma_wait3A_449 : memref<1x2x128xi32, #tpu.memory_space<vmem>> -> memref<2x128xi32, #tpu.memory_space<vmem>>
      %dma_wait3A_451 = arith.constant 0 : i32
      %dma_wait3A_452 = arith.constant 0 : i32
      %dma_wait3A_453 = tpu.memref_slice %arg2[%dma_wait3A_437, %dma_wait3A_451, %dma_wait3A_452] : memref<2560x2x128xi32, #tpu.memory_space<hbm>> -> memref<1x2x128xi32, #tpu.memory_space<hbm>>
      %dma_wait3A_454 = tpu.memref_squeeze %dma_wait3A_453 : memref<1x2x128xi32, #tpu.memory_space<hbm>> -> memref<2x128xi32, #tpu.memory_space<hbm>>
      tpu.wait_dma2 semaphore(%arg13 : memref<!tpu.dma_semaphore, #tpu.memory_space<semaphore_mem>>) src(%dma_wait3A_454 : memref<2x128xi32, #tpu.memory_space<hbm>>) dst(%dma_wait3A_450 : memref<2x128xi32, #tpu.memory_space<vmem>>)
      %dma_start3A_455 = arith.constant 2 : i32
      %dma_start3A_456 = arith.constant 0 : i32
      %dma_start3A_457 = arith.constant 0 : i32
      %dma_start3A_458 = arith.constant 0 : i32
      %dma_start3A_459 = arith.constant 0 : i32
      %dma_start3A_460 = tpu.memref_slice %arg9[%dma_start3A_457, %dma_start3A_458, %dma_start3A_459] : memref<2x128x128xf32, #tpu.memory_space<vmem>> -> memref<1x128x128xf32, #tpu.memory_space<vmem>>
      %dma_start3A_461 = tpu.memref_squeeze %dma_start3A_460 : memref<1x128x128xf32, #tpu.memory_space<vmem>> -> memref<128x128xf32, #tpu.memory_space<vmem>>
      %dma_start3A_462 = arith.constant 0 : i32
      %dma_start3A_463 = tpu.memref_slice %arg8[%dma_start3A_455, %dma_start3A_456, %dma_start3A_462] : memref<4x2x128xi32, #tpu.memory_space<vmem>> -> memref<1x1x128xi32, #tpu.memory_space<vmem>>
      %dma_start3A_464 = tpu.memref_squeeze %dma_start3A_463 : memref<1x1x128xi32, #tpu.memory_space<vmem>> -> memref<128xi32, #tpu.memory_space<vmem>>
      %dma_start3A_465 = arith.constant 0 : i32
      %dma_start3A_466 = arith.constant 0 : i32
      %dma_start3A_467 = tpu.memref_slice %arg3[%dma_start3A_465, %dma_start3A_466] : memref<10000x128xf32, #tpu.memory_space<hbm>> -> memref<10000x128xf32, #tpu.memory_space<hbm>>
      tpu.enqueue_indirect_dma source(%dma_start3A_467 : memref<10000x128xf32, #tpu.memory_space<hbm>>) target(%dma_start3A_461 : memref<128x128xf32, #tpu.memory_space<vmem>>) offsets(%dma_start3A_464 : memref<128xi32, #tpu.memory_space<vmem>>) semaphore(%arg15 : memref<!tpu.dma_semaphore, #tpu.memory_space<semaphore_mem>>)
      %dma_wait3A_468 = arith.constant 0 : i32
      %dma_wait3A_469 = arith.constant 0 : i32
      %dma_wait3A_470 = arith.constant 0 : i32
      %dma_wait3A_471 = tpu.memref_slice %arg9[%dma_wait3A_468, %dma_wait3A_469, %dma_wait3A_470] : memref<2x128x128xf32, #tpu.memory_space<vmem>> -> memref<1x128x128xf32, #tpu.memory_space<vmem>>
      %dma_wait3A_472 = tpu.memref_squeeze %dma_wait3A_471 : memref<1x128x128xf32, #tpu.memory_space<vmem>> -> memref<128x128xf32, #tpu.memory_space<vmem>>
      %dma_wait3A_473 = arith.constant 0 : i32
      %dma_wait3A_474 = arith.constant 0 : i32
      %dma_wait3A_475 = tpu.memref_slice %arg3[%dma_wait3A_473, %dma_wait3A_474] : memref<10000x128xf32, #tpu.memory_space<hbm>> -> memref<128x128xf32, #tpu.memory_space<hbm>>
      %dma_wait3A_476 = arith.constant 0 : i32
      %dma_wait3A_477 = arith.constant 0 : i32
      %dma_wait3A_478 = tpu.memref_slice %arg9[%dma_wait3A_468, %dma_wait3A_476, %dma_wait3A_477] : memref<2x128x128xf32, #tpu.memory_space<vmem>> -> memref<1x128x128xf32, #tpu.memory_space<vmem>>
      %dma_wait3A_479 = tpu.memref_squeeze %dma_wait3A_478 : memref<1x128x128xf32, #tpu.memory_space<vmem>> -> memref<128x128xf32, #tpu.memory_space<vmem>>
      %dma_wait3A_480 = arith.constant 0 : i32
      %dma_wait3A_481 = arith.constant 0 : i32
      %dma_wait3A_482 = tpu.memref_slice %arg3[%dma_wait3A_480, %dma_wait3A_481] : memref<10000x128xf32, #tpu.memory_space<hbm>> -> memref<128x128xf32, #tpu.memory_space<hbm>>
      tpu.wait_dma2 semaphore(%arg16 : memref<!tpu.dma_semaphore, #tpu.memory_space<semaphore_mem>>) src(%dma_wait3A_482 : memref<128x128xf32, #tpu.memory_space<hbm>>) dst(%dma_wait3A_479 : memref<128x128xf32, #tpu.memory_space<vmem>>)
      %dma_start3A_483 = arith.constant 1 : i32
      %dma_start3A_484 = arith.constant 1 : i32
      %dma_start3A_485 = arith.constant 1 : i32
      %dma_start3A_486 = arith.constant 0 : i32
      %dma_start3A_487 = arith.constant 0 : i32
      %dma_start3A_488 = tpu.memref_slice %arg9[%dma_start3A_483, %dma_start3A_486, %dma_start3A_487] : memref<2x128x128xf32, #tpu.memory_space<vmem>> -> memref<1x128x128xf32, #tpu.memory_space<vmem>>
      %dma_start3A_489 = tpu.memref_squeeze %dma_start3A_488 : memref<1x128x128xf32, #tpu.memory_space<vmem>> -> memref<128x128xf32, #tpu.memory_space<vmem>>
      %dma_start3A_490 = arith.constant 0 : i32
      %dma_start3A_491 = tpu.memref_slice %arg8[%dma_start3A_484, %dma_start3A_485, %dma_start3A_490] : memref<4x2x128xi32, #tpu.memory_space<vmem>> -> memref<1x1x128xi32, #tpu.memory_space<vmem>>
      %dma_start3A_492 = tpu.memref_squeeze %dma_start3A_491 : memref<1x1x128xi32, #tpu.memory_space<vmem>> -> memref<128xi32, #tpu.memory_space<vmem>>
      %dma_start3A_493 = arith.constant 0 : i32
      %dma_start3A_494 = arith.constant 0 : i32
      %dma_start3A_495 = tpu.memref_slice %arg10[%dma_start3A_493, %dma_start3A_494] : memref<10112x128xf32, #tpu.memory_space<vmem_shared>> -> memref<10112x128xf32, #tpu.memory_space<vmem_shared>>
      tpu.enqueue_indirect_dma source(%dma_start3A_489 : memref<128x128xf32, #tpu.memory_space<vmem>>) target(%dma_start3A_495 : memref<10112x128xf32, #tpu.memory_space<vmem_shared>>) offsets(%dma_start3A_492 : memref<128xi32, #tpu.memory_space<vmem>>) semaphore(%arg18 : memref<!tpu.dma_semaphore, #tpu.memory_space<semaphore_mem>>) {add = true}
      %mul3A_496 = arith.constant 4 : i32
      %mul3A_497 = arith.muli %scan3A_393, %mul3A_496 : i32
      %add3A_498 = arith.constant 1 : i32
      %add3A_499 = arith.addi %add3A_498, %mul3A_497 : i32
      %add3A_500 = arith.constant 1 : i32
      %add3A_501 = arith.addi %add3A_499, %add3A_500 : i32
      %add3A_502 = arith.constant 2 : i32
      %add3A_503 = arith.addi %add3A_501, %add3A_502 : i32
      %mul3A_504 = arith.constant 80 : i32
      %mul3A_505 = arith.muli %add3A, %mul3A_504 : i32
      %add3A_506 = arith.addi %mul3A_505, %add3A_503 : i32
      %dma_start3A_507 = arith.constant 0 : i32
      %dma_start3A_508 = arith.constant 0 : i32
      %dma_start3A_509 = arith.constant 0 : i32
      %dma_start3A_510 = tpu.memref_slice %arg8[%dma_start3A_507, %dma_start3A_508, %dma_start3A_509] : memref<4x2x128xi32, #tpu.memory_space<vmem>> -> memref<1x2x128xi32, #tpu.memory_space<vmem>>
      %dma_start3A_511 = tpu.memref_squeeze %dma_start3A_510 : memref<1x2x128xi32, #tpu.memory_space<vmem>> -> memref<2x128xi32, #tpu.memory_space<vmem>>
      %dma_start3A_512 = arith.constant 0 : i32
      %dma_start3A_513 = arith.constant 0 : i32
      %dma_start3A_514 = tpu.memref_slice %arg2[%add3A_506, %dma_start3A_512, %dma_start3A_513] : memref<2560x2x128xi32, #tpu.memory_space<hbm>> -> memref<1x2x128xi32, #tpu.memory_space<hbm>>
      %dma_start3A_515 = tpu.memref_squeeze %dma_start3A_514 : memref<1x2x128xi32, #tpu.memory_space<hbm>> -> memref<2x128xi32, #tpu.memory_space<hbm>>
      %dma_start3A_516 = arith.constant 0 : i32
      %dma_start3A_517 = arith.constant 0 : i32
      %dma_start3A_518 = tpu.memref_slice %arg8[%dma_start3A_507, %dma_start3A_516, %dma_start3A_517] : memref<4x2x128xi32, #tpu.memory_space<vmem>> -> memref<1x2x128xi32, #tpu.memory_space<vmem>>
      %dma_start3A_519 = tpu.memref_squeeze %dma_start3A_518 : memref<1x2x128xi32, #tpu.memory_space<vmem>> -> memref<2x128xi32, #tpu.memory_space<vmem>>
      %dma_start3A_520 = arith.constant 0 : i32
      %dma_start3A_521 = arith.constant 0 : i32
      %dma_start3A_522 = tpu.memref_slice %arg2[%add3A_506, %dma_start3A_520, %dma_start3A_521] : memref<2560x2x128xi32, #tpu.memory_space<hbm>> -> memref<1x2x128xi32, #tpu.memory_space<hbm>>
      %dma_start3A_523 = tpu.memref_squeeze %dma_start3A_522 : memref<1x2x128xi32, #tpu.memory_space<hbm>> -> memref<2x128xi32, #tpu.memory_space<hbm>>
      tpu.enqueue_dma source(%dma_start3A_523 : memref<2x128xi32, #tpu.memory_space<hbm>>) target(%dma_start3A_519 : memref<2x128xi32, #tpu.memory_space<vmem>>) target_semaphore(%arg11 : memref<!tpu.dma_semaphore, #tpu.memory_space<semaphore_mem>>)
      %dma_wait3A_524 = arith.constant 0 : i32
      %dma_wait3A_525 = arith.constant 0 : i32
      %dma_wait3A_526 = arith.constant 0 : i32
      %dma_wait3A_527 = tpu.memref_slice %arg9[%dma_wait3A_524, %dma_wait3A_525, %dma_wait3A_526] : memref<2x128x128xf32, #tpu.memory_space<vmem>> -> memref<1x128x128xf32, #tpu.memory_space<vmem>>
      %dma_wait3A_528 = tpu.memref_squeeze %dma_wait3A_527 : memref<1x128x128xf32, #tpu.memory_space<vmem>> -> memref<128x128xf32, #tpu.memory_space<vmem>>
      %dma_wait3A_529 = arith.constant 0 : i32
      %dma_wait3A_530 = arith.constant 0 : i32
      %dma_wait3A_531 = tpu.memref_slice %arg3[%dma_wait3A_529, %dma_wait3A_530] : memref<10000x128xf32, #tpu.memory_space<hbm>> -> memref<128x128xf32, #tpu.memory_space<hbm>>
      %dma_wait3A_532 = arith.constant 0 : i32
      %dma_wait3A_533 = arith.constant 0 : i32
      %dma_wait3A_534 = tpu.memref_slice %arg9[%dma_wait3A_524, %dma_wait3A_532, %dma_wait3A_533] : memref<2x128x128xf32, #tpu.memory_space<vmem>> -> memref<1x128x128xf32, #tpu.memory_space<vmem>>
      %dma_wait3A_535 = tpu.memref_squeeze %dma_wait3A_534 : memref<1x128x128xf32, #tpu.memory_space<vmem>> -> memref<128x128xf32, #tpu.memory_space<vmem>>
      %dma_wait3A_536 = arith.constant 0 : i32
      %dma_wait3A_537 = arith.constant 0 : i32
      %dma_wait3A_538 = tpu.memref_slice %arg3[%dma_wait3A_536, %dma_wait3A_537] : memref<10000x128xf32, #tpu.memory_space<hbm>> -> memref<128x128xf32, #tpu.memory_space<hbm>>
      tpu.wait_dma2 semaphore(%arg18 : memref<!tpu.dma_semaphore, #tpu.memory_space<semaphore_mem>>) src(%dma_wait3A_538 : memref<128x128xf32, #tpu.memory_space<hbm>>) dst(%dma_wait3A_535 : memref<128x128xf32, #tpu.memory_space<vmem>>)
      %dma_wait3A_539 = arith.constant 0 : i32
      %dma_wait3A_540 = arith.constant 0 : i32
      %dma_wait3A_541 = arith.constant 0 : i32
      %dma_wait3A_542 = arith.constant 0 : i32
      %dma_wait3A_543 = tpu.memref_slice %arg8[%dma_wait3A_540, %dma_wait3A_541, %dma_wait3A_542] : memref<4x2x128xi32, #tpu.memory_space<vmem>> -> memref<1x2x128xi32, #tpu.memory_space<vmem>>
      %dma_wait3A_544 = tpu.memref_squeeze %dma_wait3A_543 : memref<1x2x128xi32, #tpu.memory_space<vmem>> -> memref<2x128xi32, #tpu.memory_space<vmem>>
      %dma_wait3A_545 = arith.constant 0 : i32
      %dma_wait3A_546 = arith.constant 0 : i32
      %dma_wait3A_547 = tpu.memref_slice %arg2[%dma_wait3A_539, %dma_wait3A_545, %dma_wait3A_546] : memref<2560x2x128xi32, #tpu.memory_space<hbm>> -> memref<1x2x128xi32, #tpu.memory_space<hbm>>
      %dma_wait3A_548 = tpu.memref_squeeze %dma_wait3A_547 : memref<1x2x128xi32, #tpu.memory_space<hbm>> -> memref<2x128xi32, #tpu.memory_space<hbm>>
      %dma_wait3A_549 = arith.constant 0 : i32
      %dma_wait3A_550 = arith.constant 0 : i32
      %dma_wait3A_551 = tpu.memref_slice %arg8[%dma_wait3A_540, %dma_wait3A_549, %dma_wait3A_550] : memref<4x2x128xi32, #tpu.memory_space<vmem>> -> memref<1x2x128xi32, #tpu.memory_space<vmem>>
      %dma_wait3A_552 = tpu.memref_squeeze %dma_wait3A_551 : memref<1x2x128xi32, #tpu.memory_space<vmem>> -> memref<2x128xi32, #tpu.memory_space<vmem>>
      %dma_wait3A_553 = arith.constant 0 : i32
      %dma_wait3A_554 = arith.constant 0 : i32
      %dma_wait3A_555 = tpu.memref_slice %arg2[%dma_wait3A_539, %dma_wait3A_553, %dma_wait3A_554] : memref<2560x2x128xi32, #tpu.memory_space<hbm>> -> memref<1x2x128xi32, #tpu.memory_space<hbm>>
      %dma_wait3A_556 = tpu.memref_squeeze %dma_wait3A_555 : memref<1x2x128xi32, #tpu.memory_space<hbm>> -> memref<2x128xi32, #tpu.memory_space<hbm>>
      tpu.wait_dma2 semaphore(%arg14 : memref<!tpu.dma_semaphore, #tpu.memory_space<semaphore_mem>>) src(%dma_wait3A_556 : memref<2x128xi32, #tpu.memory_space<hbm>>) dst(%dma_wait3A_552 : memref<2x128xi32, #tpu.memory_space<vmem>>)
      %dma_start3A_557 = arith.constant 3 : i32
      %dma_start3A_558 = arith.constant 0 : i32
      %dma_start3A_559 = arith.constant 1 : i32
      %dma_start3A_560 = arith.constant 0 : i32
      %dma_start3A_561 = arith.constant 0 : i32
      %dma_start3A_562 = tpu.memref_slice %arg9[%dma_start3A_559, %dma_start3A_560, %dma_start3A_561] : memref<2x128x128xf32, #tpu.memory_space<vmem>> -> memref<1x128x128xf32, #tpu.memory_space<vmem>>
      %dma_start3A_563 = tpu.memref_squeeze %dma_start3A_562 : memref<1x128x128xf32, #tpu.memory_space<vmem>> -> memref<128x128xf32, #tpu.memory_space<vmem>>
      %dma_start3A_564 = arith.constant 0 : i32
      %dma_start3A_565 = tpu.memref_slice %arg8[%dma_start3A_557, %dma_start3A_558, %dma_start3A_564] : memref<4x2x128xi32, #tpu.memory_space<vmem>> -> memref<1x1x128xi32, #tpu.memory_space<vmem>>
      %dma_start3A_566 = tpu.memref_squeeze %dma_start3A_565 : memref<1x1x128xi32, #tpu.memory_space<vmem>> -> memref<128xi32, #tpu.memory_space<vmem>>
      %dma_start3A_567 = arith.constant 0 : i32
      %dma_start3A_568 = arith.constant 0 : i32
      %dma_start3A_569 = tpu.memref_slice %arg3[%dma_start3A_567, %dma_start3A_568] : memref<10000x128xf32, #tpu.memory_space<hbm>> -> memref<10000x128xf32, #tpu.memory_space<hbm>>
      tpu.enqueue_indirect_dma source(%dma_start3A_569 : memref<10000x128xf32, #tpu.memory_space<hbm>>) target(%dma_start3A_563 : memref<128x128xf32, #tpu.memory_space<vmem>>) offsets(%dma_start3A_566 : memref<128xi32, #tpu.memory_space<vmem>>) semaphore(%arg16 : memref<!tpu.dma_semaphore, #tpu.memory_space<semaphore_mem>>)
      %dma_wait3A_570 = arith.constant 0 : i32
      %dma_wait3A_571 = arith.constant 0 : i32
      %dma_wait3A_572 = arith.constant 0 : i32
      %dma_wait3A_573 = tpu.memref_slice %arg9[%dma_wait3A_570, %dma_wait3A_571, %dma_wait3A_572] : memref<2x128x128xf32, #tpu.memory_space<vmem>> -> memref<1x128x128xf32, #tpu.memory_space<vmem>>
      %dma_wait3A_574 = tpu.memref_squeeze %dma_wait3A_573 : memref<1x128x128xf32, #tpu.memory_space<vmem>> -> memref<128x128xf32, #tpu.memory_space<vmem>>
      %dma_wait3A_575 = arith.constant 0 : i32
      %dma_wait3A_576 = arith.constant 0 : i32
      %dma_wait3A_577 = tpu.memref_slice %arg3[%dma_wait3A_575, %dma_wait3A_576] : memref<10000x128xf32, #tpu.memory_space<hbm>> -> memref<128x128xf32, #tpu.memory_space<hbm>>
      %dma_wait3A_578 = arith.constant 0 : i32
      %dma_wait3A_579 = arith.constant 0 : i32
      %dma_wait3A_580 = tpu.memref_slice %arg9[%dma_wait3A_570, %dma_wait3A_578, %dma_wait3A_579] : memref<2x128x128xf32, #tpu.memory_space<vmem>> -> memref<1x128x128xf32, #tpu.memory_space<vmem>>
      %dma_wait3A_581 = tpu.memref_squeeze %dma_wait3A_580 : memref<1x128x128xf32, #tpu.memory_space<vmem>> -> memref<128x128xf32, #tpu.memory_space<vmem>>
      %dma_wait3A_582 = arith.constant 0 : i32
      %dma_wait3A_583 = arith.constant 0 : i32
      %dma_wait3A_584 = tpu.memref_slice %arg3[%dma_wait3A_582, %dma_wait3A_583] : memref<10000x128xf32, #tpu.memory_space<hbm>> -> memref<128x128xf32, #tpu.memory_space<hbm>>
      tpu.wait_dma2 semaphore(%arg15 : memref<!tpu.dma_semaphore, #tpu.memory_space<semaphore_mem>>) src(%dma_wait3A_584 : memref<128x128xf32, #tpu.memory_space<hbm>>) dst(%dma_wait3A_581 : memref<128x128xf32, #tpu.memory_space<vmem>>)
      %dma_start3A_585 = arith.constant 0 : i32
      %dma_start3A_586 = arith.constant 2 : i32
      %dma_start3A_587 = arith.constant 1 : i32
      %dma_start3A_588 = arith.constant 0 : i32
      %dma_start3A_589 = arith.constant 0 : i32
      %dma_start3A_590 = tpu.memref_slice %arg9[%dma_start3A_585, %dma_start3A_588, %dma_start3A_589] : memref<2x128x128xf32, #tpu.memory_space<vmem>> -> memref<1x128x128xf32, #tpu.memory_space<vmem>>
      %dma_start3A_591 = tpu.memref_squeeze %dma_start3A_590 : memref<1x128x128xf32, #tpu.memory_space<vmem>> -> memref<128x128xf32, #tpu.memory_space<vmem>>
      %dma_start3A_592 = arith.constant 0 : i32
      %dma_start3A_593 = tpu.memref_slice %arg8[%dma_start3A_586, %dma_start3A_587, %dma_start3A_592] : memref<4x2x128xi32, #tpu.memory_space<vmem>> -> memref<1x1x128xi32, #tpu.memory_space<vmem>>
      %dma_start3A_594 = tpu.memref_squeeze %dma_start3A_593 : memref<1x1x128xi32, #tpu.memory_space<vmem>> -> memref<128xi32, #tpu.memory_space<vmem>>
      %dma_start3A_595 = arith.constant 0 : i32
      %dma_start3A_596 = arith.constant 0 : i32
      %dma_start3A_597 = tpu.memref_slice %arg10[%dma_start3A_595, %dma_start3A_596] : memref<10112x128xf32, #tpu.memory_space<vmem_shared>> -> memref<10112x128xf32, #tpu.memory_space<vmem_shared>>
      tpu.enqueue_indirect_dma source(%dma_start3A_591 : memref<128x128xf32, #tpu.memory_space<vmem>>) target(%dma_start3A_597 : memref<10112x128xf32, #tpu.memory_space<vmem_shared>>) offsets(%dma_start3A_594 : memref<128xi32, #tpu.memory_space<vmem>>) semaphore(%arg17 : memref<!tpu.dma_semaphore, #tpu.memory_space<semaphore_mem>>) {add = true}
      %mul3A_598 = arith.constant 4 : i32
      %mul3A_599 = arith.muli %scan3A_393, %mul3A_598 : i32
      %add3A_600 = arith.constant 1 : i32
      %add3A_601 = arith.addi %add3A_600, %mul3A_599 : i32
      %add3A_602 = arith.constant 2 : i32
      %add3A_603 = arith.addi %add3A_601, %add3A_602 : i32
      %add3A_604 = arith.constant 2 : i32
      %add3A_605 = arith.addi %add3A_603, %add3A_604 : i32
      %mul3A_606 = arith.constant 80 : i32
      %mul3A_607 = arith.muli %add3A, %mul3A_606 : i32
      %add3A_608 = arith.addi %mul3A_607, %add3A_605 : i32
      %dma_start3A_609 = arith.constant 1 : i32
      %dma_start3A_610 = arith.constant 0 : i32
      %dma_start3A_611 = arith.constant 0 : i32
      %dma_start3A_612 = tpu.memref_slice %arg8[%dma_start3A_609, %dma_start3A_610, %dma_start3A_611] : memref<4x2x128xi32, #tpu.memory_space<vmem>> -> memref<1x2x128xi32, #tpu.memory_space<vmem>>
      %dma_start3A_613 = tpu.memref_squeeze %dma_start3A_612 : memref<1x2x128xi32, #tpu.memory_space<vmem>> -> memref<2x128xi32, #tpu.memory_space<vmem>>
      %dma_start3A_614 = arith.constant 0 : i32
      %dma_start3A_615 = arith.constant 0 : i32
      %dma_start3A_616 = tpu.memref_slice %arg2[%add3A_608, %dma_start3A_614, %dma_start3A_615] : memref<2560x2x128xi32, #tpu.memory_space<hbm>> -> memref<1x2x128xi32, #tpu.memory_space<hbm>>
      %dma_start3A_617 = tpu.memref_squeeze %dma_start3A_616 : memref<1x2x128xi32, #tpu.memory_space<hbm>> -> memref<2x128xi32, #tpu.memory_space<hbm>>
      %dma_start3A_618 = arith.constant 0 : i32
      %dma_start3A_619 = arith.constant 0 : i32
      %dma_start3A_620 = tpu.memref_slice %arg8[%dma_start3A_609, %dma_start3A_618, %dma_start3A_619] : memref<4x2x128xi32, #tpu.memory_space<vmem>> -> memref<1x2x128xi32, #tpu.memory_space<vmem>>
      %dma_start3A_621 = tpu.memref_squeeze %dma_start3A_620 : memref<1x2x128xi32, #tpu.memory_space<vmem>> -> memref<2x128xi32, #tpu.memory_space<vmem>>
      %dma_start3A_622 = arith.constant 0 : i32
      %dma_start3A_623 = arith.constant 0 : i32
      %dma_start3A_624 = tpu.memref_slice %arg2[%add3A_608, %dma_start3A_622, %dma_start3A_623] : memref<2560x2x128xi32, #tpu.memory_space<hbm>> -> memref<1x2x128xi32, #tpu.memory_space<hbm>>
      %dma_start3A_625 = tpu.memref_squeeze %dma_start3A_624 : memref<1x2x128xi32, #tpu.memory_space<hbm>> -> memref<2x128xi32, #tpu.memory_space<hbm>>
      tpu.enqueue_dma source(%dma_start3A_625 : memref<2x128xi32, #tpu.memory_space<hbm>>) target(%dma_start3A_621 : memref<2x128xi32, #tpu.memory_space<vmem>>) target_semaphore(%arg12 : memref<!tpu.dma_semaphore, #tpu.memory_space<semaphore_mem>>)
      %dma_wait3A_626 = arith.constant 0 : i32
      %dma_wait3A_627 = arith.constant 0 : i32
      %dma_wait3A_628 = arith.constant 0 : i32
      %dma_wait3A_629 = tpu.memref_slice %arg9[%dma_wait3A_626, %dma_wait3A_627, %dma_wait3A_628] : memref<2x128x128xf32, #tpu.memory_space<vmem>> -> memref<1x128x128xf32, #tpu.memory_space<vmem>>
      %dma_wait3A_630 = tpu.memref_squeeze %dma_wait3A_629 : memref<1x128x128xf32, #tpu.memory_space<vmem>> -> memref<128x128xf32, #tpu.memory_space<vmem>>
      %dma_wait3A_631 = arith.constant 0 : i32
      %dma_wait3A_632 = arith.constant 0 : i32
      %dma_wait3A_633 = tpu.memref_slice %arg3[%dma_wait3A_631, %dma_wait3A_632] : memref<10000x128xf32, #tpu.memory_space<hbm>> -> memref<128x128xf32, #tpu.memory_space<hbm>>
      %dma_wait3A_634 = arith.constant 0 : i32
      %dma_wait3A_635 = arith.constant 0 : i32
      %dma_wait3A_636 = tpu.memref_slice %arg9[%dma_wait3A_626, %dma_wait3A_634, %dma_wait3A_635] : memref<2x128x128xf32, #tpu.memory_space<vmem>> -> memref<1x128x128xf32, #tpu.memory_space<vmem>>
      %dma_wait3A_637 = tpu.memref_squeeze %dma_wait3A_636 : memref<1x128x128xf32, #tpu.memory_space<vmem>> -> memref<128x128xf32, #tpu.memory_space<vmem>>
      %dma_wait3A_638 = arith.constant 0 : i32
      %dma_wait3A_639 = arith.constant 0 : i32
      %dma_wait3A_640 = tpu.memref_slice %arg3[%dma_wait3A_638, %dma_wait3A_639] : memref<10000x128xf32, #tpu.memory_space<hbm>> -> memref<128x128xf32, #tpu.memory_space<hbm>>
      tpu.wait_dma2 semaphore(%arg17 : memref<!tpu.dma_semaphore, #tpu.memory_space<semaphore_mem>>) src(%dma_wait3A_640 : memref<128x128xf32, #tpu.memory_space<hbm>>) dst(%dma_wait3A_637 : memref<128x128xf32, #tpu.memory_space<vmem>>)
      %dma_wait3A_641 = arith.constant 0 : i32
      %dma_wait3A_642 = arith.constant 0 : i32
      %dma_wait3A_643 = arith.constant 0 : i32
      %dma_wait3A_644 = arith.constant 0 : i32
      %dma_wait3A_645 = tpu.memref_slice %arg8[%dma_wait3A_642, %dma_wait3A_643, %dma_wait3A_644] : memref<4x2x128xi32, #tpu.memory_space<vmem>> -> memref<1x2x128xi32, #tpu.memory_space<vmem>>
      %dma_wait3A_646 = tpu.memref_squeeze %dma_wait3A_645 : memref<1x2x128xi32, #tpu.memory_space<vmem>> -> memref<2x128xi32, #tpu.memory_space<vmem>>
      %dma_wait3A_647 = arith.constant 0 : i32
      %dma_wait3A_648 = arith.constant 0 : i32
      %dma_wait3A_649 = tpu.memref_slice %arg2[%dma_wait3A_641, %dma_wait3A_647, %dma_wait3A_648] : memref<2560x2x128xi32, #tpu.memory_space<hbm>> -> memref<1x2x128xi32, #tpu.memory_space<hbm>>
      %dma_wait3A_650 = tpu.memref_squeeze %dma_wait3A_649 : memref<1x2x128xi32, #tpu.memory_space<hbm>> -> memref<2x128xi32, #tpu.memory_space<hbm>>
      %dma_wait3A_651 = arith.constant 0 : i32
      %dma_wait3A_652 = arith.constant 0 : i32
      %dma_wait3A_653 = tpu.memref_slice %arg8[%dma_wait3A_642, %dma_wait3A_651, %dma_wait3A_652] : memref<4x2x128xi32, #tpu.memory_space<vmem>> -> memref<1x2x128xi32, #tpu.memory_space<vmem>>
      %dma_wait3A_654 = tpu.memref_squeeze %dma_wait3A_653 : memref<1x2x128xi32, #tpu.memory_space<vmem>> -> memref<2x128xi32, #tpu.memory_space<vmem>>
      %dma_wait3A_655 = arith.constant 0 : i32
      %dma_wait3A_656 = arith.constant 0 : i32
      %dma_wait3A_657 = tpu.memref_slice %arg2[%dma_wait3A_641, %dma_wait3A_655, %dma_wait3A_656] : memref<2560x2x128xi32, #tpu.memory_space<hbm>> -> memref<1x2x128xi32, #tpu.memory_space<hbm>>
      %dma_wait3A_658 = tpu.memref_squeeze %dma_wait3A_657 : memref<1x2x128xi32, #tpu.memory_space<hbm>> -> memref<2x128xi32, #tpu.memory_space<hbm>>
      tpu.wait_dma2 semaphore(%arg11 : memref<!tpu.dma_semaphore, #tpu.memory_space<semaphore_mem>>) src(%dma_wait3A_658 : memref<2x128xi32, #tpu.memory_space<hbm>>) dst(%dma_wait3A_654 : memref<2x128xi32, #tpu.memory_space<vmem>>)
      %dma_start3A_659 = arith.constant 0 : i32
      %dma_start3A_660 = arith.constant 0 : i32
      %dma_start3A_661 = arith.constant 0 : i32
      %dma_start3A_662 = arith.constant 0 : i32
      %dma_start3A_663 = arith.constant 0 : i32
      %dma_start3A_664 = tpu.memref_slice %arg9[%dma_start3A_661, %dma_start3A_662, %dma_start3A_663] : memref<2x128x128xf32, #tpu.memory_space<vmem>> -> memref<1x128x128xf32, #tpu.memory_space<vmem>>
      %dma_start3A_665 = tpu.memref_squeeze %dma_start3A_664 : memref<1x128x128xf32, #tpu.memory_space<vmem>> -> memref<128x128xf32, #tpu.memory_space<vmem>>
      %dma_start3A_666 = arith.constant 0 : i32
      %dma_start3A_667 = tpu.memref_slice %arg8[%dma_start3A_659, %dma_start3A_660, %dma_start3A_666] : memref<4x2x128xi32, #tpu.memory_space<vmem>> -> memref<1x1x128xi32, #tpu.memory_space<vmem>>
      %dma_start3A_668 = tpu.memref_squeeze %dma_start3A_667 : memref<1x1x128xi32, #tpu.memory_space<vmem>> -> memref<128xi32, #tpu.memory_space<vmem>>
      %dma_start3A_669 = arith.constant 0 : i32
      %dma_start3A_670 = arith.constant 0 : i32
      %dma_start3A_671 = tpu.memref_slice %arg3[%dma_start3A_669, %dma_start3A_670] : memref<10000x128xf32, #tpu.memory_space<hbm>> -> memref<10000x128xf32, #tpu.memory_space<hbm>>
      tpu.enqueue_indirect_dma source(%dma_start3A_671 : memref<10000x128xf32, #tpu.memory_space<hbm>>) target(%dma_start3A_665 : memref<128x128xf32, #tpu.memory_space<vmem>>) offsets(%dma_start3A_668 : memref<128xi32, #tpu.memory_space<vmem>>) semaphore(%arg15 : memref<!tpu.dma_semaphore, #tpu.memory_space<semaphore_mem>>)
      %dma_wait3A_672 = arith.constant 0 : i32
      %dma_wait3A_673 = arith.constant 0 : i32
      %dma_wait3A_674 = arith.constant 0 : i32
      %dma_wait3A_675 = tpu.memref_slice %arg9[%dma_wait3A_672, %dma_wait3A_673, %dma_wait3A_674] : memref<2x128x128xf32, #tpu.memory_space<vmem>> -> memref<1x128x128xf32, #tpu.memory_space<vmem>>
      %dma_wait3A_676 = tpu.memref_squeeze %dma_wait3A_675 : memref<1x128x128xf32, #tpu.memory_space<vmem>> -> memref<128x128xf32, #tpu.memory_space<vmem>>
      %dma_wait3A_677 = arith.constant 0 : i32
      %dma_wait3A_678 = arith.constant 0 : i32
      %dma_wait3A_679 = tpu.memref_slice %arg3[%dma_wait3A_677, %dma_wait3A_678] : memref<10000x128xf32, #tpu.memory_space<hbm>> -> memref<128x128xf32, #tpu.memory_space<hbm>>
      %dma_wait3A_680 = arith.constant 0 : i32
      %dma_wait3A_681 = arith.constant 0 : i32
      %dma_wait3A_682 = tpu.memref_slice %arg9[%dma_wait3A_672, %dma_wait3A_680, %dma_wait3A_681] : memref<2x128x128xf32, #tpu.memory_space<vmem>> -> memref<1x128x128xf32, #tpu.memory_space<vmem>>
      %dma_wait3A_683 = tpu.memref_squeeze %dma_wait3A_682 : memref<1x128x128xf32, #tpu.memory_space<vmem>> -> memref<128x128xf32, #tpu.memory_space<vmem>>
      %dma_wait3A_684 = arith.constant 0 : i32
      %dma_wait3A_685 = arith.constant 0 : i32
      %dma_wait3A_686 = tpu.memref_slice %arg3[%dma_wait3A_684, %dma_wait3A_685] : memref<10000x128xf32, #tpu.memory_space<hbm>> -> memref<128x128xf32, #tpu.memory_space<hbm>>
      tpu.wait_dma2 semaphore(%arg16 : memref<!tpu.dma_semaphore, #tpu.memory_space<semaphore_mem>>) src(%dma_wait3A_686 : memref<128x128xf32, #tpu.memory_space<hbm>>) dst(%dma_wait3A_683 : memref<128x128xf32, #tpu.memory_space<vmem>>)
      %dma_start3A_687 = arith.constant 1 : i32
      %dma_start3A_688 = arith.constant 3 : i32
      %dma_start3A_689 = arith.constant 1 : i32
      %dma_start3A_690 = arith.constant 0 : i32
      %dma_start3A_691 = arith.constant 0 : i32
      %dma_start3A_692 = tpu.memref_slice %arg9[%dma_start3A_687, %dma_start3A_690, %dma_start3A_691] : memref<2x128x128xf32, #tpu.memory_space<vmem>> -> memref<1x128x128xf32, #tpu.memory_space<vmem>>
      %dma_start3A_693 = tpu.memref_squeeze %dma_start3A_692 : memref<1x128x128xf32, #tpu.memory_space<vmem>> -> memref<128x128xf32, #tpu.memory_space<vmem>>
      %dma_start3A_694 = arith.constant 0 : i32
      %dma_start3A_695 = tpu.memref_slice %arg8[%dma_start3A_688, %dma_start3A_689, %dma_start3A_694] : memref<4x2x128xi32, #tpu.memory_space<vmem>> -> memref<1x1x128xi32, #tpu.memory_space<vmem>>
      %dma_start3A_696 = tpu.memref_squeeze %dma_start3A_695 : memref<1x1x128xi32, #tpu.memory_space<vmem>> -> memref<128xi32, #tpu.memory_space<vmem>>
      %dma_start3A_697 = arith.constant 0 : i32
      %dma_start3A_698 = arith.constant 0 : i32
      %dma_start3A_699 = tpu.memref_slice %arg10[%dma_start3A_697, %dma_start3A_698] : memref<10112x128xf32, #tpu.memory_space<vmem_shared>> -> memref<10112x128xf32, #tpu.memory_space<vmem_shared>>
      tpu.enqueue_indirect_dma source(%dma_start3A_693 : memref<128x128xf32, #tpu.memory_space<vmem>>) target(%dma_start3A_699 : memref<10112x128xf32, #tpu.memory_space<vmem_shared>>) offsets(%dma_start3A_696 : memref<128xi32, #tpu.memory_space<vmem>>) semaphore(%arg18 : memref<!tpu.dma_semaphore, #tpu.memory_space<semaphore_mem>>) {add = true}
      %mul3A_700 = arith.constant 4 : i32
      %mul3A_701 = arith.muli %scan3A_393, %mul3A_700 : i32
      %add3A_702 = arith.constant 1 : i32
      %add3A_703 = arith.addi %add3A_702, %mul3A_701 : i32
      %add3A_704 = arith.constant 3 : i32
      %add3A_705 = arith.addi %add3A_703, %add3A_704 : i32
      %add3A_706 = arith.constant 2 : i32
      %add3A_707 = arith.addi %add3A_705, %add3A_706 : i32
      %mul3A_708 = arith.constant 80 : i32
      %mul3A_709 = arith.muli %add3A, %mul3A_708 : i32
      %add3A_710 = arith.addi %mul3A_709, %add3A_707 : i32
      %dma_start3A_711 = arith.constant 2 : i32
      %dma_start3A_712 = arith.constant 0 : i32
      %dma_start3A_713 = arith.constant 0 : i32
      %dma_start3A_714 = tpu.memref_slice %arg8[%dma_start3A_711, %dma_start3A_712, %dma_start3A_713] : memref<4x2x128xi32, #tpu.memory_space<vmem>> -> memref<1x2x128xi32, #tpu.memory_space<vmem>>
      %dma_start3A_715 = tpu.memref_squeeze %dma_start3A_714 : memref<1x2x128xi32, #tpu.memory_space<vmem>> -> memref<2x128xi32, #tpu.memory_space<vmem>>
      %dma_start3A_716 = arith.constant 0 : i32
      %dma_start3A_717 = arith.constant 0 : i32
      %dma_start3A_718 = tpu.memref_slice %arg2[%add3A_710, %dma_start3A_716, %dma_start3A_717] : memref<2560x2x128xi32, #tpu.memory_space<hbm>> -> memref<1x2x128xi32, #tpu.memory_space<hbm>>
      %dma_start3A_719 = tpu.memref_squeeze %dma_start3A_718 : memref<1x2x128xi32, #tpu.memory_space<hbm>> -> memref<2x128xi32, #tpu.memory_space<hbm>>
      %dma_start3A_720 = arith.constant 0 : i32
      %dma_start3A_721 = arith.constant 0 : i32
      %dma_start3A_722 = tpu.memref_slice %arg8[%dma_start3A_711, %dma_start3A_720, %dma_start3A_721] : memref<4x2x128xi32, #tpu.memory_space<vmem>> -> memref<1x2x128xi32, #tpu.memory_space<vmem>>
      %dma_start3A_723 = tpu.memref_squeeze %dma_start3A_722 : memref<1x2x128xi32, #tpu.memory_space<vmem>> -> memref<2x128xi32, #tpu.memory_space<vmem>>
      %dma_start3A_724 = arith.constant 0 : i32
      %dma_start3A_725 = arith.constant 0 : i32
      %dma_start3A_726 = tpu.memref_slice %arg2[%add3A_710, %dma_start3A_724, %dma_start3A_725] : memref<2560x2x128xi32, #tpu.memory_space<hbm>> -> memref<1x2x128xi32, #tpu.memory_space<hbm>>
      %dma_start3A_727 = tpu.memref_squeeze %dma_start3A_726 : memref<1x2x128xi32, #tpu.memory_space<hbm>> -> memref<2x128xi32, #tpu.memory_space<hbm>>
      tpu.enqueue_dma source(%dma_start3A_727 : memref<2x128xi32, #tpu.memory_space<hbm>>) target(%dma_start3A_723 : memref<2x128xi32, #tpu.memory_space<vmem>>) target_semaphore(%arg13 : memref<!tpu.dma_semaphore, #tpu.memory_space<semaphore_mem>>)
      %dma_wait3A_728 = arith.constant 0 : i32
      %dma_wait3A_729 = arith.constant 0 : i32
      %dma_wait3A_730 = arith.constant 0 : i32
      %dma_wait3A_731 = tpu.memref_slice %arg9[%dma_wait3A_728, %dma_wait3A_729, %dma_wait3A_730] : memref<2x128x128xf32, #tpu.memory_space<vmem>> -> memref<1x128x128xf32, #tpu.memory_space<vmem>>
      %dma_wait3A_732 = tpu.memref_squeeze %dma_wait3A_731 : memref<1x128x128xf32, #tpu.memory_space<vmem>> -> memref<128x128xf32, #tpu.memory_space<vmem>>
      %dma_wait3A_733 = arith.constant 0 : i32
      %dma_wait3A_734 = arith.constant 0 : i32
      %dma_wait3A_735 = tpu.memref_slice %arg3[%dma_wait3A_733, %dma_wait3A_734] : memref<10000x128xf32, #tpu.memory_space<hbm>> -> memref<128x128xf32, #tpu.memory_space<hbm>>
      %dma_wait3A_736 = arith.constant 0 : i32
      %dma_wait3A_737 = arith.constant 0 : i32
      %dma_wait3A_738 = tpu.memref_slice %arg9[%dma_wait3A_728, %dma_wait3A_736, %dma_wait3A_737] : memref<2x128x128xf32, #tpu.memory_space<vmem>> -> memref<1x128x128xf32, #tpu.memory_space<vmem>>
      %dma_wait3A_739 = tpu.memref_squeeze %dma_wait3A_738 : memref<1x128x128xf32, #tpu.memory_space<vmem>> -> memref<128x128xf32, #tpu.memory_space<vmem>>
      %dma_wait3A_740 = arith.constant 0 : i32
      %dma_wait3A_741 = arith.constant 0 : i32
      %dma_wait3A_742 = tpu.memref_slice %arg3[%dma_wait3A_740, %dma_wait3A_741] : memref<10000x128xf32, #tpu.memory_space<hbm>> -> memref<128x128xf32, #tpu.memory_space<hbm>>
      tpu.wait_dma2 semaphore(%arg18 : memref<!tpu.dma_semaphore, #tpu.memory_space<semaphore_mem>>) src(%dma_wait3A_742 : memref<128x128xf32, #tpu.memory_space<hbm>>) dst(%dma_wait3A_739 : memref<128x128xf32, #tpu.memory_space<vmem>>)
      %dma_wait3A_743 = arith.constant 0 : i32
      %dma_wait3A_744 = arith.constant 0 : i32
      %dma_wait3A_745 = arith.constant 0 : i32
      %dma_wait3A_746 = arith.constant 0 : i32
      %dma_wait3A_747 = tpu.memref_slice %arg8[%dma_wait3A_744, %dma_wait3A_745, %dma_wait3A_746] : memref<4x2x128xi32, #tpu.memory_space<vmem>> -> memref<1x2x128xi32, #tpu.memory_space<vmem>>
      %dma_wait3A_748 = tpu.memref_squeeze %dma_wait3A_747 : memref<1x2x128xi32, #tpu.memory_space<vmem>> -> memref<2x128xi32, #tpu.memory_space<vmem>>
      %dma_wait3A_749 = arith.constant 0 : i32
      %dma_wait3A_750 = arith.constant 0 : i32
      %dma_wait3A_751 = tpu.memref_slice %arg2[%dma_wait3A_743, %dma_wait3A_749, %dma_wait3A_750] : memref<2560x2x128xi32, #tpu.memory_space<hbm>> -> memref<1x2x128xi32, #tpu.memory_space<hbm>>
      %dma_wait3A_752 = tpu.memref_squeeze %dma_wait3A_751 : memref<1x2x128xi32, #tpu.memory_space<hbm>> -> memref<2x128xi32, #tpu.memory_space<hbm>>
      %dma_wait3A_753 = arith.constant 0 : i32
      %dma_wait3A_754 = arith.constant 0 : i32
      %dma_wait3A_755 = tpu.memref_slice %arg8[%dma_wait3A_744, %dma_wait3A_753, %dma_wait3A_754] : memref<4x2x128xi32, #tpu.memory_space<vmem>> -> memref<1x2x128xi32, #tpu.memory_space<vmem>>
      %dma_wait3A_756 = tpu.memref_squeeze %dma_wait3A_755 : memref<1x2x128xi32, #tpu.memory_space<vmem>> -> memref<2x128xi32, #tpu.memory_space<vmem>>
      %dma_wait3A_757 = arith.constant 0 : i32
      %dma_wait3A_758 = arith.constant 0 : i32
      %dma_wait3A_759 = tpu.memref_slice %arg2[%dma_wait3A_743, %dma_wait3A_757, %dma_wait3A_758] : memref<2560x2x128xi32, #tpu.memory_space<hbm>> -> memref<1x2x128xi32, #tpu.memory_space<hbm>>
      %dma_wait3A_760 = tpu.memref_squeeze %dma_wait3A_759 : memref<1x2x128xi32, #tpu.memory_space<hbm>> -> memref<2x128xi32, #tpu.memory_space<hbm>>
      tpu.wait_dma2 semaphore(%arg12 : memref<!tpu.dma_semaphore, #tpu.memory_space<semaphore_mem>>) src(%dma_wait3A_760 : memref<2x128xi32, #tpu.memory_space<hbm>>) dst(%dma_wait3A_756 : memref<2x128xi32, #tpu.memory_space<vmem>>)
      %dma_start3A_761 = arith.constant 1 : i32
      %dma_start3A_762 = arith.constant 0 : i32
      %dma_start3A_763 = arith.constant 1 : i32
      %dma_start3A_764 = arith.constant 0 : i32
      %dma_start3A_765 = arith.constant 0 : i32
      %dma_start3A_766 = tpu.memref_slice %arg9[%dma_start3A_763, %dma_start3A_764, %dma_start3A_765] : memref<2x128x128xf32, #tpu.memory_space<vmem>> -> memref<1x128x128xf32, #tpu.memory_space<vmem>>
      %dma_start3A_767 = tpu.memref_squeeze %dma_start3A_766 : memref<1x128x128xf32, #tpu.memory_space<vmem>> -> memref<128x128xf32, #tpu.memory_space<vmem>>
      %dma_start3A_768 = arith.constant 0 : i32
      %dma_start3A_769 = tpu.memref_slice %arg8[%dma_start3A_761, %dma_start3A_762, %dma_start3A_768] : memref<4x2x128xi32, #tpu.memory_space<vmem>> -> memref<1x1x128xi32, #tpu.memory_space<vmem>>
      %dma_start3A_770 = tpu.memref_squeeze %dma_start3A_769 : memref<1x1x128xi32, #tpu.memory_space<vmem>> -> memref<128xi32, #tpu.memory_space<vmem>>
      %dma_start3A_771 = arith.constant 0 : i32
      %dma_start3A_772 = arith.constant 0 : i32
      %dma_start3A_773 = tpu.memref_slice %arg3[%dma_start3A_771, %dma_start3A_772] : memref<10000x128xf32, #tpu.memory_space<hbm>> -> memref<10000x128xf32, #tpu.memory_space<hbm>>
      tpu.enqueue_indirect_dma source(%dma_start3A_773 : memref<10000x128xf32, #tpu.memory_space<hbm>>) target(%dma_start3A_767 : memref<128x128xf32, #tpu.memory_space<vmem>>) offsets(%dma_start3A_770 : memref<128xi32, #tpu.memory_space<vmem>>) semaphore(%arg16 : memref<!tpu.dma_semaphore, #tpu.memory_space<semaphore_mem>>)
      %dma_wait3A_774 = arith.constant 0 : i32
      %dma_wait3A_775 = arith.constant 0 : i32
      %dma_wait3A_776 = arith.constant 0 : i32
      %dma_wait3A_777 = tpu.memref_slice %arg9[%dma_wait3A_774, %dma_wait3A_775, %dma_wait3A_776] : memref<2x128x128xf32, #tpu.memory_space<vmem>> -> memref<1x128x128xf32, #tpu.memory_space<vmem>>
      %dma_wait3A_778 = tpu.memref_squeeze %dma_wait3A_777 : memref<1x128x128xf32, #tpu.memory_space<vmem>> -> memref<128x128xf32, #tpu.memory_space<vmem>>
      %dma_wait3A_779 = arith.constant 0 : i32
      %dma_wait3A_780 = arith.constant 0 : i32
      %dma_wait3A_781 = tpu.memref_slice %arg3[%dma_wait3A_779, %dma_wait3A_780] : memref<10000x128xf32, #tpu.memory_space<hbm>> -> memref<128x128xf32, #tpu.memory_space<hbm>>
      %dma_wait3A_782 = arith.constant 0 : i32
      %dma_wait3A_783 = arith.constant 0 : i32
      %dma_wait3A_784 = tpu.memref_slice %arg9[%dma_wait3A_774, %dma_wait3A_782, %dma_wait3A_783] : memref<2x128x128xf32, #tpu.memory_space<vmem>> -> memref<1x128x128xf32, #tpu.memory_space<vmem>>
      %dma_wait3A_785 = tpu.memref_squeeze %dma_wait3A_784 : memref<1x128x128xf32, #tpu.memory_space<vmem>> -> memref<128x128xf32, #tpu.memory_space<vmem>>
      %dma_wait3A_786 = arith.constant 0 : i32
      %dma_wait3A_787 = arith.constant 0 : i32
      %dma_wait3A_788 = tpu.memref_slice %arg3[%dma_wait3A_786, %dma_wait3A_787] : memref<10000x128xf32, #tpu.memory_space<hbm>> -> memref<128x128xf32, #tpu.memory_space<hbm>>
      tpu.wait_dma2 semaphore(%arg15 : memref<!tpu.dma_semaphore, #tpu.memory_space<semaphore_mem>>) src(%dma_wait3A_788 : memref<128x128xf32, #tpu.memory_space<hbm>>) dst(%dma_wait3A_785 : memref<128x128xf32, #tpu.memory_space<vmem>>)
      %dma_start3A_789 = arith.constant 0 : i32
      %dma_start3A_790 = arith.constant 0 : i32
      %dma_start3A_791 = arith.constant 1 : i32
      %dma_start3A_792 = arith.constant 0 : i32
      %dma_start3A_793 = arith.constant 0 : i32
      %dma_start3A_794 = tpu.memref_slice %arg9[%dma_start3A_789, %dma_start3A_792, %dma_start3A_793] : memref<2x128x128xf32, #tpu.memory_space<vmem>> -> memref<1x128x128xf32, #tpu.memory_space<vmem>>
      %dma_start3A_795 = tpu.memref_squeeze %dma_start3A_794 : memref<1x128x128xf32, #tpu.memory_space<vmem>> -> memref<128x128xf32, #tpu.memory_space<vmem>>
      %dma_start3A_796 = arith.constant 0 : i32
      %dma_start3A_797 = tpu.memref_slice %arg8[%dma_start3A_790, %dma_start3A_791, %dma_start3A_796] : memref<4x2x128xi32, #tpu.memory_space<vmem>> -> memref<1x1x128xi32, #tpu.memory_space<vmem>>
      %dma_start3A_798 = tpu.memref_squeeze %dma_start3A_797 : memref<1x1x128xi32, #tpu.memory_space<vmem>> -> memref<128xi32, #tpu.memory_space<vmem>>
      %dma_start3A_799 = arith.constant 0 : i32
      %dma_start3A_800 = arith.constant 0 : i32
      %dma_start3A_801 = tpu.memref_slice %arg10[%dma_start3A_799, %dma_start3A_800] : memref<10112x128xf32, #tpu.memory_space<vmem_shared>> -> memref<10112x128xf32, #tpu.memory_space<vmem_shared>>
      tpu.enqueue_indirect_dma source(%dma_start3A_795 : memref<128x128xf32, #tpu.memory_space<vmem>>) target(%dma_start3A_801 : memref<10112x128xf32, #tpu.memory_space<vmem_shared>>) offsets(%dma_start3A_798 : memref<128xi32, #tpu.memory_space<vmem>>) semaphore(%arg17 : memref<!tpu.dma_semaphore, #tpu.memory_space<semaphore_mem>>) {add = true}
    }
    %scan3A_158 = arith.constant 19 : i32
    %mul3A_159 = arith.constant 80 : i32
    %mul3A_160 = arith.muli %add3A, %mul3A_159 : i32
    %add3A_161 = arith.constant 79 : i32
    %add3A_162 = arith.addi %mul3A_160, %add3A_161 : i32
    %dma_start3A_163 = arith.constant 3 : i32
    %dma_start3A_164 = arith.constant 0 : i32
    %dma_start3A_165 = arith.constant 0 : i32
    %dma_start3A_166 = tpu.memref_slice %arg8[%dma_start3A_163, %dma_start3A_164, %dma_start3A_165] : memref<4x2x128xi32, #tpu.memory_space<vmem>> -> memref<1x2x128xi32, #tpu.memory_space<vmem>>
    %dma_start3A_167 = tpu.memref_squeeze %dma_start3A_166 : memref<1x2x128xi32, #tpu.memory_space<vmem>> -> memref<2x128xi32, #tpu.memory_space<vmem>>
    %dma_start3A_168 = arith.constant 0 : i32
    %dma_start3A_169 = arith.constant 0 : i32
    %dma_start3A_170 = tpu.memref_slice %arg2[%add3A_162, %dma_start3A_168, %dma_start3A_169] : memref<2560x2x128xi32, #tpu.memory_space<hbm>> -> memref<1x2x128xi32, #tpu.memory_space<hbm>>
    %dma_start3A_171 = tpu.memref_squeeze %dma_start3A_170 : memref<1x2x128xi32, #tpu.memory_space<hbm>> -> memref<2x128xi32, #tpu.memory_space<hbm>>
    %dma_start3A_172 = arith.constant 0 : i32
    %dma_start3A_173 = arith.constant 0 : i32
    %dma_start3A_174 = tpu.memref_slice %arg8[%dma_start3A_163, %dma_start3A_172, %dma_start3A_173] : memref<4x2x128xi32, #tpu.memory_space<vmem>> -> memref<1x2x128xi32, #tpu.memory_space<vmem>>
    %dma_start3A_175 = tpu.memref_squeeze %dma_start3A_174 : memref<1x2x128xi32, #tpu.memory_space<vmem>> -> memref<2x128xi32, #tpu.memory_space<vmem>>
    %dma_start3A_176 = arith.constant 0 : i32
    %dma_start3A_177 = arith.constant 0 : i32
    %dma_start3A_178 = tpu.memref_slice %arg2[%add3A_162, %dma_start3A_176, %dma_start3A_177] : memref<2560x2x128xi32, #tpu.memory_space<hbm>> -> memref<1x2x128xi32, #tpu.memory_space<hbm>>
    %dma_start3A_179 = tpu.memref_squeeze %dma_start3A_178 : memref<1x2x128xi32, #tpu.memory_space<hbm>> -> memref<2x128xi32, #tpu.memory_space<hbm>>
    tpu.enqueue_dma source(%dma_start3A_179 : memref<2x128xi32, #tpu.memory_space<hbm>>) target(%dma_start3A_175 : memref<2x128xi32, #tpu.memory_space<vmem>>) target_semaphore(%arg14 : memref<!tpu.dma_semaphore, #tpu.memory_space<semaphore_mem>>)
    %dma_wait3A_180 = arith.constant 0 : i32
    %dma_wait3A_181 = arith.constant 0 : i32
    %dma_wait3A_182 = arith.constant 0 : i32
    %dma_wait3A_183 = tpu.memref_slice %arg9[%dma_wait3A_180, %dma_wait3A_181, %dma_wait3A_182] : memref<2x128x128xf32, #tpu.memory_space<vmem>> -> memref<1x128x128xf32, #tpu.memory_space<vmem>>
    %dma_wait3A_184 = tpu.memref_squeeze %dma_wait3A_183 : memref<1x128x128xf32, #tpu.memory_space<vmem>> -> memref<128x128xf32, #tpu.memory_space<vmem>>
    %dma_wait3A_185 = arith.constant 0 : i32
    %dma_wait3A_186 = arith.constant 0 : i32
    %dma_wait3A_187 = tpu.memref_slice %arg3[%dma_wait3A_185, %dma_wait3A_186] : memref<10000x128xf32, #tpu.memory_space<hbm>> -> memref<128x128xf32, #tpu.memory_space<hbm>>
    %dma_wait3A_188 = arith.constant 0 : i32
    %dma_wait3A_189 = arith.constant 0 : i32
    %dma_wait3A_190 = tpu.memref_slice %arg9[%dma_wait3A_180, %dma_wait3A_188, %dma_wait3A_189] : memref<2x128x128xf32, #tpu.memory_space<vmem>> -> memref<1x128x128xf32, #tpu.memory_space<vmem>>
    %dma_wait3A_191 = tpu.memref_squeeze %dma_wait3A_190 : memref<1x128x128xf32, #tpu.memory_space<vmem>> -> memref<128x128xf32, #tpu.memory_space<vmem>>
    %dma_wait3A_192 = arith.constant 0 : i32
    %dma_wait3A_193 = arith.constant 0 : i32
    %dma_wait3A_194 = tpu.memref_slice %arg3[%dma_wait3A_192, %dma_wait3A_193] : memref<10000x128xf32, #tpu.memory_space<hbm>> -> memref<128x128xf32, #tpu.memory_space<hbm>>
    tpu.wait_dma2 semaphore(%arg17 : memref<!tpu.dma_semaphore, #tpu.memory_space<semaphore_mem>>) src(%dma_wait3A_194 : memref<128x128xf32, #tpu.memory_space<hbm>>) dst(%dma_wait3A_191 : memref<128x128xf32, #tpu.memory_space<vmem>>)
    %dma_wait3A_195 = arith.constant 0 : i32
    %dma_wait3A_196 = arith.constant 0 : i32
    %dma_wait3A_197 = arith.constant 0 : i32
    %dma_wait3A_198 = arith.constant 0 : i32
    %dma_wait3A_199 = tpu.memref_slice %arg8[%dma_wait3A_196, %dma_wait3A_197, %dma_wait3A_198] : memref<4x2x128xi32, #tpu.memory_space<vmem>> -> memref<1x2x128xi32, #tpu.memory_space<vmem>>
    %dma_wait3A_200 = tpu.memref_squeeze %dma_wait3A_199 : memref<1x2x128xi32, #tpu.memory_space<vmem>> -> memref<2x128xi32, #tpu.memory_space<vmem>>
    %dma_wait3A_201 = arith.constant 0 : i32
    %dma_wait3A_202 = arith.constant 0 : i32
    %dma_wait3A_203 = tpu.memref_slice %arg2[%dma_wait3A_195, %dma_wait3A_201, %dma_wait3A_202] : memref<2560x2x128xi32, #tpu.memory_space<hbm>> -> memref<1x2x128xi32, #tpu.memory_space<hbm>>
    %dma_wait3A_204 = tpu.memref_squeeze %dma_wait3A_203 : memref<1x2x128xi32, #tpu.memory_space<hbm>> -> memref<2x128xi32, #tpu.memory_space<hbm>>
    %dma_wait3A_205 = arith.constant 0 : i32
    %dma_wait3A_206 = arith.constant 0 : i32
    %dma_wait3A_207 = tpu.memref_slice %arg8[%dma_wait3A_196, %dma_wait3A_205, %dma_wait3A_206] : memref<4x2x128xi32, #tpu.memory_space<vmem>> -> memref<1x2x128xi32, #tpu.memory_space<vmem>>
    %dma_wait3A_208 = tpu.memref_squeeze %dma_wait3A_207 : memref<1x2x128xi32, #tpu.memory_space<vmem>> -> memref<2x128xi32, #tpu.memory_space<vmem>>
    %dma_wait3A_209 = arith.constant 0 : i32
    %dma_wait3A_210 = arith.constant 0 : i32
    %dma_wait3A_211 = tpu.memref_slice %arg2[%dma_wait3A_195, %dma_wait3A_209, %dma_wait3A_210] : memref<2560x2x128xi32, #tpu.memory_space<hbm>> -> memref<1x2x128xi32, #tpu.memory_space<hbm>>
    %dma_wait3A_212 = tpu.memref_squeeze %dma_wait3A_211 : memref<1x2x128xi32, #tpu.memory_space<hbm>> -> memref<2x128xi32, #tpu.memory_space<hbm>>
    tpu.wait_dma2 semaphore(%arg13 : memref<!tpu.dma_semaphore, #tpu.memory_space<semaphore_mem>>) src(%dma_wait3A_212 : memref<2x128xi32, #tpu.memory_space<hbm>>) dst(%dma_wait3A_208 : memref<2x128xi32, #tpu.memory_space<vmem>>)
    %dma_start3A_213 = arith.constant 2 : i32
    %dma_start3A_214 = arith.constant 0 : i32
    %dma_start3A_215 = arith.constant 0 : i32
    %dma_start3A_216 = arith.constant 0 : i32
    %dma_start3A_217 = arith.constant 0 : i32
    %dma_start3A_218 = tpu.memref_slice %arg9[%dma_start3A_215, %dma_start3A_216, %dma_start3A_217] : memref<2x128x128xf32, #tpu.memory_space<vmem>> -> memref<1x128x128xf32, #tpu.memory_space<vmem>>
    %dma_start3A_219 = tpu.memref_squeeze %dma_start3A_218 : memref<1x128x128xf32, #tpu.memory_space<vmem>> -> memref<128x128xf32, #tpu.memory_space<vmem>>
    %dma_start3A_220 = arith.constant 0 : i32
    %dma_start3A_221 = tpu.memref_slice %arg8[%dma_start3A_213, %dma_start3A_214, %dma_start3A_220] : memref<4x2x128xi32, #tpu.memory_space<vmem>> -> memref<1x1x128xi32, #tpu.memory_space<vmem>>
    %dma_start3A_222 = tpu.memref_squeeze %dma_start3A_221 : memref<1x1x128xi32, #tpu.memory_space<vmem>> -> memref<128xi32, #tpu.memory_space<vmem>>
    %dma_start3A_223 = arith.constant 0 : i32
    %dma_start3A_224 = arith.constant 0 : i32
    %dma_start3A_225 = tpu.memref_slice %arg3[%dma_start3A_223, %dma_start3A_224] : memref<10000x128xf32, #tpu.memory_space<hbm>> -> memref<10000x128xf32, #tpu.memory_space<hbm>>
    tpu.enqueue_indirect_dma source(%dma_start3A_225 : memref<10000x128xf32, #tpu.memory_space<hbm>>) target(%dma_start3A_219 : memref<128x128xf32, #tpu.memory_space<vmem>>) offsets(%dma_start3A_222 : memref<128xi32, #tpu.memory_space<vmem>>) semaphore(%arg15 : memref<!tpu.dma_semaphore, #tpu.memory_space<semaphore_mem>>)
    %dma_wait3A_226 = arith.constant 0 : i32
    %dma_wait3A_227 = arith.constant 0 : i32
    %dma_wait3A_228 = arith.constant 0 : i32
    %dma_wait3A_229 = tpu.memref_slice %arg9[%dma_wait3A_226, %dma_wait3A_227, %dma_wait3A_228] : memref<2x128x128xf32, #tpu.memory_space<vmem>> -> memref<1x128x128xf32, #tpu.memory_space<vmem>>
    %dma_wait3A_230 = tpu.memref_squeeze %dma_wait3A_229 : memref<1x128x128xf32, #tpu.memory_space<vmem>> -> memref<128x128xf32, #tpu.memory_space<vmem>>
    %dma_wait3A_231 = arith.constant 0 : i32
    %dma_wait3A_232 = arith.constant 0 : i32
    %dma_wait3A_233 = tpu.memref_slice %arg3[%dma_wait3A_231, %dma_wait3A_232] : memref<10000x128xf32, #tpu.memory_space<hbm>> -> memref<128x128xf32, #tpu.memory_space<hbm>>
    %dma_wait3A_234 = arith.constant 0 : i32
    %dma_wait3A_235 = arith.constant 0 : i32
    %dma_wait3A_236 = tpu.memref_slice %arg9[%dma_wait3A_226, %dma_wait3A_234, %dma_wait3A_235] : memref<2x128x128xf32, #tpu.memory_space<vmem>> -> memref<1x128x128xf32, #tpu.memory_space<vmem>>
    %dma_wait3A_237 = tpu.memref_squeeze %dma_wait3A_236 : memref<1x128x128xf32, #tpu.memory_space<vmem>> -> memref<128x128xf32, #tpu.memory_space<vmem>>
    %dma_wait3A_238 = arith.constant 0 : i32
    %dma_wait3A_239 = arith.constant 0 : i32
    %dma_wait3A_240 = tpu.memref_slice %arg3[%dma_wait3A_238, %dma_wait3A_239] : memref<10000x128xf32, #tpu.memory_space<hbm>> -> memref<128x128xf32, #tpu.memory_space<hbm>>
    tpu.wait_dma2 semaphore(%arg16 : memref<!tpu.dma_semaphore, #tpu.memory_space<semaphore_mem>>) src(%dma_wait3A_240 : memref<128x128xf32, #tpu.memory_space<hbm>>) dst(%dma_wait3A_237 : memref<128x128xf32, #tpu.memory_space<vmem>>)
    %dma_start3A_241 = arith.constant 1 : i32
    %dma_start3A_242 = arith.constant 1 : i32
    %dma_start3A_243 = arith.constant 1 : i32
    %dma_start3A_244 = arith.constant 0 : i32
    %dma_start3A_245 = arith.constant 0 : i32
    %dma_start3A_246 = tpu.memref_slice %arg9[%dma_start3A_241, %dma_start3A_244, %dma_start3A_245] : memref<2x128x128xf32, #tpu.memory_space<vmem>> -> memref<1x128x128xf32, #tpu.memory_space<vmem>>
    %dma_start3A_247 = tpu.memref_squeeze %dma_start3A_246 : memref<1x128x128xf32, #tpu.memory_space<vmem>> -> memref<128x128xf32, #tpu.memory_space<vmem>>
    %dma_start3A_248 = arith.constant 0 : i32
    %dma_start3A_249 = tpu.memref_slice %arg8[%dma_start3A_242, %dma_start3A_243, %dma_start3A_248] : memref<4x2x128xi32, #tpu.memory_space<vmem>> -> memref<1x1x128xi32, #tpu.memory_space<vmem>>
    %dma_start3A_250 = tpu.memref_squeeze %dma_start3A_249 : memref<1x1x128xi32, #tpu.memory_space<vmem>> -> memref<128xi32, #tpu.memory_space<vmem>>
    %dma_start3A_251 = arith.constant 0 : i32
    %dma_start3A_252 = arith.constant 0 : i32
    %dma_start3A_253 = tpu.memref_slice %arg10[%dma_start3A_251, %dma_start3A_252] : memref<10112x128xf32, #tpu.memory_space<vmem_shared>> -> memref<10112x128xf32, #tpu.memory_space<vmem_shared>>
    tpu.enqueue_indirect_dma source(%dma_start3A_247 : memref<128x128xf32, #tpu.memory_space<vmem>>) target(%dma_start3A_253 : memref<10112x128xf32, #tpu.memory_space<vmem_shared>>) offsets(%dma_start3A_250 : memref<128xi32, #tpu.memory_space<vmem>>) semaphore(%arg18 : memref<!tpu.dma_semaphore, #tpu.memory_space<semaphore_mem>>) {add = true}
    %dma_wait3A_254 = arith.constant 0 : i32
    %dma_wait3A_255 = arith.constant 0 : i32
    %dma_wait3A_256 = arith.constant 0 : i32
    %dma_wait3A_257 = tpu.memref_slice %arg9[%dma_wait3A_254, %dma_wait3A_255, %dma_wait3A_256] : memref<2x128x128xf32, #tpu.memory_space<vmem>> -> memref<1x128x128xf32, #tpu.memory_space<vmem>>
    %dma_wait3A_258 = tpu.memref_squeeze %dma_wait3A_257 : memref<1x128x128xf32, #tpu.memory_space<vmem>> -> memref<128x128xf32, #tpu.memory_space<vmem>>
    %dma_wait3A_259 = arith.constant 0 : i32
    %dma_wait3A_260 = arith.constant 0 : i32
    %dma_wait3A_261 = tpu.memref_slice %arg3[%dma_wait3A_259, %dma_wait3A_260] : memref<10000x128xf32, #tpu.memory_space<hbm>> -> memref<128x128xf32, #tpu.memory_space<hbm>>
    %dma_wait3A_262 = arith.constant 0 : i32
    %dma_wait3A_263 = arith.constant 0 : i32
    %dma_wait3A_264 = tpu.memref_slice %arg9[%dma_wait3A_254, %dma_wait3A_262, %dma_wait3A_263] : memref<2x128x128xf32, #tpu.memory_space<vmem>> -> memref<1x128x128xf32, #tpu.memory_space<vmem>>
    %dma_wait3A_265 = tpu.memref_squeeze %dma_wait3A_264 : memref<1x128x128xf32, #tpu.memory_space<vmem>> -> memref<128x128xf32, #tpu.memory_space<vmem>>
    %dma_wait3A_266 = arith.constant 0 : i32
    %dma_wait3A_267 = arith.constant 0 : i32
    %dma_wait3A_268 = tpu.memref_slice %arg3[%dma_wait3A_266, %dma_wait3A_267] : memref<10000x128xf32, #tpu.memory_space<hbm>> -> memref<128x128xf32, #tpu.memory_space<hbm>>
    tpu.wait_dma2 semaphore(%arg18 : memref<!tpu.dma_semaphore, #tpu.memory_space<semaphore_mem>>) src(%dma_wait3A_268 : memref<128x128xf32, #tpu.memory_space<hbm>>) dst(%dma_wait3A_265 : memref<128x128xf32, #tpu.memory_space<vmem>>)
    %dma_wait3A_269 = arith.constant 0 : i32
    %dma_wait3A_270 = arith.constant 0 : i32
    %dma_wait3A_271 = arith.constant 0 : i32
    %dma_wait3A_272 = arith.constant 0 : i32
    %dma_wait3A_273 = tpu.memref_slice %arg8[%dma_wait3A_270, %dma_wait3A_271, %dma_wait3A_272] : memref<4x2x128xi32, #tpu.memory_space<vmem>> -> memref<1x2x128xi32, #tpu.memory_space<vmem>>
    %dma_wait3A_274 = tpu.memref_squeeze %dma_wait3A_273 : memref<1x2x128xi32, #tpu.memory_space<vmem>> -> memref<2x128xi32, #tpu.memory_space<vmem>>
    %dma_wait3A_275 = arith.constant 0 : i32
    %dma_wait3A_276 = arith.constant 0 : i32
    %dma_wait3A_277 = tpu.memref_slice %arg2[%dma_wait3A_269, %dma_wait3A_275, %dma_wait3A_276] : memref<2560x2x128xi32, #tpu.memory_space<hbm>> -> memref<1x2x128xi32, #tpu.memory_space<hbm>>
    %dma_wait3A_278 = tpu.memref_squeeze %dma_wait3A_277 : memref<1x2x128xi32, #tpu.memory_space<hbm>> -> memref<2x128xi32, #tpu.memory_space<hbm>>
    %dma_wait3A_279 = arith.constant 0 : i32
    %dma_wait3A_280 = arith.constant 0 : i32
    %dma_wait3A_281 = tpu.memref_slice %arg8[%dma_wait3A_270, %dma_wait3A_279, %dma_wait3A_280] : memref<4x2x128xi32, #tpu.memory_space<vmem>> -> memref<1x2x128xi32, #tpu.memory_space<vmem>>
    %dma_wait3A_282 = tpu.memref_squeeze %dma_wait3A_281 : memref<1x2x128xi32, #tpu.memory_space<vmem>> -> memref<2x128xi32, #tpu.memory_space<vmem>>
    %dma_wait3A_283 = arith.constant 0 : i32
    %dma_wait3A_284 = arith.constant 0 : i32
    %dma_wait3A_285 = tpu.memref_slice %arg2[%dma_wait3A_269, %dma_wait3A_283, %dma_wait3A_284] : memref<2560x2x128xi32, #tpu.memory_space<hbm>> -> memref<1x2x128xi32, #tpu.memory_space<hbm>>
    %dma_wait3A_286 = tpu.memref_squeeze %dma_wait3A_285 : memref<1x2x128xi32, #tpu.memory_space<hbm>> -> memref<2x128xi32, #tpu.memory_space<hbm>>
    tpu.wait_dma2 semaphore(%arg14 : memref<!tpu.dma_semaphore, #tpu.memory_space<semaphore_mem>>) src(%dma_wait3A_286 : memref<2x128xi32, #tpu.memory_space<hbm>>) dst(%dma_wait3A_282 : memref<2x128xi32, #tpu.memory_space<vmem>>)
    %dma_start3A_287 = arith.constant 3 : i32
    %dma_start3A_288 = arith.constant 0 : i32
    %dma_start3A_289 = arith.constant 1 : i32
    %dma_start3A_290 = arith.constant 0 : i32
    %dma_start3A_291 = arith.constant 0 : i32
    %dma_start3A_292 = tpu.memref_slice %arg9[%dma_start3A_289, %dma_start3A_290, %dma_start3A_291] : memref<2x128x128xf32, #tpu.memory_space<vmem>> -> memref<1x128x128xf32, #tpu.memory_space<vmem>>
    %dma_start3A_293 = tpu.memref_squeeze %dma_start3A_292 : memref<1x128x128xf32, #tpu.memory_space<vmem>> -> memref<128x128xf32, #tpu.memory_space<vmem>>
    %dma_start3A_294 = arith.constant 0 : i32
    %dma_start3A_295 = tpu.memref_slice %arg8[%dma_start3A_287, %dma_start3A_288, %dma_start3A_294] : memref<4x2x128xi32, #tpu.memory_space<vmem>> -> memref<1x1x128xi32, #tpu.memory_space<vmem>>
    %dma_start3A_296 = tpu.memref_squeeze %dma_start3A_295 : memref<1x1x128xi32, #tpu.memory_space<vmem>> -> memref<128xi32, #tpu.memory_space<vmem>>
    %dma_start3A_297 = arith.constant 0 : i32
    %dma_start3A_298 = arith.constant 0 : i32
    %dma_start3A_299 = tpu.memref_slice %arg3[%dma_start3A_297, %dma_start3A_298] : memref<10000x128xf32, #tpu.memory_space<hbm>> -> memref<10000x128xf32, #tpu.memory_space<hbm>>
    tpu.enqueue_indirect_dma source(%dma_start3A_299 : memref<10000x128xf32, #tpu.memory_space<hbm>>) target(%dma_start3A_293 : memref<128x128xf32, #tpu.memory_space<vmem>>) offsets(%dma_start3A_296 : memref<128xi32, #tpu.memory_space<vmem>>) semaphore(%arg16 : memref<!tpu.dma_semaphore, #tpu.memory_space<semaphore_mem>>)
    %dma_wait3A_300 = arith.constant 0 : i32
    %dma_wait3A_301 = arith.constant 0 : i32
    %dma_wait3A_302 = arith.constant 0 : i32
    %dma_wait3A_303 = tpu.memref_slice %arg9[%dma_wait3A_300, %dma_wait3A_301, %dma_wait3A_302] : memref<2x128x128xf32, #tpu.memory_space<vmem>> -> memref<1x128x128xf32, #tpu.memory_space<vmem>>
    %dma_wait3A_304 = tpu.memref_squeeze %dma_wait3A_303 : memref<1x128x128xf32, #tpu.memory_space<vmem>> -> memref<128x128xf32, #tpu.memory_space<vmem>>
    %dma_wait3A_305 = arith.constant 0 : i32
    %dma_wait3A_306 = arith.constant 0 : i32
    %dma_wait3A_307 = tpu.memref_slice %arg3[%dma_wait3A_305, %dma_wait3A_306] : memref<10000x128xf32, #tpu.memory_space<hbm>> -> memref<128x128xf32, #tpu.memory_space<hbm>>
    %dma_wait3A_308 = arith.constant 0 : i32
    %dma_wait3A_309 = arith.constant 0 : i32
    %dma_wait3A_310 = tpu.memref_slice %arg9[%dma_wait3A_300, %dma_wait3A_308, %dma_wait3A_309] : memref<2x128x128xf32, #tpu.memory_space<vmem>> -> memref<1x128x128xf32, #tpu.memory_space<vmem>>
    %dma_wait3A_311 = tpu.memref_squeeze %dma_wait3A_310 : memref<1x128x128xf32, #tpu.memory_space<vmem>> -> memref<128x128xf32, #tpu.memory_space<vmem>>
    %dma_wait3A_312 = arith.constant 0 : i32
    %dma_wait3A_313 = arith.constant 0 : i32
    %dma_wait3A_314 = tpu.memref_slice %arg3[%dma_wait3A_312, %dma_wait3A_313] : memref<10000x128xf32, #tpu.memory_space<hbm>> -> memref<128x128xf32, #tpu.memory_space<hbm>>
    tpu.wait_dma2 semaphore(%arg15 : memref<!tpu.dma_semaphore, #tpu.memory_space<semaphore_mem>>) src(%dma_wait3A_314 : memref<128x128xf32, #tpu.memory_space<hbm>>) dst(%dma_wait3A_311 : memref<128x128xf32, #tpu.memory_space<vmem>>)
    %dma_start3A_315 = arith.constant 0 : i32
    %dma_start3A_316 = arith.constant 2 : i32
    %dma_start3A_317 = arith.constant 1 : i32
    %dma_start3A_318 = arith.constant 0 : i32
    %dma_start3A_319 = arith.constant 0 : i32
    %dma_start3A_320 = tpu.memref_slice %arg9[%dma_start3A_315, %dma_start3A_318, %dma_start3A_319] : memref<2x128x128xf32, #tpu.memory_space<vmem>> -> memref<1x128x128xf32, #tpu.memory_space<vmem>>
    %dma_start3A_321 = tpu.memref_squeeze %dma_start3A_320 : memref<1x128x128xf32, #tpu.memory_space<vmem>> -> memref<128x128xf32, #tpu.memory_space<vmem>>
    %dma_start3A_322 = arith.constant 0 : i32
    %dma_start3A_323 = tpu.memref_slice %arg8[%dma_start3A_316, %dma_start3A_317, %dma_start3A_322] : memref<4x2x128xi32, #tpu.memory_space<vmem>> -> memref<1x1x128xi32, #tpu.memory_space<vmem>>
    %dma_start3A_324 = tpu.memref_squeeze %dma_start3A_323 : memref<1x1x128xi32, #tpu.memory_space<vmem>> -> memref<128xi32, #tpu.memory_space<vmem>>
    %dma_start3A_325 = arith.constant 0 : i32
    %dma_start3A_326 = arith.constant 0 : i32
    %dma_start3A_327 = tpu.memref_slice %arg10[%dma_start3A_325, %dma_start3A_326] : memref<10112x128xf32, #tpu.memory_space<vmem_shared>> -> memref<10112x128xf32, #tpu.memory_space<vmem_shared>>
    tpu.enqueue_indirect_dma source(%dma_start3A_321 : memref<128x128xf32, #tpu.memory_space<vmem>>) target(%dma_start3A_327 : memref<10112x128xf32, #tpu.memory_space<vmem_shared>>) offsets(%dma_start3A_324 : memref<128xi32, #tpu.memory_space<vmem>>) semaphore(%arg17 : memref<!tpu.dma_semaphore, #tpu.memory_space<semaphore_mem>>) {add = true}
    %dma_wait3A_328 = arith.constant 0 : i32
    %dma_wait3A_329 = arith.constant 0 : i32
    %dma_wait3A_330 = arith.constant 0 : i32
    %dma_wait3A_331 = tpu.memref_slice %arg9[%dma_wait3A_328, %dma_wait3A_329, %dma_wait3A_330] : memref<2x128x128xf32, #tpu.memory_space<vmem>> -> memref<1x128x128xf32, #tpu.memory_space<vmem>>
    %dma_wait3A_332 = tpu.memref_squeeze %dma_wait3A_331 : memref<1x128x128xf32, #tpu.memory_space<vmem>> -> memref<128x128xf32, #tpu.memory_space<vmem>>
    %dma_wait3A_333 = arith.constant 0 : i32
    %dma_wait3A_334 = arith.constant 0 : i32
    %dma_wait3A_335 = tpu.memref_slice %arg3[%dma_wait3A_333, %dma_wait3A_334] : memref<10000x128xf32, #tpu.memory_space<hbm>> -> memref<128x128xf32, #tpu.memory_space<hbm>>
    %dma_wait3A_336 = arith.constant 0 : i32
    %dma_wait3A_337 = arith.constant 0 : i32
    %dma_wait3A_338 = tpu.memref_slice %arg9[%dma_wait3A_328, %dma_wait3A_336, %dma_wait3A_337] : memref<2x128x128xf32, #tpu.memory_space<vmem>> -> memref<1x128x128xf32, #tpu.memory_space<vmem>>
    %dma_wait3A_339 = tpu.memref_squeeze %dma_wait3A_338 : memref<1x128x128xf32, #tpu.memory_space<vmem>> -> memref<128x128xf32, #tpu.memory_space<vmem>>
    %dma_wait3A_340 = arith.constant 0 : i32
    %dma_wait3A_341 = arith.constant 0 : i32
    %dma_wait3A_342 = tpu.memref_slice %arg3[%dma_wait3A_340, %dma_wait3A_341] : memref<10000x128xf32, #tpu.memory_space<hbm>> -> memref<128x128xf32, #tpu.memory_space<hbm>>
    tpu.wait_dma2 semaphore(%arg16 : memref<!tpu.dma_semaphore, #tpu.memory_space<semaphore_mem>>) src(%dma_wait3A_342 : memref<128x128xf32, #tpu.memory_space<hbm>>) dst(%dma_wait3A_339 : memref<128x128xf32, #tpu.memory_space<vmem>>)
    %dma_start3A_343 = arith.constant 1 : i32
    %dma_start3A_344 = arith.constant 3 : i32
    %dma_start3A_345 = arith.constant 1 : i32
    %dma_start3A_346 = arith.constant 0 : i32
    %dma_start3A_347 = arith.constant 0 : i32
    %dma_start3A_348 = tpu.memref_slice %arg9[%dma_start3A_343, %dma_start3A_346, %dma_start3A_347] : memref<2x128x128xf32, #tpu.memory_space<vmem>> -> memref<1x128x128xf32, #tpu.memory_space<vmem>>
    %dma_start3A_349 = tpu.memref_squeeze %dma_start3A_348 : memref<1x128x128xf32, #tpu.memory_space<vmem>> -> memref<128x128xf32, #tpu.memory_space<vmem>>
    %dma_start3A_350 = arith.constant 0 : i32
    %dma_start3A_351 = tpu.memref_slice %arg8[%dma_start3A_344, %dma_start3A_345, %dma_start3A_350] : memref<4x2x128xi32, #tpu.memory_space<vmem>> -> memref<1x1x128xi32, #tpu.memory_space<vmem>>
    %dma_start3A_352 = tpu.memref_squeeze %dma_start3A_351 : memref<1x1x128xi32, #tpu.memory_space<vmem>> -> memref<128xi32, #tpu.memory_space<vmem>>
    %dma_start3A_353 = arith.constant 0 : i32
    %dma_start3A_354 = arith.constant 0 : i32
    %dma_start3A_355 = tpu.memref_slice %arg10[%dma_start3A_353, %dma_start3A_354] : memref<10112x128xf32, #tpu.memory_space<vmem_shared>> -> memref<10112x128xf32, #tpu.memory_space<vmem_shared>>
    tpu.enqueue_indirect_dma source(%dma_start3A_349 : memref<128x128xf32, #tpu.memory_space<vmem>>) target(%dma_start3A_355 : memref<10112x128xf32, #tpu.memory_space<vmem_shared>>) offsets(%dma_start3A_352 : memref<128xi32, #tpu.memory_space<vmem>>) semaphore(%arg18 : memref<!tpu.dma_semaphore, #tpu.memory_space<semaphore_mem>>) {add = true}
    %dma_wait3A_356 = arith.constant 0 : i32
    %dma_wait3A_357 = arith.constant 0 : i32
    %dma_wait3A_358 = arith.constant 0 : i32
    %dma_wait3A_359 = tpu.memref_slice %arg9[%dma_wait3A_356, %dma_wait3A_357, %dma_wait3A_358] : memref<2x128x128xf32, #tpu.memory_space<vmem>> -> memref<1x128x128xf32, #tpu.memory_space<vmem>>
    %dma_wait3A_360 = tpu.memref_squeeze %dma_wait3A_359 : memref<1x128x128xf32, #tpu.memory_space<vmem>> -> memref<128x128xf32, #tpu.memory_space<vmem>>
    %dma_wait3A_361 = arith.constant 0 : i32
    %dma_wait3A_362 = arith.constant 0 : i32
    %dma_wait3A_363 = tpu.memref_slice %arg3[%dma_wait3A_361, %dma_wait3A_362] : memref<10000x128xf32, #tpu.memory_space<hbm>> -> memref<128x128xf32, #tpu.memory_space<hbm>>
    %dma_wait3A_364 = arith.constant 0 : i32
    %dma_wait3A_365 = arith.constant 0 : i32
    %dma_wait3A_366 = tpu.memref_slice %arg9[%dma_wait3A_356, %dma_wait3A_364, %dma_wait3A_365] : memref<2x128x128xf32, #tpu.memory_space<vmem>> -> memref<1x128x128xf32, #tpu.memory_space<vmem>>
    %dma_wait3A_367 = tpu.memref_squeeze %dma_wait3A_366 : memref<1x128x128xf32, #tpu.memory_space<vmem>> -> memref<128x128xf32, #tpu.memory_space<vmem>>
    %dma_wait3A_368 = arith.constant 0 : i32
    %dma_wait3A_369 = arith.constant 0 : i32
    %dma_wait3A_370 = tpu.memref_slice %arg3[%dma_wait3A_368, %dma_wait3A_369] : memref<10000x128xf32, #tpu.memory_space<hbm>> -> memref<128x128xf32, #tpu.memory_space<hbm>>
    tpu.wait_dma2 semaphore(%arg17 : memref<!tpu.dma_semaphore, #tpu.memory_space<semaphore_mem>>) src(%dma_wait3A_370 : memref<128x128xf32, #tpu.memory_space<hbm>>) dst(%dma_wait3A_367 : memref<128x128xf32, #tpu.memory_space<vmem>>)
    %dma_wait3A_371 = arith.constant 0 : i32
    %dma_wait3A_372 = arith.constant 0 : i32
    %dma_wait3A_373 = arith.constant 0 : i32
    %dma_wait3A_374 = tpu.memref_slice %arg9[%dma_wait3A_371, %dma_wait3A_372, %dma_wait3A_373] : memref<2x128x128xf32, #tpu.memory_space<vmem>> -> memref<1x128x128xf32, #tpu.memory_space<vmem>>
    %dma_wait3A_375 = tpu.memref_squeeze %dma_wait3A_374 : memref<1x128x128xf32, #tpu.memory_space<vmem>> -> memref<128x128xf32, #tpu.memory_space<vmem>>
    %dma_wait3A_376 = arith.constant 0 : i32
    %dma_wait3A_377 = arith.constant 0 : i32
    %dma_wait3A_378 = tpu.memref_slice %arg3[%dma_wait3A_376, %dma_wait3A_377] : memref<10000x128xf32, #tpu.memory_space<hbm>> -> memref<128x128xf32, #tpu.memory_space<hbm>>
    %dma_wait3A_379 = arith.constant 0 : i32
    %dma_wait3A_380 = arith.constant 0 : i32
    %dma_wait3A_381 = tpu.memref_slice %arg9[%dma_wait3A_371, %dma_wait3A_379, %dma_wait3A_380] : memref<2x128x128xf32, #tpu.memory_space<vmem>> -> memref<1x128x128xf32, #tpu.memory_space<vmem>>
    %dma_wait3A_382 = tpu.memref_squeeze %dma_wait3A_381 : memref<1x128x128xf32, #tpu.memory_space<vmem>> -> memref<128x128xf32, #tpu.memory_space<vmem>>
    %dma_wait3A_383 = arith.constant 0 : i32
    %dma_wait3A_384 = arith.constant 0 : i32
    %dma_wait3A_385 = tpu.memref_slice %arg3[%dma_wait3A_383, %dma_wait3A_384] : memref<10000x128xf32, #tpu.memory_space<hbm>> -> memref<128x128xf32, #tpu.memory_space<hbm>>
    tpu.wait_dma2 semaphore(%arg18 : memref<!tpu.dma_semaphore, #tpu.memory_space<semaphore_mem>>) src(%dma_wait3A_385 : memref<128x128xf32, #tpu.memory_space<hbm>>) dst(%dma_wait3A_382 : memref<128x128xf32, #tpu.memory_space<vmem>>)
    %barrier3A_386 = arith.constant 0 : index
    tpu.barrier barrier_id(%barrier3A_386)
    %mul3A_387 = arith.constant 632 : i32
    %mul3A_388 = arith.muli %arg1, %mul3A_387 : i32
    %mul3A_389 = arith.constant 632 : i32
    %mul3A_390 = arith.muli %arg1, %mul3A_389 : i32
    "tpu.region"() ({
      %run_scoped3A = tpu.sem_alloc : memref<!tpu.dma_semaphore, #tpu.memory_space<semaphore_mem>>
      %dma_start3A_393 = arith.constant 0 : i32
      %dma_start3A_394 = tpu.memref_slice %arg6[%arg0, %mul3A_390, %dma_start3A_393] : memref<2x10112x128xf32, #tpu.memory_space<hbm>> -> memref<1x632x128xf32, #tpu.memory_space<hbm>>
      %dma_start3A_395 = tpu.memref_squeeze %dma_start3A_394 : memref<1x632x128xf32, #tpu.memory_space<hbm>> -> memref<632x128xf32, #tpu.memory_space<hbm>>
      %dma_start3A_396 = arith.constant 0 : i32
      %dma_start3A_397 = tpu.memref_slice %arg10[%mul3A_388, %dma_start3A_396] : memref<10112x128xf32, #tpu.memory_space<vmem_shared>> -> memref<632x128xf32, #tpu.memory_space<vmem_shared>>
      tpu.enqueue_dma source(%dma_start3A_397 : memref<632x128xf32, #tpu.memory_space<vmem_shared>>) target(%dma_start3A_395 : memref<632x128xf32, #tpu.memory_space<hbm>>) target_semaphore(%run_scoped3A : memref<!tpu.dma_semaphore, #tpu.memory_space<semaphore_mem>>)
      %dma_wait3A_398 = arith.constant 0 : i32
      %dma_wait3A_399 = tpu.memref_slice %arg6[%arg0, %mul3A_390, %dma_wait3A_398] : memref<2x10112x128xf32, #tpu.memory_space<hbm>> -> memref<1x632x128xf32, #tpu.memory_space<hbm>>
      %dma_wait3A_400 = tpu.memref_squeeze %dma_wait3A_399 : memref<1x632x128xf32, #tpu.memory_space<hbm>> -> memref<632x128xf32, #tpu.memory_space<hbm>>
      %dma_wait3A_401 = arith.constant 0 : i32
      %dma_wait3A_402 = tpu.memref_slice %arg10[%mul3A_388, %dma_wait3A_401] : memref<10112x128xf32, #tpu.memory_space<vmem_shared>> -> memref<632x128xf32, #tpu.memory_space<vmem_shared>>
      tpu.wait_dma2 semaphore(%run_scoped3A : memref<!tpu.dma_semaphore, #tpu.memory_space<semaphore_mem>>) src(%dma_wait3A_402 : memref<632x128xf32, #tpu.memory_space<vmem_shared>>) dst(%dma_wait3A_400 : memref<632x128xf32, #tpu.memory_space<hbm>>)
      tpu.yield
    }) : () -> ()
    %eq3A = arith.constant 0 : i32
    %eq3A_391 = arith.cmpi eq, %add3A, %eq3A : i32
    %convert_element_type3A = arith.extui %eq3A_391 : i1 to i32
    %cond3A = arith.constant 0 : i32
    %cond3A_392 = arith.cmpi ne, %convert_element_type3A, %cond3A : i32
    scf.if %cond3A_392 {
      "tpu.region"() ({
        %run_scoped3A_409 = tpu.sem_alloc : memref<!tpu.dma_semaphore, #tpu.memory_space<semaphore_mem>>
        tpu.enqueue_dma source(%arg5 : memref<104xi32, #tpu.memory_space<hbm>>) target(%arg20 : memref<104xi32, #tpu.memory_space<vmem>>) target_semaphore(%run_scoped3A_409 : memref<!tpu.dma_semaphore, #tpu.memory_space<semaphore_mem>>)
        tpu.wait_dma2 semaphore(%run_scoped3A_409 : memref<!tpu.dma_semaphore, #tpu.memory_space<semaphore_mem>>) src(%arg5 : memref<104xi32, #tpu.memory_space<hbm>>) dst(%arg20 : memref<104xi32, #tpu.memory_space<vmem>>)
        tpu.yield
      }) : () -> ()
      %dma_start3A_393 = arith.constant 0 : i32
      %dma_start3A_394 = arith.constant 0 : i32
      %dma_start3A_395 = arith.constant 0 : i32
      %dma_start3A_396 = tpu.memref_slice %arg9[%dma_start3A_393, %dma_start3A_394, %dma_start3A_395] : memref<2x128x128xf32, #tpu.memory_space<vmem>> -> memref<1x104x128xf32, #tpu.memory_space<vmem>>
      %dma_start3A_397 = tpu.memref_squeeze %dma_start3A_396 : memref<1x104x128xf32, #tpu.memory_space<vmem>> -> memref<104x128xf32, #tpu.memory_space<vmem>>
      %dma_start3A_398 = arith.constant 0 : i32
      %dma_start3A_399 = arith.constant 0 : i32
      %dma_start3A_400 = tpu.memref_slice %arg3[%dma_start3A_398, %dma_start3A_399] : memref<10000x128xf32, #tpu.memory_space<hbm>> -> memref<10000x128xf32, #tpu.memory_space<hbm>>
      tpu.enqueue_indirect_dma source(%dma_start3A_400 : memref<10000x128xf32, #tpu.memory_space<hbm>>) target(%dma_start3A_397 : memref<104x128xf32, #tpu.memory_space<vmem>>) offsets(%arg20 : memref<104xi32, #tpu.memory_space<vmem>>) semaphore(%arg19 : memref<!tpu.dma_semaphore, #tpu.memory_space<semaphore_mem>>)
      %dma_wait3A_401 = arith.constant 0 : i32
      %dma_wait3A_402 = arith.constant 0 : i32
      %dma_wait3A_403 = arith.constant 0 : i32
      %dma_wait3A_404 = tpu.memref_slice %arg9[%dma_wait3A_401, %dma_wait3A_402, %dma_wait3A_403] : memref<2x128x128xf32, #tpu.memory_space<vmem>> -> memref<1x104x128xf32, #tpu.memory_space<vmem>>
      %dma_wait3A_405 = tpu.memref_squeeze %dma_wait3A_404 : memref<1x104x128xf32, #tpu.memory_space<vmem>> -> memref<104x128xf32, #tpu.memory_space<vmem>>
      %dma_wait3A_406 = arith.constant 0 : i32
      %dma_wait3A_407 = arith.constant 0 : i32
      %dma_wait3A_408 = tpu.memref_slice %arg3[%dma_wait3A_406, %dma_wait3A_407] : memref<10000x128xf32, #tpu.memory_space<hbm>> -> memref<10000x128xf32, #tpu.memory_space<hbm>>
      tpu.wait_indirect_dma semaphore(%arg19 : memref<!tpu.dma_semaphore, #tpu.memory_space<semaphore_mem>>) src(%dma_wait3A_408 : memref<10000x128xf32, #tpu.memory_space<hbm>>) dst(%dma_wait3A_405 : memref<104x128xf32, #tpu.memory_space<vmem>>)
      %run_scoped3A = arith.constant 0 : i32
      "tpu.region"() ({
        %run_scoped3A_409 = tpu.sem_alloc : memref<!tpu.dma_semaphore, #tpu.memory_space<semaphore_mem>>
        %dma_start3A_410 = arith.constant 0 : i32
        %dma_start3A_411 = arith.constant 0 : i32
        %dma_start3A_412 = tpu.memref_slice %arg9[%run_scoped3A, %dma_start3A_410, %dma_start3A_411] : memref<2x128x128xf32, #tpu.memory_space<vmem>> -> memref<1x104x128xf32, #tpu.memory_space<vmem>>
        %dma_start3A_413 = tpu.memref_squeeze %dma_start3A_412 : memref<1x104x128xf32, #tpu.memory_space<vmem>> -> memref<104x128xf32, #tpu.memory_space<vmem>>
        %dma_start3A_414 = arith.constant 0 : i32
        %dma_start3A_415 = arith.constant 0 : i32
        %dma_start3A_416 = tpu.memref_slice %arg9[%run_scoped3A, %dma_start3A_414, %dma_start3A_415] : memref<2x128x128xf32, #tpu.memory_space<vmem>> -> memref<1x104x128xf32, #tpu.memory_space<vmem>>
        %dma_start3A_417 = tpu.memref_squeeze %dma_start3A_416 : memref<1x104x128xf32, #tpu.memory_space<vmem>> -> memref<104x128xf32, #tpu.memory_space<vmem>>
        tpu.enqueue_dma source(%dma_start3A_417 : memref<104x128xf32, #tpu.memory_space<vmem>>) target(%arg7 : memref<104x128xf32, #tpu.memory_space<hbm>>) target_semaphore(%run_scoped3A_409 : memref<!tpu.dma_semaphore, #tpu.memory_space<semaphore_mem>>)
        %dma_wait3A_418 = arith.constant 0 : i32
        %dma_wait3A_419 = arith.constant 0 : i32
        %dma_wait3A_420 = tpu.memref_slice %arg9[%run_scoped3A, %dma_wait3A_418, %dma_wait3A_419] : memref<2x128x128xf32, #tpu.memory_space<vmem>> -> memref<1x104x128xf32, #tpu.memory_space<vmem>>
        %dma_wait3A_421 = tpu.memref_squeeze %dma_wait3A_420 : memref<1x104x128xf32, #tpu.memory_space<vmem>> -> memref<104x128xf32, #tpu.memory_space<vmem>>
        %dma_wait3A_422 = arith.constant 0 : i32
        %dma_wait3A_423 = arith.constant 0 : i32
        %dma_wait3A_424 = tpu.memref_slice %arg9[%run_scoped3A, %dma_wait3A_422, %dma_wait3A_423] : memref<2x128x128xf32, #tpu.memory_space<vmem>> -> memref<1x104x128xf32, #tpu.memory_space<vmem>>
        %dma_wait3A_425 = tpu.memref_squeeze %dma_wait3A_424 : memref<1x104x128xf32, #tpu.memory_space<vmem>> -> memref<104x128xf32, #tpu.memory_space<vmem>>
        tpu.wait_dma2 semaphore(%run_scoped3A_409 : memref<!tpu.dma_semaphore, #tpu.memory_space<semaphore_mem>>) src(%dma_wait3A_425 : memref<104x128xf32, #tpu.memory_space<vmem>>) dst(%arg7 : memref<104x128xf32, #tpu.memory_space<hbm>>)
        tpu.yield
      }) : () -> ()
    } else {
    }
    return
  }
}

#map = affine_map<(d0, d1) -> (0, 0, 0)>
#map1 = affine_map<(d0, d1) -> (0)>
module attributes {stable_mosaic.version = 14 : i64} {
  func.func @gatherq(%arg0: i32, %arg1: i32, %arg2: memref<2x10112x128xf32, #tpu.memory_space<hbm>>, %arg3: memref<104xi32, #tpu.memory_space<hbm>>, %arg4: memref<2x104x128xf32, #tpu.memory_space<hbm>>, %arg5: memref<104xi32, #tpu.memory_space<vmem>>, %arg6: memref<104x128xf32, #tpu.memory_space<vmem>>, %arg7: memref<!tpu.dma_semaphore, #tpu.memory_space<semaphore_mem>>) attributes {dimension_semantics = [#tpu.dimension_semantics<core_parallel>, #tpu.dimension_semantics<subcore_parallel>], iteration_bounds = array<i64: 2, 16>, scalar_prefetch = 0 : i64, scratch_operands = 3 : i64, tpu.core_type = #tpu.core_type<sc_vector_subcore>, window_params = [{transform_indices = #map}, {transform_indices = #map1}, {transform_indices = #map}]} {
    %mul3A = arith.constant 2 : i32
    %mul3A_0 = arith.muli %arg1, %mul3A : i32
    %add3A = arith.addi %mul3A_0, %arg0 : i32
    %lt3A = arith.constant 2 : i32
    %lt3A_1 = arith.cmpi slt, %add3A, %lt3A : i32
    %convert_element_type3A = arith.extui %lt3A_1 : i1 to i32
    %cond3A = arith.constant 0 : i32
    %cond3A_2 = arith.cmpi ne, %convert_element_type3A, %cond3A : i32
    scf.if %cond3A_2 {
      "tpu.region"() ({
        %run_scoped3A = tpu.sem_alloc : memref<!tpu.dma_semaphore, #tpu.memory_space<semaphore_mem>>
        tpu.enqueue_dma source(%arg3 : memref<104xi32, #tpu.memory_space<hbm>>) target(%arg5 : memref<104xi32, #tpu.memory_space<vmem>>) target_semaphore(%run_scoped3A : memref<!tpu.dma_semaphore, #tpu.memory_space<semaphore_mem>>)
        tpu.wait_dma2 semaphore(%run_scoped3A : memref<!tpu.dma_semaphore, #tpu.memory_space<semaphore_mem>>) src(%arg3 : memref<104xi32, #tpu.memory_space<hbm>>) dst(%arg5 : memref<104xi32, #tpu.memory_space<vmem>>)
        tpu.yield
      }) : () -> ()
      %dma_start3A = arith.constant 0 : i32
      %dma_start3A_3 = arith.constant 0 : i32
      %dma_start3A_4 = tpu.memref_slice %arg2[%add3A, %dma_start3A, %dma_start3A_3] : memref<2x10112x128xf32, #tpu.memory_space<hbm>> -> memref<1x10112x128xf32, #tpu.memory_space<hbm>>
      %dma_start3A_5 = tpu.memref_squeeze %dma_start3A_4 : memref<1x10112x128xf32, #tpu.memory_space<hbm>> -> memref<10112x128xf32, #tpu.memory_space<hbm>>
      %dma_start3A_6 = arith.constant 0 : i32
      %dma_start3A_7 = arith.constant 0 : i32
      %dma_start3A_8 = tpu.memref_slice %dma_start3A_5[%dma_start3A_6, %dma_start3A_7] : memref<10112x128xf32, #tpu.memory_space<hbm>> -> memref<10112x128xf32, #tpu.memory_space<hbm>>
      tpu.enqueue_indirect_dma source(%dma_start3A_8 : memref<10112x128xf32, #tpu.memory_space<hbm>>) target(%arg6 : memref<104x128xf32, #tpu.memory_space<vmem>>) offsets(%arg5 : memref<104xi32, #tpu.memory_space<vmem>>) semaphore(%arg7 : memref<!tpu.dma_semaphore, #tpu.memory_space<semaphore_mem>>)
      %dma_wait3A = arith.constant 0 : i32
      %dma_wait3A_9 = arith.constant 0 : i32
      %dma_wait3A_10 = tpu.memref_slice %arg2[%add3A, %dma_wait3A, %dma_wait3A_9] : memref<2x10112x128xf32, #tpu.memory_space<hbm>> -> memref<1x10112x128xf32, #tpu.memory_space<hbm>>
      %dma_wait3A_11 = tpu.memref_squeeze %dma_wait3A_10 : memref<1x10112x128xf32, #tpu.memory_space<hbm>> -> memref<10112x128xf32, #tpu.memory_space<hbm>>
      %dma_wait3A_12 = arith.constant 0 : i32
      %dma_wait3A_13 = arith.constant 0 : i32
      %dma_wait3A_14 = tpu.memref_slice %dma_wait3A_11[%dma_wait3A_12, %dma_wait3A_13] : memref<10112x128xf32, #tpu.memory_space<hbm>> -> memref<10112x128xf32, #tpu.memory_space<hbm>>
      tpu.wait_indirect_dma semaphore(%arg7 : memref<!tpu.dma_semaphore, #tpu.memory_space<semaphore_mem>>) src(%dma_wait3A_14 : memref<10112x128xf32, #tpu.memory_space<hbm>>) dst(%arg6 : memref<104x128xf32, #tpu.memory_space<vmem>>)
      "tpu.region"() ({
        %run_scoped3A = tpu.sem_alloc : memref<!tpu.dma_semaphore, #tpu.memory_space<semaphore_mem>>
        %dma_start3A_15 = arith.constant 0 : i32
        %dma_start3A_16 = arith.constant 0 : i32
        %dma_start3A_17 = tpu.memref_slice %arg4[%add3A, %dma_start3A_15, %dma_start3A_16] : memref<2x104x128xf32, #tpu.memory_space<hbm>> -> memref<1x104x128xf32, #tpu.memory_space<hbm>>
        %dma_start3A_18 = tpu.memref_squeeze %dma_start3A_17 : memref<1x104x128xf32, #tpu.memory_space<hbm>> -> memref<104x128xf32, #tpu.memory_space<hbm>>
        %dma_start3A_19 = arith.constant 0 : i32
        %dma_start3A_20 = arith.constant 0 : i32
        %dma_start3A_21 = tpu.memref_slice %arg4[%add3A, %dma_start3A_19, %dma_start3A_20] : memref<2x104x128xf32, #tpu.memory_space<hbm>> -> memref<1x104x128xf32, #tpu.memory_space<hbm>>
        %dma_start3A_22 = tpu.memref_squeeze %dma_start3A_21 : memref<1x104x128xf32, #tpu.memory_space<hbm>> -> memref<104x128xf32, #tpu.memory_space<hbm>>
        tpu.enqueue_dma source(%arg6 : memref<104x128xf32, #tpu.memory_space<vmem>>) target(%dma_start3A_22 : memref<104x128xf32, #tpu.memory_space<hbm>>) target_semaphore(%run_scoped3A : memref<!tpu.dma_semaphore, #tpu.memory_space<semaphore_mem>>)
        %dma_wait3A_23 = arith.constant 0 : i32
        %dma_wait3A_24 = arith.constant 0 : i32
        %dma_wait3A_25 = tpu.memref_slice %arg4[%add3A, %dma_wait3A_23, %dma_wait3A_24] : memref<2x104x128xf32, #tpu.memory_space<hbm>> -> memref<1x104x128xf32, #tpu.memory_space<hbm>>
        %dma_wait3A_26 = tpu.memref_squeeze %dma_wait3A_25 : memref<1x104x128xf32, #tpu.memory_space<hbm>> -> memref<104x128xf32, #tpu.memory_space<hbm>>
        %dma_wait3A_27 = arith.constant 0 : i32
        %dma_wait3A_28 = arith.constant 0 : i32
        %dma_wait3A_29 = tpu.memref_slice %arg4[%add3A, %dma_wait3A_27, %dma_wait3A_28] : memref<2x104x128xf32, #tpu.memory_space<hbm>> -> memref<1x104x128xf32, #tpu.memory_space<hbm>>
        %dma_wait3A_30 = tpu.memref_squeeze %dma_wait3A_29 : memref<1x104x128xf32, #tpu.memory_space<hbm>> -> memref<104x128xf32, #tpu.memory_space<hbm>>
        tpu.wait_dma2 semaphore(%run_scoped3A : memref<!tpu.dma_semaphore, #tpu.memory_space<semaphore_mem>>) src(%arg6 : memref<104x128xf32, #tpu.memory_space<vmem>>) dst(%dma_wait3A_30 : memref<104x128xf32, #tpu.memory_space<hbm>>)
        tpu.yield
      }) : () -> ()
    } else {
    }
    return
  }
}

module attributes {stable_mosaic.version = 14 : i64} {
  func.func @_tc1_body(%arg0: i32, %arg1: memref<2x2000x128xf32, #tpu.memory_space<vmem>>, %arg2: memref<2000x128xf32, #tpu.memory_space<vmem>>, %arg3: memref<128x128xf32, #tpu.memory_space<vmem>>, %arg4: memref<1x128xf32, #tpu.memory_space<vmem>>, %arg5: memref<128x128xf32, #tpu.memory_space<vmem>>, %arg6: memref<2000x128xf32, #tpu.memory_space<vmem>>) attributes {dimension_semantics = [#tpu.dimension_semantics<arbitrary>], iteration_bounds = array<i64: 5>, scalar_prefetch = 0 : i64, scratch_operands = 0 : i64, tpu.core_type = #tpu.core_type<tc>, window_params = [{transform_indices = @transform_0, window_bounds = array<i64: 2, 2000, 128>}, {transform_indices = @transform_1, window_bounds = array<i64: 2000, 128>}, {pipeline_mode = #tpu.pipeline_mode<synchronous>, transform_indices = @transform_2, window_bounds = array<i64: 128, 128>}, {pipeline_mode = #tpu.pipeline_mode<synchronous>, transform_indices = @transform_3, window_bounds = array<i64: 1, 128>}, {pipeline_mode = #tpu.pipeline_mode<synchronous>, transform_indices = @transform_4, window_bounds = array<i64: 128, 128>}, {transform_indices = @transform_5, window_bounds = array<i64: 2000, 128>}]} {
    %get3A = arith.constant 0 : index
    %get3A_0 = arith.constant 0 : index
    %get3A_1 = arith.constant 0 : index
    %get3A_2 = vector.load %arg1[%get3A, %get3A_0, %get3A_1] : memref<2x2000x128xf32, #tpu.memory_space<vmem>>, vector<1x2000x128xf32>
    %get3A_3 = vector.shape_cast %get3A_2 : vector<1x2000x128xf32> to vector<2000x128xf32>
    %get3A_4 = arith.constant 1 : index
    %get3A_5 = arith.constant 0 : index
    %get3A_6 = arith.constant 0 : index
    %get3A_7 = vector.load %arg1[%get3A_4, %get3A_5, %get3A_6] : memref<2x2000x128xf32, #tpu.memory_space<vmem>>, vector<1x2000x128xf32>
    %get3A_8 = vector.shape_cast %get3A_7 : vector<1x2000x128xf32> to vector<2000x128xf32>
    %add3A = arith.addf %get3A_3, %get3A_8 : vector<2000x128xf32>
    %get3A_9 = arith.constant 0 : index
    %get3A_10 = arith.constant 0 : index
    %get3A_11 = vector.load %arg3[%get3A_9, %get3A_10] : memref<128x128xf32, #tpu.memory_space<vmem>>, vector<128x128xf32>
    %dot_general3A = arith.constant dense<0.000000e+00> : vector<2000x128xf32>
    %dot_general3A_12 = tpu.matmul %add3A, %get3A_11, %dot_general3A {dimension_numbers = #tpu.dot_dimension_numbers<[1], [1], [0], [0], [0, 0, 1, 0], [], []>, transpose_lhs_hint = false} : vector<2000x128xf32>, vector<128x128xf32>, vector<2000x128xf32> -> vector<2000x128xf32>
    %get3A_13 = arith.constant 0 : index
    %get3A_14 = arith.constant 0 : index
    %get3A_15 = vector.load %arg4[%get3A_13, %get3A_14] : memref<1x128xf32, #tpu.memory_space<vmem>>, vector<1x128xf32>
    %add3A_16 = vector.broadcast %get3A_15 : vector<1x128xf32> to vector<2000x128xf32>
    %add3A_17 = arith.addf %dot_general3A_12, %add3A_16 : vector<2000x128xf32>
    %get3A_18 = arith.constant 0 : index
    %get3A_19 = arith.constant 0 : index
    %get3A_20 = vector.load %arg2[%get3A_18, %get3A_19] : memref<2000x128xf32, #tpu.memory_space<vmem>>, vector<2000x128xf32>
    %get3A_21 = arith.constant 0 : index
    %get3A_22 = arith.constant 0 : index
    %get3A_23 = vector.load %arg5[%get3A_21, %get3A_22] : memref<128x128xf32, #tpu.memory_space<vmem>>, vector<128x128xf32>
    %dot_general3A_24 = arith.constant dense<0.000000e+00> : vector<2000x128xf32>
    %dot_general3A_25 = tpu.matmul %get3A_20, %get3A_23, %dot_general3A_24 {dimension_numbers = #tpu.dot_dimension_numbers<[1], [1], [0], [0], [0, 0, 1, 0], [], []>, transpose_lhs_hint = false} : vector<2000x128xf32>, vector<128x128xf32>, vector<2000x128xf32> -> vector<2000x128xf32>
    %add3A_26 = arith.addf %add3A_17, %dot_general3A_25 : vector<2000x128xf32>
    %ge3A = arith.constant 0.000000e+00 : f32
    %ge3A_27 = vector.broadcast %ge3A : f32 to vector<2000x128xf32>
    %ge3A_28 = arith.cmpf oge, %add3A_26, %ge3A_27 : vector<2000x128xf32>
    %mul3A = arith.constant 0.00999999977 : f32
    %mul3A_29 = vector.broadcast %mul3A : f32 to vector<2000x128xf32>
    %mul3A_30 = arith.mulf %mul3A_29, %add3A_26 : vector<2000x128xf32>
    %select_n3A = arith.select %ge3A_28, %add3A_26, %mul3A_30 : vector<2000x128xi1>, vector<2000x128xf32>
    %swap3A = arith.constant 0 : index
    %swap3A_31 = arith.constant 0 : index
    %swap3A_32 = vector.load %arg6[%swap3A, %swap3A_31] : memref<2000x128xf32, #tpu.memory_space<vmem>>, vector<2000x128xf32>
    tpu.vector_store %arg6[%swap3A, %swap3A_31], %select_n3A {strides = array<i32>} : memref<2000x128xf32, #tpu.memory_space<vmem>>, vector<2000x128xf32>,
    return
  }
  func.func @transform_0(%arg0: i32) -> (i32, i32, i32) {
    %c0_i32 = arith.constant 0 : i32
    %c0_i32_0 = arith.constant 0 : i32
    %c0_i32_1 = arith.constant 0 : i32
    return %c0_i32, %arg0, %c0_i32_0 : i32, i32, i32
  }
  func.func @transform_1(%arg0: i32) -> (i32, i32) {
    %c0_i32 = arith.constant 0 : i32
    %c0_i32_0 = arith.constant 0 : i32
    return %arg0, %c0_i32 : i32, i32
  }
  func.func @transform_2(%arg0: i32) -> (i32, i32) {
    %c0_i32 = arith.constant 0 : i32
    %c0_i32_0 = arith.constant 0 : i32
    %c0_i32_1 = arith.constant 0 : i32
    return %c0_i32, %c0_i32_0 : i32, i32
  }
  func.func @transform_3(%arg0: i32) -> (i32, i32) {
    %c0_i32 = arith.constant 0 : i32
    %c0_i32_0 = arith.constant 0 : i32
    %c0_i32_1 = arith.constant 0 : i32
    return %c0_i32, %c0_i32_0 : i32, i32
  }
  func.func @transform_4(%arg0: i32) -> (i32, i32) {
    %c0_i32 = arith.constant 0 : i32
    %c0_i32_0 = arith.constant 0 : i32
    %c0_i32_1 = arith.constant 0 : i32
    return %c0_i32, %c0_i32_0 : i32, i32
  }
  func.func @transform_5(%arg0: i32) -> (i32, i32) {
    %c0_i32 = arith.constant 0 : i32
    %c0_i32_0 = arith.constant 0 : i32
    return %arg0, %c0_i32 : i32, i32
  }
}

module attributes {stable_mosaic.version = 14 : i64} {
  func.func @_tc2_body(%arg0: memref<2x104x128xf32, #tpu.memory_space<vmem>>, %arg1: memref<104x128xf32, #tpu.memory_space<vmem>>, %arg2: memref<128x128xf32, #tpu.memory_space<vmem>>, %arg3: memref<1x128xf32, #tpu.memory_space<vmem>>, %arg4: memref<128x128xf32, #tpu.memory_space<vmem>>, %arg5: memref<104x128xf32, #tpu.memory_space<vmem>>) attributes {dimension_semantics = [], scalar_prefetch = 0 : i64, scratch_operands = 0 : i64, tpu.core_type = #tpu.core_type<tc>} {
    %get3A = arith.constant 0 : index
    %get3A_0 = arith.constant 0 : index
    %get3A_1 = arith.constant 0 : index
    %get3A_2 = vector.load %arg0[%get3A, %get3A_0, %get3A_1] : memref<2x104x128xf32, #tpu.memory_space<vmem>>, vector<1x104x128xf32>
    %get3A_3 = vector.shape_cast %get3A_2 : vector<1x104x128xf32> to vector<104x128xf32>
    %get3A_4 = arith.constant 1 : index
    %get3A_5 = arith.constant 0 : index
    %get3A_6 = arith.constant 0 : index
    %get3A_7 = vector.load %arg0[%get3A_4, %get3A_5, %get3A_6] : memref<2x104x128xf32, #tpu.memory_space<vmem>>, vector<1x104x128xf32>
    %get3A_8 = vector.shape_cast %get3A_7 : vector<1x104x128xf32> to vector<104x128xf32>
    %add3A = arith.addf %get3A_3, %get3A_8 : vector<104x128xf32>
    %get3A_9 = arith.constant 0 : index
    %get3A_10 = arith.constant 0 : index
    %get3A_11 = vector.load %arg2[%get3A_9, %get3A_10] : memref<128x128xf32, #tpu.memory_space<vmem>>, vector<128x128xf32>
    %dot_general3A = arith.constant dense<0.000000e+00> : vector<104x128xf32>
    %dot_general3A_12 = tpu.matmul %add3A, %get3A_11, %dot_general3A {dimension_numbers = #tpu.dot_dimension_numbers<[1], [1], [0], [0], [0, 0, 1, 0], [], []>, transpose_lhs_hint = false} : vector<104x128xf32>, vector<128x128xf32>, vector<104x128xf32> -> vector<104x128xf32>
    %get3A_13 = arith.constant 0 : index
    %get3A_14 = arith.constant 0 : index
    %get3A_15 = vector.load %arg3[%get3A_13, %get3A_14] : memref<1x128xf32, #tpu.memory_space<vmem>>, vector<1x128xf32>
    %add3A_16 = vector.broadcast %get3A_15 : vector<1x128xf32> to vector<104x128xf32>
    %add3A_17 = arith.addf %dot_general3A_12, %add3A_16 : vector<104x128xf32>
    %get3A_18 = arith.constant 0 : index
    %get3A_19 = arith.constant 0 : index
    %get3A_20 = vector.load %arg1[%get3A_18, %get3A_19] : memref<104x128xf32, #tpu.memory_space<vmem>>, vector<104x128xf32>
    %get3A_21 = arith.constant 0 : index
    %get3A_22 = arith.constant 0 : index
    %get3A_23 = vector.load %arg4[%get3A_21, %get3A_22] : memref<128x128xf32, #tpu.memory_space<vmem>>, vector<128x128xf32>
    %dot_general3A_24 = arith.constant dense<0.000000e+00> : vector<104x128xf32>
    %dot_general3A_25 = tpu.matmul %get3A_20, %get3A_23, %dot_general3A_24 {dimension_numbers = #tpu.dot_dimension_numbers<[1], [1], [0], [0], [0, 0, 1, 0], [], []>, transpose_lhs_hint = false} : vector<104x128xf32>, vector<128x128xf32>, vector<104x128xf32> -> vector<104x128xf32>
    %add3A_26 = arith.addf %add3A_17, %dot_general3A_25 : vector<104x128xf32>
    %ge3A = arith.constant 0.000000e+00 : f32
    %ge3A_27 = vector.broadcast %ge3A : f32 to vector<104x128xf32>
    %ge3A_28 = arith.cmpf oge, %add3A_26, %ge3A_27 : vector<104x128xf32>
    %mul3A = arith.constant 0.00999999977 : f32
    %mul3A_29 = vector.broadcast %mul3A : f32 to vector<104x128xf32>
    %mul3A_30 = arith.mulf %mul3A_29, %add3A_26 : vector<104x128xf32>
    %select_n3A = arith.select %ge3A_28, %add3A_26, %mul3A_30 : vector<104x128xi1>, vector<104x128xf32>
    %swap3A = arith.constant 0 : index
    %swap3A_31 = arith.constant 0 : index
    %swap3A_32 = vector.load %arg5[%swap3A, %swap3A_31] : memref<104x128xf32, #tpu.memory_space<vmem>>, vector<104x128xf32>
    tpu.vector_store %arg5[%swap3A, %swap3A_31], %select_n3A {strides = array<i32>} : memref<104x128xf32, #tpu.memory_space<vmem>>, vector<104x128xf32>,
    return
  }
}

</mosaic_0001>

<sc_bundles>
// kernel: kernel.10.cloned.1.call-start
scs
__scs_entry_jumppad:
0x0: {  	(pc) =	sbr.rel $0x88, $3  }
0x1: {  	(tag) =	ssettag $0x0;
	lr =	simm.s32 $0x1  }
0x2: {  	[smem:$0x3F98] =	sst lr;
	_ =	strace $0xD0000000  }
0x3: {  	_ = 	snop  }
0x4: {  	_ = 	snop  }
0x5: {  	_ = 	snop  }
0x6: {  	_ = 	snop  }
0x7: {  	_ = 	snop  }
__scs_overlays_trampoline_lowered:
0x8: {  	[smem:$0x3FA7] =	sst s0  }
0x9: {  	[smem:$0x3FA8] =	sst s1  }
0xa: {  	[smem:$0x3FA9] =	sst s2  }
0xb: {  	[smem:$0x3FAA] =	sst s3  }
0xc: {  	[smem:$0x3FAB] =	sst s4  }
0xd: {  	[smem:$0x3FAC] =	sst s5  }
0xe: {  	[smem:$0x3FAD] =	sst s6  }
0xf: {  	[smem:$0x3FAE] =	sst s7  }
0x10: {  	[smem:$0x3FAF] =	sst s8  }
0x11: {  	[smem:$0x3FB0] =	sst s9;
	s0 =	simm.s32 @!p0 $0x0  }
0x12: {  	s1 =	sld [smem:$0x3F96];
	s0 =	simm.s32 @p0 $0x1  }
0x13: {  	[smem:$0x3FB1] =	sst s0;
	s0 =	simm.s32 @!p1 $0x0  }
0x14: {  	s2 =	sld [smem:$0x3F95];
	s0 =	simm.s32 @p1 $0x1  }
0x15: {  	[smem:$0x3FB2] =	sst s0;
	s0 =	simm.s32 @!p2 $0x0  }
0x16: {  	s3 =	sld [smem:$0x3FDB];
	s0 =	simm.s32 @p2 $0x1  }
0x17: {  	s4 =	simm.s32 $0x1BF5;
	[smem:$0x3FB4] =	sst s0  }
0x18: {  	s0 =	sld [smem:$0x3F97];
	_ =	swait.ge [sflag:s4], $0x0  }
0x19: {  	s7 =	sld [smem:$0x3F98]  }
0x1a: {  	s8 =	sadd.s32 $0xFFFFE003, lr  }
0x1b: {  	s9 =	sadd.s32 $0xFFFFFEF7, lr;
	s5 =	simm.s32 $0xFFFFFFFF;
	p2 =	slt.u32 s8, $0xFFFFF086  }
0x1c: {  	p1 =	slt.u32 s9, $0xF7A;
	s5 =	simm.s32 @!p2 $0x0  }
0x1d: {  	s5 =	simm.s32 @p1 $0x1;
	p0 =	seq.s32 s7, s2  }
0x1e: {  	s7 =	smul.u32 @!p0 $0xF7A, s2;
	p2 =	seq.s32 @!p0 s5, $0x0  }
0x1f: {  	s9 =	smul.u32 $0xF7A, s1;
	s8 =	simm.s32 @!p0 $0x1BF5;
	p2 =	por !p2, p0  }
0x20: {  	[sflag:s8] =	ssyncset.s32 @!p0 $0xFFFFF086;
	s6 =	sadd.s32 @!p0 s3, s7;
	s7 =	simm.s32 @!p0 $0x108  }
0x21: {  	s3 =	sadd.s32 s3, s9;
	s6 =	sadd.s32 @!p0 $0x88, s6;
	s7 =	simm.s32 @p2 $0x1082  }
0x22: {  	[simem:s7], [sflag:s8] =	dma.local @!p0 [hbm:s6], $0xF7A  }
0x23: {  	s9 =	sor.u32 $0xD0000000, s2;
	s6 =	simm.s32 $0x108;
	_ =	swait.ge @!p0 [sflag:s8], $0x0  }
0x24: {  	s3 =	sadd.s32 $0x88, s3;
	s6 =	simm.s32 @!p1 $0x1082;
	[sflag:s4] =	ssyncset.s32 $0xFFFFF086  }
0x25: {  	[simem:s6], [sflag:s4] =	dma.local [hbm:s3], $0xF7A  }
0x26: {  	[smem:$0x3F98] =	sst s1;
	(tag) =	ssettag s2;
	_ =	strace s9  }
0x27: {  	s1 =	sld [smem:$0x3FA8]  }
0x28: {  	s2 =	sld [smem:$0x3FA9]  }
0x29: {  	s4 =	sld [smem:$0x3FAB]  }
0x2a: {  	p0 =	seq.s32 s5, $0x0;
	s5 =	sld [smem:$0x3FAC]  }
0x2b: {  	s6 =	sld [smem:$0x3FAD]  }
0x2c: {  	s7 =	sld [smem:$0x3FAE]  }
0x2d: {  	s3 =	simm.s32 $0x108;
	s8 =	sld [smem:$0x3FAF]  }
0x2e: {  	s3 =	simm.s32 @!p0 $0x1082;
	s9 =	sld [smem:$0x3FB0]  }
0x2f: {  	lr =	sadd.s32 s0, s3;
	s0 =	sld [smem:$0x3FA7]  }
0x30: {  	s3 =	sld [smem:$0x3FAA]  }
0x31: {  	[smem:$0x3FB3] =	sst s10  }
0x32: {  	s10 =	sld [smem:$0x3FB1];
	_ =	sdelay $0x3  }
0x33: {  	p0 =	seq.s32 s10, $0x1;
	s10 =	sld [smem:$0x3FB3];
	_ =	sdelay $0x3  }
0x34: {  	[smem:$0x3FB3] =	sst s10  }
0x35: {  	s10 =	sld [smem:$0x3FB2];
	_ =	sdelay $0x3  }
0x36: {  	p1 =	seq.s32 s10, $0x1;
	s10 =	sld [smem:$0x3FB3];
	_ =	sdelay $0x3  }
0x37: {  	[smem:$0x3FB3] =	sst s10  }
0x38: {  	s10 =	sld [smem:$0x3FB4]  }
0x39: {  	_ = 	snop;
	(pc) =	sbr.ind lr, $3  }
0x3a: {  	_ = 	snop  }
0x3b: {  	_ = 	snop  }
0x3c: {  	p2 =	seq.s32 s10, $0x1;
	s10 =	sld [smem:$0x3FB3]  }
0x3d: {  	_ =	shalt  }
0x3e: {  	_ =	shalt  }
0x3f: {  	_ =	shalt  }
0x40: {  	_ =	shalt  }
0x41: {  	_ =	shalt  }
0x42: {  	_ =	shalt  }
0x43: {  	_ =	shalt  }
0x44: {  	_ =	shalt  }
0x45: {  	_ =	shalt  }
0x46: {  	_ =	shalt  }
0x47: {  	_ =	shalt  }
0x48: {  	_ =	shalt  }
0x49: {  	_ =	shalt  }
0x4a: {  	_ =	shalt  }
0x4b: {  	_ =	shalt  }
0x4c: {  	_ =	shalt  }
0x4d: {  	_ =	shalt  }
0x4e: {  	_ =	shalt  }
0x4f: {  	_ =	shalt  }
0x50: {  	_ =	shalt  }
0x51: {  	_ =	shalt  }
0x52: {  	_ =	shalt  }
0x53: {  	_ =	shalt  }
0x54: {  	_ =	shalt  }
0x55: {  	_ =	shalt  }
0x56: {  	_ =	shalt  }
0x57: {  	_ =	shalt  }
0x58: {  	_ =	shalt  }
0x59: {  	_ =	shalt  }
0x5a: {  	_ =	shalt  }
0x5b: {  	_ =	shalt  }
0x5c: {  	_ =	shalt  }
0x5d: {  	_ =	shalt  }
0x5e: {  	_ =	shalt  }
0x5f: {  	_ =	shalt  }
0x60: {  	_ =	shalt  }
0x61: {  	_ =	shalt  }
0x62: {  	_ =	shalt  }
0x63: {  	_ =	shalt  }
0x64: {  	_ =	shalt  }
0x65: {  	_ =	shalt  }
0x66: {  	_ =	shalt  }
0x67: {  	_ =	shalt  }
0x68: {  	_ =	shalt  }
0x69: {  	_ =	shalt  }
0x6a: {  	_ =	shalt  }
0x6b: {  	_ =	shalt  }
0x6c: {  	_ =	shalt  }
0x6d: {  	_ =	shalt  }
0x6e: {  	_ =	shalt  }
0x6f: {  	_ =	shalt  }
0x70: {  	_ =	shalt  }
0x71: {  	_ =	shalt  }
0x72: {  	_ =	shalt  }
0x73: {  	_ =	shalt  }
0x74: {  	_ =	shalt  }
0x75: {  	_ =	shalt  }
0x76: {  	_ =	shalt  }
0x77: {  	_ =	shalt  }
0x78: {  	_ =	shalt  }
0x79: {  	_ =	shalt  }
0x7a: {  	_ =	shalt  }
0x7b: {  	_ =	shalt  }
0x7c: {  	_ =	shalt  }
0x7d: {  	_ =	shalt  }
0x7e: {  	_ =	shalt  }
0x7f: {  	_ =	shalt  }
0x80: {  	_ =	shalt  }
0x81: {  	_ =	shalt  }
0x82: {  	_ =	shalt  }
0x83: {  	_ =	shalt  }
0x84: {  	_ =	shalt  }
0x85: {  	_ =	shalt  }
0x86: {  	_ =	shalt  }
0x87: {  	_ =	shalt  }
.Lfunc_end0:
.L_simem_size_0:
called_computation.1_lowered:
.L_overlay_start_0:
0x88: {  	s2 =	sld [smem:$0x3FD9]  }
0x89: {  	s3 =	sld [smem:$0x3FFE];
	_ =	sdelay $0x1  }
0x8a: {  	s1 =	srdreg.scid  }
0x8b: {  	s0 =	sand.u32 $0x1, s1  }
0x8c: {  	s17 =	sshll.u32 s0, $0xA;
	s2 =	sadd.s32 s3, s2  }
0x8d: {  	s2 =	sadd.s32 s2, s17  }
0x8e: {  	[smem:$0x3FBF] =	sst s2  }
0x8f: {  	_ = 	snop  }
0x90: {  	s2 =	sld [smem:$0x3FD0];
	(tm) =	ssettm $0x1  }
0x91: {  	s18 =	sld [smem:$0x3FFB];
	_ =	sdelay $0x3  }
0x92: {  	_ =	strace s18  }
0x93: {  	s3 =	sld [smem:$0x3FFC];
	_ =	sdelay $0x3  }
0x94: {  	_ =	strace s3  }
0x95: {  	s3 =	sld [smem:$0x3FFD];
	_ =	sdelay $0x3  }
0x96: {  	_ =	strace s3  }
0x97: {  	_ =	strace $0x8FFFFFFF  }
0x98: {  	s19 =	sld [smem:$0x3FDB];
	_ =	sdelay $0x1  }
0x99: {  	s4 =	simm.s32 $_scs_section_size  }
0x9a: {  	s5 =	simm.s32 $_size__tile_overlayer_lowered;
	s6 =	simm.s32 $_tile_overlayer_lowered  }
0x9b: {  	s22 =	simm.s32 $0x1BFF;
	s21 =	sshll.u32 s6, $0x1;
	s3 =	sadd.s32 s4, s19  }
0x9c: {  	s7 =	simm.s32 $0x0;
	s20 =	sshll.u32 s5, $0x1;
	s5 =	sadd.s32 s21, s3  }
0x9d: {  	[timem:s7], [sflag:s22] =	dma.local [hbm:s5], s20  }
0x9e: {  	_ =	swait.ge [sflag:s22], s20  }
0x9f: {  	s4 =	ssub.s32 $0x0, s20;
	[sflag:s22] =	ssyncset.done $0x0  }
0xa0: {  	[sflag:s22] =	ssyncadd.s32 s4;
	_ =	sdelay $0x1  }
0xa1: {  	s23 =	simm.s32 $0x1B8B  }
0xa2: {  	_ =	swait.ge [sflag:s23], $0x1  }
0xa3: {  	[sflag:s23] =	ssyncset.done $0x0  }
0xa4: {  	s25 =	simm.s32 $0x1B8E;
	s24 =	sld [smem:$0x3FFE];
	[sflag:s23] =	ssyncadd.s32 $0xFFFFFFFF  }
0xa5: {  	s26 =	simm.s32 $execute0_lowered;
	[smem:$0x3FD2] =	sst s25  }
0xa6: {  	s5 =	sshll.u32 s26, $0x1;
	_ =	strace $0x80000049;
	[dreg:$0x1] =	wrdreg $0xFFFFFFFF  }
0xa7: {  	s28 =	simm.s32 $_size_execute0_lowered;
	s3 =	sadd.s32 s3, s5;
	[dreg:$0x0] =	wrdreg $0x0  }
0xa8: {  	s5 =	sshll.u32 s28, $0x1;
	[dreg:$0x2] =	wrdreg s3  }
0xa9: {  	[dreg:$0x3] =	wrdreg s5  }
0xaa: {  	[dreg:$0x4] =	wrdreg $0xC0  }
0xab: {  	_ =	task [dreg:s7], $0x5FFFF  }
0xac: {  	[dreg:$0x1] =	wrdreg $0xFFFFFFFF  }
0xad: {  	[dreg:$0x0] =	wrdreg $0x60  }
0xae: {  	[dreg:$0x2] =	wrdreg s24  }
0xaf: {  	[dreg:$0x3] =	wrdreg s2  }
0xb0: {  	[dreg:$0x4] =	wrdreg $0x84000  }
0xb1: {  	[dreg:$0x5] =	wrdreg $0x9  }
0xb2: {  	_ =	task.clear_ibuf [dreg:s7], $0x6FFFF;
	_ =	strace $0x90000049  }
0xb3: {  	s29 =	simm.s32 $0x9;
	_ =	strace $0x8000004B  }
0xb4: {  	_ =	swait.ge [sflag:s29], $0x1  }
0xb5: {  	[sflag:s29] =	ssyncadd.s32 $0xFFFFFFFF  }
0xb6: {  	_ =	strace $0x9000004B  }
0xb7: {  	_ =	sfence  }
0xb8: {  	s30 =	sld [smem:$0x0];
	_ =	sdelay $0x2  }
0xb9: {  	s31 =	sshll.u32 s1, $0xD;
	s1 =	sshrl.u32 s1, $0x2  }
0xba: {  	s3 =	sand.u32 $0x4000, s31;
	s1 =	sadd.s32 s1, s30  }
0xbb: {  	s0 =	sor.u32 s3, s0;
	s1 =	sshll.u32 s1, $0x11  }
0xbc: {  	s0 =	sor.u32 s1, s0  }
0xbd: {  	s0 =	sadd.s32 $0x8F2B, s0  }
0xbe: {  	[sflag:s0] =	ssyncadd.remote.s32 $0x1  }
0xbf: {  	_ =	sfence.sel $0xFFFF  }
0xc0: {  	[dreg:$0x0] =	wrdreg $0xFFFFFFFF;
	(pc) =	sbr.abs _section_cstart, $3  }
0xc1: {  	[dreg:$0x1] =	wrdreg $0xFFFFFFFF  }
0xc2: {  	_ =	task.clear_ibuf [dreg:s7], $0x2FFFF;
	_ =	strace $0x9FFFFFFF  }
0xc3: {  	(tm) =	ssettm $0x7FFFFFFF  }
tec
execute0_lowered:
.L_overlay_start_1:
0x0: {  	(tag) =	ssettag $0x1  }
0x1: {  	s0 =	rddreg [dreg:$0x0]  }
0x2: {  	s2 =	rddreg [dreg:$0x2];
	s3 =	simm.s32 $0x0  }
0x3: {  	s1 =	srdreg.scid;
	s13 =	stileid.u32;
	s28 =	simm.s32 $0x5  }
0x4: {  	s29 =	simm.s32 $0x300;
	s30 =	simm.s32 $0x7;
	s31 =	simm.s32 $0x3  }
0x5: {  	[smem:$0x7FF] =	sst s3;
	s4 =	sadd.s32 $0x2C00, s0;
	s16 =	smul.u32 $0x13C00, s13  }
0x6: {  	s1 =	sand.u32 $0x1, s1;
	s5 =	sadd.s32 $0x19400, s0;
	s17 =	smul.u32 $0x4F000, s13  }
0x7: {  	s7 =	sadd.s32 $0x16C00, s0;
	s8 =	sshll.u32 s13, $0x1;
	s20 =	smul.u32 $0xA0, s13  }
0x8: {  	s9 =	sadd.s32 $0x2A00, s0;
	s21 =	sshll.u32 s13, $0x6;
	s6 =	smul.u32 $0x13C000, s1  }
0x9: {  	s8 =	sor.u32 s1, s8;
	s18 =	ssub.s32 $0x2, s1;
	s1 =	smul.u32 $0x50, s1  }
0xa: {  	_ =	strace $0x8000004A;
	[dreg:$0x4] =	wrdreg s7;
	s10 =	smul.u32 $0xA00, s8  }
0xb: {  	[dreg:$0x5] =	wrdreg s9;
	s11 =	sshrl.u32 s18, $0x1;
	s12 =	smul.u32 $0x5000, s8  }
0xc: {  	s9 =	sshrl.u32 s17, $0x2;
	p0 =	sne.s32 s8, $0x0;
	s6 =	sadd.s32 s16, s6  }
0xd: {  	s19 =	ssub.s32 s18, s11;
	s9 =	sadd.s32 s9, s2;
	s18 =	sor.u32 $0x1C0A, s21  }
0xe: {  	s1 =	sadd.s32 s1, s20;
	s20 =	simm.s32 $0x100;
	s21 =	simm.s32 $0x1  }
0xf: {  	s11 =	simm.s32 $0x0;
	s6 =	sshrl.u32 s6, $0x3;
	s22 =	sadd.s32 s4, s10  }
0x10: {  	s23 =	sshrl.u32 s12, $0x3;
	s1 =	sshll.u32 s1, $0x5;
	s26 =	smax.u32 s19, $0x1  }
0x11: {  	s19 =	sshrl.u32 s9, $0x3;
	s9 =	simm.s32 $0xA;
	[dreg:$0x6] =	wrdreg s18  }
0x12: {  	s0 =	sadd.s32 s6, s0;
	s10 =	sadd.s32 $0x20, s22;
	[dreg:$0x7] =	wrdreg s22  }
0x13: {  	s24 =	sadd.s32 $0x40, s22;
	s25 =	sadd.s32 s4, s23;
	s14 =	sadd.s32 s1, s4  }
0x14: {  	[dreg:$0xc] =	wrdreg s26;
	s22 =	simm.s32 $0x80;
	s23 =	simm.s32 $0x400  }
0x15: {  	s26 =	simm.s32 $0x4400;
	s4 =	simm.s32 $0x180;
	[dreg:$0xd] =	wrdreg s19  }
0x16: {  	s1 =	simm.s32 $0x8;
	s6 =	simm.s32 $0x4;
	[dreg:$0x8] =	wrdreg s10  }
0x17: {  	[dreg:$0x9] =	wrdreg s24;
	s7 =	sadd.s32 $0x9E0, s25;
	s0 =	sadd.s32 $0x40600, s0  }
0x18: {  	s16 =	sadd.s32 $0xC0, s14;
	s17 =	sadd.s32 $0x80, s14;
	s24 =	simm.s32 $0x200  }
0x19: {  	s25 =	simm.s32 $0x2;
	s10 =	simm.s32 $0x380;
	[dreg:$0xa] =	wrdreg s7  }
0x1a: {  	[dreg:$0xb] =	wrdreg s0;
	s0 =	simm.s32 $0x6;
	s7 =	simm.s32 $0x280  }
.LBB2_1:
0x1b: {  	s8 =	rddreg [dreg:$0x4]  }
0x1c: {  	[spmem:s19], [sflag:s18] =	dma.local [hbm:s8], $0x2780  }
0x1d: {  	_ =	swait.ge [sflag:s9], $0x2780  }
0x1e: {  	[sflag:s9] =	ssyncset.done $0x0  }
0x1f: {  	[sflag:s9] =	ssyncadd.s32 $0xFFFFD880  }
0x20: {  	[bflag:$0x0] =	sbarrier.arrive $0xFFFF  }
0x21: {  	s19 =	rddreg [dreg:$0x7]  }
0x22: {  	[tilespmem:s3], [sflag:$0x1] =	stream.linear.gather [hbm4b:s19+s3], $0x100, $0x38;
	[tilespmem:$0x1C080] =	vst v63  }
0x23: {  	s9 =	rddreg [dreg:$0x8]  }
0x24: {  	[tilespmem:s20], [sflag:$0x2] =	stream.linear.gather [hbm4b:s9+s3], $0x100, $0x38;
	[tilespmem:$0x1C080] =	vst v63  }
0x25: {  	_ =	swait.ge [sflag:s21], $0x100  }
0x26: {  	[sflag:s21] =	ssyncset.done $0x0  }
0x27: {  	[sflag:s21] =	ssyncadd.s32 $0xFFFFFF00  }
0x28: {  	[tilespmem:s23], [sflag:$0x5] =	stream.indirect.gather [hbm4b:s5+s22], $0x80, s3, s22, $0xb8;
	[tilespmem:$0x1C080] =	vst v63  }
0x29: {  	s12 =	rddreg [dreg:$0x9]  }
0x2a: {  	[tilespmem:s24], [sflag:$0x3] =	stream.linear.gather [hbm4b:s12+s3], $0x100, $0x38;
	[tilespmem:$0x1C080] =	vst v63  }
0x2b: {  	_ =	swait.ge [sflag:s25], $0x100  }
0x2c: {  	[sflag:s25] =	ssyncset.done $0x0  }
0x2d: {  	[sflag:s25] =	ssyncadd.s32 $0xFFFFFF00  }
0x2e: {  	[tilespmem:s26], [sflag:$0x6] =	stream.indirect.gather [hbm4b:s5+s22], $0x80, s20, s22, $0xb8;
	[tilespmem:$0x1C080] =	vst v63  }
0x2f: {  	_ =	swait.ge [sflag:s28], $0x4000  }
0x30: {  	[sflag:s28] =	ssyncset.done $0x0  }
0x31: {  	s13 =	sadd.s32 $0x0, s14;
	[sflag:s28] =	ssyncadd.s32 $0xFFFFC000  }
0x32: {  	[spmem:s2] =	stream.indirect.scatter.add.f32 [tilespmem:s23], [sflag:$0x7], $0x80, s22, s22, $0xb8;
	[tilespmem:$0x1C080] =	vst v63  }
0x33: {  	s15 =	sadd.s32 $0x60, s13  }
0x34: {  	[tilespmem:s29], [sflag:$0x4] =	stream.linear.gather [hbm4b:s15+s3], $0x100, $0x38;
	[tilespmem:$0x1C080] =	vst v63  }
0x35: {  	_ =	swait.ge [sflag:s30], $0x4000  }
0x36: {  	[sflag:s30] =	ssyncset.done $0x0  }
0x37: {  	[sflag:s30] =	ssyncadd.s32 $0xFFFFC000  }
0x38: {  	_ =	swait.ge [sflag:s31], $0x100  }
0x39: {  	[sflag:s31] =	ssyncset.done $0x0  }
0x3a: {  	[sflag:s31] =	ssyncadd.s32 $0xFFFFFF00  }
0x3b: {  	[tilespmem:s23], [sflag:$0x5] =	stream.indirect.gather [hbm4b:s5+s22], $0x80, s24, s22, $0xb8;
	[tilespmem:$0x1C080] =	vst v63  }
0x3c: {  	_ =	swait.ge [sflag:s0], $0x4000  }
0x3d: {  	[sflag:s0] =	ssyncset.done $0x0  }
0x3e: {  	[sflag:s0] =	ssyncadd.s32 $0xFFFFC000  }
0x3f: {  	[spmem:s2] =	stream.indirect.scatter.add.f32 [tilespmem:s26], [sflag:$0x8], $0x80, s4, s22, $0xb8;
	[tilespmem:$0x1C080] =	vst v63  }
0x40: {  	s18 =	sadd.s32 $0x0, s17  }
0x41: {  	[tilespmem:s3], [sflag:$0x1] =	stream.linear.gather [hbm4b:s18+s3], $0x100, $0x38;
	[tilespmem:$0x1C080] =	vst v63  }
0x42: {  	_ =	swait.ge [sflag:s1], $0x4000  }
0x43: {  	[sflag:s1] =	ssyncset.done $0x0  }
0x44: {  	[sflag:s1] =	ssyncadd.s32 $0xFFFFC000  }
0x45: {  	_ =	swait.ge [sflag:s6], $0x100  }
0x46: {  	[sflag:s6] =	ssyncset.done $0x0  }
0x47: {  	[sflag:s6] =	ssyncadd.s32 $0xFFFFFF00  }
0x48: {  	[tilespmem:s26], [sflag:$0x6] =	stream.indirect.gather [hbm4b:s5+s22], $0x80, s29, s22, $0xb8;
	[tilespmem:$0x1C080] =	vst v63  }
0x49: {  	_ =	swait.ge [sflag:s28], $0x4000  }
0x4a: {  	[sflag:s28] =	ssyncset.done $0x0  }
0x4b: {  	[sflag:s28] =	ssyncadd.s32 $0xFFFFC000  }
0x4c: {  	[spmem:s2] =	stream.indirect.scatter.add.f32 [tilespmem:s23], [sflag:$0x7], $0x80, s7, s22, $0xb8;
	[tilespmem:$0x1C080] =	vst v63  }
0x4d: {  	s8 =	sadd.s32 $0xA0, s13  }
0x4e: {  	[tilespmem:s20], [sflag:$0x2] =	stream.linear.gather [hbm4b:s8+s3], $0x100, $0x38;
	[tilespmem:$0x1C080] =	vst v63  }
0x4f: {  	_ =	swait.ge [sflag:s30], $0x4000  }
0x50: {  	[sflag:s30] =	ssyncset.done $0x0  }
0x51: {  	[sflag:s30] =	ssyncadd.s32 $0xFFFFC000  }
0x52: {  	_ =	swait.ge [sflag:s21], $0x100  }
0x53: {  	[sflag:s21] =	ssyncset.done $0x0  }
0x54: {  	[sflag:s21] =	ssyncadd.s32 $0xFFFFFF00  }
0x55: {  	[tilespmem:s23], [sflag:$0x5] =	stream.indirect.gather [hbm4b:s5+s22], $0x80, s3, s22, $0xb8;
	[tilespmem:$0x1C080] =	vst v63  }
0x56: {  	_ =	swait.ge [sflag:s0], $0x4000  }
0x57: {  	[sflag:s0] =	ssyncset.done $0x0  }
0x58: {  	[sflag:s0] =	ssyncadd.s32 $0xFFFFC000  }
0x59: {  	[spmem:s2] =	stream.indirect.scatter.add.f32 [tilespmem:s26], [sflag:$0x8], $0x80, s10, s22, $0xb8;
	[tilespmem:$0x1C080] =	vst v63  }
0x5a: {  	s19 =	sadd.s32 $0x0, s16  }
0x5b: {  	[tilespmem:s24], [sflag:$0x3] =	stream.linear.gather [hbm4b:s19+s3], $0x100, $0x38;
	[tilespmem:$0x1C080] =	vst v63  }
0x5c: {  	_ =	swait.ge [sflag:s1], $0x4000  }
0x5d: {  	[sflag:s1] =	ssyncset.done $0x0  }
0x5e: {  	[sflag:s1] =	ssyncadd.s32 $0xFFFFC000  }
0x5f: {  	_ =	swait.ge [sflag:s25], $0x100  }
0x60: {  	[sflag:s25] =	ssyncset.done $0x0  }
0x61: {  	[sflag:s25] =	ssyncadd.s32 $0xFFFFFF00  }
0x62: {  	[tilespmem:s26], [sflag:$0x6] =	stream.indirect.gather [hbm4b:s5+s22], $0x80, s20, s22, $0xb8;
	[tilespmem:$0x1C080] =	vst v63  }
0x63: {  	_ =	swait.ge [sflag:s28], $0x4000  }
0x64: {  	s13 =	sadd.s32 $0x80, s14;
	[sflag:s28] =	ssyncset.done $0x0  }
0x65: {  	s12 =	simm.s32 $0x80;
	s15 =	simm.s32 $0x100;
	[sflag:s28] =	ssyncadd.s32 $0xFFFFC000  }
.LBB2_2:
0x66: {  	[spmem:s2] =	stream.indirect.scatter.add.f32 [tilespmem:s23], [sflag:$0x7], $0x80, s22, s22, $0xb8;
	[tilespmem:$0x1C080] =	vst v63  }
0x67: {  	s9 =	smov.u32 s15  }
0x68: {  	s8 =	sadd.s32 $0x80, s15;
	s19 =	sadd.s32 $0x60, s13;
	s18 =	sadd.s32 s9, s14  }
0x69: {  	[tilespmem:s29], [sflag:$0x4] =	stream.linear.gather [hbm4b:s19+s3], $0x100, $0x38;
	[tilespmem:$0x1C080] =	vst v63  }
0x6a: {  	p1 =	sne.s32 s15, $0x900;
	_ =	swait.ge [sflag:s30], $0x4000  }
0x6b: {  	[sflag:s30] =	ssyncset.done $0x0  }
0x6c: {  	[sflag:s30] =	ssyncadd.s32 $0xFFFFC000  }
0x6d: {  	_ =	swait.ge [sflag:s31], $0x100  }
0x6e: {  	[sflag:s31] =	ssyncset.done $0x0  }
0x6f: {  	[sflag:s31] =	ssyncadd.s32 $0xFFFFFF00  }
0x70: {  	[tilespmem:s23], [sflag:$0x5] =	stream.indirect.gather [hbm4b:s5+s22], $0x80, s24, s22, $0xb8;
	[tilespmem:$0x1C080] =	vst v63  }
0x71: {  	_ =	swait.ge [sflag:s0], $0x4000  }
0x72: {  	[sflag:s0] =	ssyncset.done $0x0  }
0x73: {  	[sflag:s0] =	ssyncadd.s32 $0xFFFFC000  }
0x74: {  	[spmem:s2] =	stream.indirect.scatter.add.f32 [tilespmem:s26], [sflag:$0x8], $0x80, s4, s22, $0xb8;
	[tilespmem:$0x1C080] =	vst v63  }
0x75: {  	s15 =	sadd.s32 s12, s17  }
0x76: {  	[tilespmem:s3], [sflag:$0x1] =	stream.linear.gather [hbm4b:s15+s3], $0x100, $0x38;
	[tilespmem:$0x1C080] =	vst v63  }
0x77: {  	_ =	swait.ge [sflag:s1], $0x4000  }
0x78: {  	[sflag:s1] =	ssyncset.done $0x0  }
0x79: {  	[sflag:s1] =	ssyncadd.s32 $0xFFFFC000  }
0x7a: {  	_ =	swait.ge [sflag:s6], $0x100  }
0x7b: {  	[sflag:s6] =	ssyncset.done $0x0  }
0x7c: {  	[sflag:s6] =	ssyncadd.s32 $0xFFFFFF00  }
0x7d: {  	[tilespmem:s26], [sflag:$0x6] =	stream.indirect.gather [hbm4b:s5+s22], $0x80, s29, s22, $0xb8;
	[tilespmem:$0x1C080] =	vst v63  }
0x7e: {  	_ =	swait.ge [sflag:s28], $0x4000  }
0x7f: {  	[sflag:s28] =	ssyncset.done $0x0  }
0x80: {  	[sflag:s28] =	ssyncadd.s32 $0xFFFFC000  }
0x81: {  	[spmem:s2] =	stream.indirect.scatter.add.f32 [tilespmem:s23], [sflag:$0x7], $0x80, s7, s22, $0xb8;
	[tilespmem:$0x1C080] =	vst v63  }
0x82: {  	s15 =	sadd.s32 $0xA0, s13;
	s13 =	smov.u32 s18  }
0x83: {  	[tilespmem:s20], [sflag:$0x2] =	stream.linear.gather [hbm4b:s15+s3], $0x100, $0x38;
	[tilespmem:$0x1C080] =	vst v63  }
0x84: {  	_ =	swait.ge [sflag:s30], $0x4000  }
0x85: {  	[sflag:s30] =	ssyncset.done $0x0  }
0x86: {  	[sflag:s30] =	ssyncadd.s32 $0xFFFFC000  }
0x87: {  	_ =	swait.ge [sflag:s21], $0x100  }
0x88: {  	[sflag:s21] =	ssyncset.done $0x0  }
0x89: {  	[sflag:s21] =	ssyncadd.s32 $0xFFFFFF00  }
0x8a: {  	[tilespmem:s23], [sflag:$0x5] =	stream.indirect.gather [hbm4b:s5+s22], $0x80, s3, s22, $0xb8;
	[tilespmem:$0x1C080] =	vst v63  }
0x8b: {  	_ =	swait.ge [sflag:s0], $0x4000  }
0x8c: {  	[sflag:s0] =	ssyncset.done $0x0  }
0x8d: {  	[sflag:s0] =	ssyncadd.s32 $0xFFFFC000  }
0x8e: {  	[spmem:s2] =	stream.indirect.scatter.add.f32 [tilespmem:s26], [sflag:$0x8], $0x80, s10, s22, $0xb8;
	[tilespmem:$0x1C080] =	vst v63  }
0x8f: {  	s15 =	sadd.s32 s12, s16;
	s12 =	smov.u32 s9  }
0x90: {  	[tilespmem:s24], [sflag:$0x3] =	stream.linear.gather [hbm4b:s15+s3], $0x100, $0x38;
	[tilespmem:$0x1C080] =	vst v63  }
0x91: {  	_ =	swait.ge [sflag:s1], $0x4000  }
0x92: {  	[sflag:s1] =	ssyncset.done $0x0  }
0x93: {  	[sflag:s1] =	ssyncadd.s32 $0xFFFFC000  }
0x94: {  	_ =	swait.ge [sflag:s25], $0x100  }
0x95: {  	[sflag:s25] =	ssyncset.done $0x0  }
.Ltmp0:
0x96: {  	[sflag:s25] =	ssyncadd.s32 $0xFFFFFF00;
	(pc) =	sbr.rel @p1 .LBB2_2-.Ltmp0, $4  }
0x97: {  	[tilespmem:s26], [sflag:$0x6] =	stream.indirect.gather [hbm4b:s5+s22], $0x80, s20, s22, $0xb8;
	[tilespmem:$0x1C080] =	vst v63  }
0x98: {  	_ =	swait.ge [sflag:s28], $0x4000  }
0x99: {  	[sflag:s28] =	ssyncset.done $0x0  }
0x9a: {  	s15 =	smov.u32 s8;
	[sflag:s28] =	ssyncadd.s32 $0xFFFFC000  }
0x9b: {  	[spmem:s2] =	stream.indirect.scatter.add.f32 [tilespmem:s23], [sflag:$0x7], $0x80, s22, s22, $0xb8;
	[tilespmem:$0x1C080] =	vst v63  }
0x9c: {  	s8 =	sadd.s32 $0x60, s13  }
0x9d: {  	[tilespmem:s29], [sflag:$0x4] =	stream.linear.gather [hbm4b:s8+s3], $0x100, $0x38;
	[tilespmem:$0x1C080] =	vst v63  }
0x9e: {  	_ =	swait.ge [sflag:s30], $0x4000  }
0x9f: {  	[sflag:s30] =	ssyncset.done $0x0  }
0xa0: {  	[sflag:s30] =	ssyncadd.s32 $0xFFFFC000  }
0xa1: {  	_ =	swait.ge [sflag:s31], $0x100  }
0xa2: {  	[sflag:s31] =	ssyncset.done $0x0  }
0xa3: {  	[sflag:s31] =	ssyncadd.s32 $0xFFFFFF00  }
0xa4: {  	[tilespmem:s23], [sflag:$0x5] =	stream.indirect.gather [hbm4b:s5+s22], $0x80, s24, s22, $0xb8;
	[tilespmem:$0x1C080] =	vst v63  }
0xa5: {  	_ =	swait.ge [sflag:s0], $0x4000  }
0xa6: {  	[sflag:s0] =	ssyncset.done $0x0  }
0xa7: {  	[sflag:s0] =	ssyncadd.s32 $0xFFFFC000  }
0xa8: {  	[spmem:s2] =	stream.indirect.scatter.add.f32 [tilespmem:s26], [sflag:$0x8], $0x80, s4, s22, $0xb8;
	[tilespmem:$0x1C080] =	vst v63  }
0xa9: {  	s15 =	sadd.s32 s12, s17  }
0xaa: {  	[tilespmem:s3], [sflag:$0x1] =	stream.linear.gather [hbm4b:s15+s3], $0x100, $0x38;
	[tilespmem:$0x1C080] =	vst v63  }
0xab: {  	_ =	swait.ge [sflag:s1], $0x4000  }
0xac: {  	[sflag:s1] =	ssyncset.done $0x0  }
0xad: {  	[sflag:s1] =	ssyncadd.s32 $0xFFFFC000  }
0xae: {  	_ =	swait.ge [sflag:s6], $0x100  }
0xaf: {  	[sflag:s6] =	ssyncset.done $0x0  }
0xb0: {  	[sflag:s6] =	ssyncadd.s32 $0xFFFFFF00  }
0xb1: {  	[tilespmem:s26], [sflag:$0x6] =	stream.indirect.gather [hbm4b:s5+s22], $0x80, s29, s22, $0xb8;
	[tilespmem:$0x1C080] =	vst v63  }
0xb2: {  	_ =	swait.ge [sflag:s28], $0x4000  }
0xb3: {  	[sflag:s28] =	ssyncset.done $0x0  }
0xb4: {  	[sflag:s28] =	ssyncadd.s32 $0xFFFFC000  }
0xb5: {  	[spmem:s2] =	stream.indirect.scatter.add.f32 [tilespmem:s23], [sflag:$0x7], $0x80, s7, s22, $0xb8;
	[tilespmem:$0x1C080] =	vst v63  }
0xb6: {  	s18 =	sadd.s32 $0xA0, s13  }
0xb7: {  	[tilespmem:s20], [sflag:$0x2] =	stream.linear.gather [hbm4b:s18+s3], $0x100, $0x38;
	[tilespmem:$0x1C080] =	vst v63  }
0xb8: {  	_ =	swait.ge [sflag:s30], $0x4000  }
0xb9: {  	[sflag:s30] =	ssyncset.done $0x0  }
0xba: {  	[sflag:s30] =	ssyncadd.s32 $0xFFFFC000  }
0xbb: {  	_ =	swait.ge [sflag:s21], $0x100  }
0xbc: {  	[sflag:s21] =	ssyncset.done $0x0  }
0xbd: {  	[sflag:s21] =	ssyncadd.s32 $0xFFFFFF00  }
0xbe: {  	[tilespmem:s23], [sflag:$0x5] =	stream.indirect.gather [hbm4b:s5+s22], $0x80, s3, s22, $0xb8;
	[tilespmem:$0x1C080] =	vst v63  }
0xbf: {  	_ =	swait.ge [sflag:s0], $0x4000  }
0xc0: {  	[sflag:s0] =	ssyncset.done $0x0  }
0xc1: {  	[sflag:s0] =	ssyncadd.s32 $0xFFFFC000  }
0xc2: {  	[spmem:s2] =	stream.indirect.scatter.add.f32 [tilespmem:s26], [sflag:$0x8], $0x80, s10, s22, $0xb8;
	[tilespmem:$0x1C080] =	vst v63  }
0xc3: {  	s19 =	sadd.s32 s12, s16  }
0xc4: {  	[tilespmem:s24], [sflag:$0x3] =	stream.linear.gather [hbm4b:s19+s3], $0x100, $0x38;
	[tilespmem:$0x1C080] =	vst v63  }
0xc5: {  	_ =	swait.ge [sflag:s1], $0x4000  }
0xc6: {  	[sflag:s1] =	ssyncset.done $0x0  }
0xc7: {  	[sflag:s1] =	ssyncadd.s32 $0xFFFFC000  }
0xc8: {  	_ =	swait.ge [sflag:s25], $0x100  }
0xc9: {  	[sflag:s25] =	ssyncset.done $0x0  }
0xca: {  	[sflag:s25] =	ssyncadd.s32 $0xFFFFFF00  }
0xcb: {  	[tilespmem:s26], [sflag:$0x6] =	stream.indirect.gather [hbm4b:s5+s22], $0x80, s20, s22, $0xb8;
	[tilespmem:$0x1C080] =	vst v63  }
0xcc: {  	_ =	swait.ge [sflag:s28], $0x4000  }
0xcd: {  	[sflag:s28] =	ssyncset.done $0x0  }
0xce: {  	[sflag:s28] =	ssyncadd.s32 $0xFFFFC000  }
0xcf: {  	[spmem:s2] =	stream.indirect.scatter.add.f32 [tilespmem:s23], [sflag:$0x7], $0x80, s22, s22, $0xb8;
	[tilespmem:$0x1C080] =	vst v63  }
0xd0: {  	s9 =	rddreg [dreg:$0xa]  }
0xd1: {  	[tilespmem:s29], [sflag:$0x4] =	stream.linear.gather [hbm4b:s9+s3], $0x100, $0x38;
	[tilespmem:$0x1C080] =	vst v63  }
0xd2: {  	_ =	swait.ge [sflag:s30], $0x4000  }
0xd3: {  	[sflag:s30] =	ssyncset.done $0x0  }
0xd4: {  	[sflag:s30] =	ssyncadd.s32 $0xFFFFC000  }
0xd5: {  	_ =	swait.ge [sflag:s31], $0x100  }
0xd6: {  	[sflag:s31] =	ssyncset.done $0x0  }
0xd7: {  	[sflag:s31] =	ssyncadd.s32 $0xFFFFFF00  }
0xd8: {  	[tilespmem:s23], [sflag:$0x5] =	stream.indirect.gather [hbm4b:s5+s22], $0x80, s24, s22, $0xb8;
	[tilespmem:$0x1C080] =	vst v63  }
0xd9: {  	_ =	swait.ge [sflag:s0], $0x4000  }
0xda: {  	[sflag:s0] =	ssyncset.done $0x0  }
0xdb: {  	[sflag:s0] =	ssyncadd.s32 $0xFFFFC000  }
0xdc: {  	[spmem:s2] =	stream.indirect.scatter.add.f32 [tilespmem:s26], [sflag:$0x8], $0x80, s4, s22, $0xb8;
	[tilespmem:$0x1C080] =	vst v63  }
0xdd: {  	_ =	swait.ge [sflag:s1], $0x4000  }
0xde: {  	[sflag:s1] =	ssyncset.done $0x0  }
0xdf: {  	[sflag:s1] =	ssyncadd.s32 $0xFFFFC000  }
0xe0: {  	_ =	swait.ge [sflag:s6], $0x100  }
0xe1: {  	[sflag:s6] =	ssyncset.done $0x0  }
0xe2: {  	[sflag:s6] =	ssyncadd.s32 $0xFFFFFF00  }
0xe3: {  	[tilespmem:s26], [sflag:$0x6] =	stream.indirect.gather [hbm4b:s5+s22], $0x80, s29, s22, $0xb8;
	[tilespmem:$0x1C080] =	vst v63  }
0xe4: {  	_ =	swait.ge [sflag:s28], $0x4000  }
0xe5: {  	[sflag:s28] =	ssyncset.done $0x0  }
0xe6: {  	[sflag:s28] =	ssyncadd.s32 $0xFFFFC000  }
0xe7: {  	[spmem:s2] =	stream.indirect.scatter.add.f32 [tilespmem:s23], [sflag:$0x7], $0x80, s7, s22, $0xb8;
	[tilespmem:$0x1C080] =	vst v63  }
0xe8: {  	_ =	swait.ge [sflag:s0], $0x4000  }
0xe9: {  	[sflag:s0] =	ssyncset.done $0x0  }
0xea: {  	[sflag:s0] =	ssyncadd.s32 $0xFFFFC000  }
0xeb: {  	[spmem:s2] =	stream.indirect.scatter.add.f32 [tilespmem:s26], [sflag:$0x8], $0x80, s10, s22, $0xb8;
	[tilespmem:$0x1C080] =	vst v63  }
0xec: {  	_ =	swait.ge [sflag:s30], $0x4000  }
0xed: {  	[sflag:s30] =	ssyncset.done $0x0  }
0xee: {  	[sflag:s30] =	ssyncadd.s32 $0xFFFFC000  }
0xef: {  	_ =	swait.ge [sflag:s1], $0x4000  }
0xf0: {  	[sflag:s1] =	ssyncset.done $0x0  }
0xf1: {  	[sflag:s1] =	ssyncadd.s32 $0xFFFFC000  }
0xf2: {  	[bflag:$0x0] =	sbarrier.arrive $0xFFFF  }
0xf3: {  	s18 =	rddreg [dreg:$0x6]  }
0xf4: {  	s12 =	rddreg [dreg:$0xb]  }
0xf5: {  	s13 =	simm.s32 $0xA;
	s19 =	rddreg [dreg:$0xd]  }
0xf6: {  	[hbm:s12], [sflag:s18] =	dma.local [spmem:s19], $0x2780  }
0xf7: {  	_ =	swait.ge [sflag:s13], $0x2780  }
0xf8: {  	s8 =	simm.s32 @!p0 $0x0;
	[sflag:s13] =	ssyncset.done $0x0  }
0xf9: {  	s9 =	simm.s32 @!p0 $0x1C000;
	s12 =	rddreg [dreg:$0x5];
	[sflag:s13] =	ssyncadd.s32 $0xFFFFD880  }
0xfa: {  	[tilespmem:s9], [sflag:$0xA] =	stream.linear.gather @!p0 [hbm4b:s12+s8], $0x80, $0x38;
	[tilespmem:$0x1C080] =	vst v63  }
0xfb: {  	s12 =	simm.s32 @!p0 $0xA  }
0xfc: {  	_ =	swait.ge @!p0 [sflag:s12], $0x80  }
0xfd: {  	[sflag:s12] =	ssyncset.done @!p0 $0x0  }
0xfe: {  	s15 =	simm.s32 @!p0 $0x400;
	s13 =	simm.s32 @!p0 $0x68;
	[sflag:s12] =	ssyncadd.s32 @!p0 $0xFFFFFF80  }
0xff: {  	[tilespmem:s15], [sflag:$0x9] =	stream.indirect.gather @!p0 [hbm4b:s5+s13], $0x80, s9, s13, $0xb8;
	[tilespmem:$0x1C080] =	vst v63  }
0x100: {  	s9 =	simm.s32 @!p0 $0x9  }
0x101: {  	_ =	swait.ge @!p0 [sflag:s9], $0x3400  }
0x102: {  	[sflag:s9] =	ssyncset.done @!p0 $0x0  }
0x103: {  	[sflag:s9] =	ssyncadd.s32 @!p0 $0xFFFFCC00  }
0x104: {  	s9 =	rddreg [dreg:$0x1]  }
0x105: {  	[hbm4b:s9+s8] =	stream.linear.scatter @!p0 [tilespmem:s15], [sflag:$0xA], $0x3400, $0x38;
	[tilespmem:$0x1C080] =	vst v63  }
0x106: {  	_ =	swait.ge @!p0 [sflag:s12], $0x3400  }
0x107: {  	s11 =	sadd.s32 $0x1, s11;
	s15 =	rddreg [dreg:$0xc]  }
0x108: {  	p1 =	sne.s32 s11, s15  }
.Ltmp1:
0x109: {  	_ = 	snop;
	(pc) =	sbr.rel @p1 .LBB2_1-.Ltmp1, $3  }
0x10a: {  	_ =	sdelay $0x1  }
0x10b: {  	[sflag:s12] =	ssyncset.done @!p0 $0x0  }
0x10c: {  	s9 =	simm.s32 $0xA;
	[sflag:s12] =	ssyncadd.s32 @!p0 $0xFFFFCC00  }
0x10d: {  	_ =	sfence.sel $0x180000  }
0x10e: {  	[bflag:$0x0] =	sbarrier.arrive $0xFFFF  }
0x10f: {  	_ =	strace $0x9000004A  }
0x110: {  	s0 =	stileid.u32;
	[bflag:$0x2] =	sbarrier.arrive $0xFFFF  }
0x111: {  	p0 =	sne.s32 s0, $0x0;
	s0 =	rddreg [dreg:$0x3]  }
0x112: {  	s0 =	sadd.s32 @!p0 $0x100000, s0  }
0x113: {  	[sflag:s0] =	ssyncadd.tile.s32 @!p0 $0x1;
	_ =	shalt  }
.Lfunc_end2:
_tile_overlayer_lowered:
.L_overlay_start_2:
0x114: {  	(tag) =	ssettag $0x2  }
0x115: {  	s0 =	rddreg [dreg:$0x0];
	s2 =	stileid.u32  }
0x116: {  	s1 =	rddreg [dreg:$0x1];
	p0 =	sne.s32 s2, $0x0  }
0x117: {  	s3 =	rddreg [dreg:$0x2];
	[bflag:$0x3] =	sbarrier.arrive $0xFFFF;
	s2 =	simm.s32 @!p0 $0x1C0A  }
0x118: {  	[timem:s3], [sflag:s2] =	dma.local @!p0 [hbm:s0], s1  }
0x119: {  	s0 =	simm.s32 @!p0 $0xA  }
0x11a: {  	_ =	swait.ge @!p0 [sflag:s0], s1  }
0x11b: {  	s1 =	ssub.s32 @!p0 $0x0, s1;
	[sflag:s0] =	ssyncset.done @!p0 $0x0  }
0x11c: {  	[sflag:s0] =	ssyncadd.s32 @!p0 s1  }
0x11d: {  	[bflag:$0x3] =	sbarrier.arrive $0xFFFF  }
0x11e: {  	_ =	shalt  }

// kernel: kernel.13.cloned.1.call-start
scs
__scs_entry_jumppad:
0x0: {  	(pc) =	sbr.rel $0x88, $3  }
0x1: {  	(tag) =	ssettag $0x0;
	lr =	simm.s32 $0x1  }
0x2: {  	[smem:$0x3F98] =	sst lr;
	_ =	strace $0xD0000000  }
0x3: {  	_ = 	snop  }
0x4: {  	_ = 	snop  }
0x5: {  	_ = 	snop  }
0x6: {  	_ = 	snop  }
0x7: {  	_ = 	snop  }
__scs_overlays_trampoline_lowered:
0x8: {  	[smem:$0x3FA7] =	sst s0  }
0x9: {  	[smem:$0x3FA8] =	sst s1  }
0xa: {  	[smem:$0x3FA9] =	sst s2  }
0xb: {  	[smem:$0x3FAA] =	sst s3  }
0xc: {  	[smem:$0x3FAB] =	sst s4  }
0xd: {  	[smem:$0x3FAC] =	sst s5  }
0xe: {  	[smem:$0x3FAD] =	sst s6  }
0xf: {  	[smem:$0x3FAE] =	sst s7  }
0x10: {  	[smem:$0x3FAF] =	sst s8  }
0x11: {  	[smem:$0x3FB0] =	sst s9;
	s0 =	simm.s32 @!p0 $0x0  }
0x12: {  	s1 =	sld [smem:$0x3F96];
	s0 =	simm.s32 @p0 $0x1  }
0x13: {  	[smem:$0x3FB1] =	sst s0;
	s0 =	simm.s32 @!p1 $0x0  }
0x14: {  	s2 =	sld [smem:$0x3F95];
	s0 =	simm.s32 @p1 $0x1  }
0x15: {  	[smem:$0x3FB2] =	sst s0;
	s0 =	simm.s32 @!p2 $0x0  }
0x16: {  	s3 =	sld [smem:$0x3FDB];
	s0 =	simm.s32 @p2 $0x1  }
0x17: {  	s4 =	simm.s32 $0x1BF5;
	[smem:$0x3FB4] =	sst s0  }
0x18: {  	s0 =	sld [smem:$0x3F97];
	_ =	swait.ge [sflag:s4], $0x0  }
0x19: {  	s7 =	sld [smem:$0x3F98]  }
0x1a: {  	s8 =	sadd.s32 $0xFFFFE003, lr  }
0x1b: {  	s9 =	sadd.s32 $0xFFFFFEF7, lr;
	s5 =	simm.s32 $0xFFFFFFFF;
	p2 =	slt.u32 s8, $0xFFFFF086  }
0x1c: {  	p1 =	slt.u32 s9, $0xF7A;
	s5 =	simm.s32 @!p2 $0x0  }
0x1d: {  	s5 =	simm.s32 @p1 $0x1;
	p0 =	seq.s32 s7, s2  }
0x1e: {  	s7 =	smul.u32 @!p0 $0xF7A, s2;
	p2 =	seq.s32 @!p0 s5, $0x0  }
0x1f: {  	s9 =	smul.u32 $0xF7A, s1;
	s8 =	simm.s32 @!p0 $0x1BF5;
	p2 =	por !p2, p0  }
0x20: {  	[sflag:s8] =	ssyncset.s32 @!p0 $0xFFFFF086;
	s6 =	sadd.s32 @!p0 s3, s7;
	s7 =	simm.s32 @!p0 $0x108  }
0x21: {  	s3 =	sadd.s32 s3, s9;
	s6 =	sadd.s32 @!p0 $0x88, s6;
	s7 =	simm.s32 @p2 $0x1082  }
0x22: {  	[simem:s7], [sflag:s8] =	dma.local @!p0 [hbm:s6], $0xF7A  }
0x23: {  	s9 =	sor.u32 $0xD0000000, s2;
	s6 =	simm.s32 $0x108;
	_ =	swait.ge @!p0 [sflag:s8], $0x0  }
0x24: {  	s3 =	sadd.s32 $0x88, s3;
	s6 =	simm.s32 @!p1 $0x1082;
	[sflag:s4] =	ssyncset.s32 $0xFFFFF086  }
0x25: {  	[simem:s6], [sflag:s4] =	dma.local [hbm:s3], $0xF7A  }
0x26: {  	[smem:$0x3F98] =	sst s1;
	(tag) =	ssettag s2;
	_ =	strace s9  }
0x27: {  	s1 =	sld [smem:$0x3FA8]  }
0x28: {  	s2 =	sld [smem:$0x3FA9]  }
0x29: {  	s4 =	sld [smem:$0x3FAB]  }
0x2a: {  	p0 =	seq.s32 s5, $0x0;
	s5 =	sld [smem:$0x3FAC]  }
0x2b: {  	s6 =	sld [smem:$0x3FAD]  }
0x2c: {  	s7 =	sld [smem:$0x3FAE]  }
0x2d: {  	s3 =	simm.s32 $0x108;
	s8 =	sld [smem:$0x3FAF]  }
0x2e: {  	s3 =	simm.s32 @!p0 $0x1082;
	s9 =	sld [smem:$0x3FB0]  }
0x2f: {  	lr =	sadd.s32 s0, s3;
	s0 =	sld [smem:$0x3FA7]  }
0x30: {  	s3 =	sld [smem:$0x3FAA]  }
0x31: {  	[smem:$0x3FB3] =	sst s10  }
0x32: {  	s10 =	sld [smem:$0x3FB1];
	_ =	sdelay $0x3  }
0x33: {  	p0 =	seq.s32 s10, $0x1;
	s10 =	sld [smem:$0x3FB3];
	_ =	sdelay $0x3  }
0x34: {  	[smem:$0x3FB3] =	sst s10  }
0x35: {  	s10 =	sld [smem:$0x3FB2];
	_ =	sdelay $0x3  }
0x36: {  	p1 =	seq.s32 s10, $0x1;
	s10 =	sld [smem:$0x3FB3];
	_ =	sdelay $0x3  }
0x37: {  	[smem:$0x3FB3] =	sst s10  }
0x38: {  	s10 =	sld [smem:$0x3FB4]  }
0x39: {  	_ = 	snop;
	(pc) =	sbr.ind lr, $3  }
0x3a: {  	_ = 	snop  }
0x3b: {  	_ = 	snop  }
0x3c: {  	p2 =	seq.s32 s10, $0x1;
	s10 =	sld [smem:$0x3FB3]  }
0x3d: {  	_ =	shalt  }
0x3e: {  	_ =	shalt  }
0x3f: {  	_ =	shalt  }
0x40: {  	_ =	shalt  }
0x41: {  	_ =	shalt  }
0x42: {  	_ =	shalt  }
0x43: {  	_ =	shalt  }
0x44: {  	_ =	shalt  }
0x45: {  	_ =	shalt  }
0x46: {  	_ =	shalt  }
0x47: {  	_ =	shalt  }
0x48: {  	_ =	shalt  }
0x49: {  	_ =	shalt  }
0x4a: {  	_ =	shalt  }
0x4b: {  	_ =	shalt  }
0x4c: {  	_ =	shalt  }
0x4d: {  	_ =	shalt  }
0x4e: {  	_ =	shalt  }
0x4f: {  	_ =	shalt  }
0x50: {  	_ =	shalt  }
0x51: {  	_ =	shalt  }
0x52: {  	_ =	shalt  }
0x53: {  	_ =	shalt  }
0x54: {  	_ =	shalt  }
0x55: {  	_ =	shalt  }
0x56: {  	_ =	shalt  }
0x57: {  	_ =	shalt  }
0x58: {  	_ =	shalt  }
0x59: {  	_ =	shalt  }
0x5a: {  	_ =	shalt  }
0x5b: {  	_ =	shalt  }
0x5c: {  	_ =	shalt  }
0x5d: {  	_ =	shalt  }
0x5e: {  	_ =	shalt  }
0x5f: {  	_ =	shalt  }
0x60: {  	_ =	shalt  }
0x61: {  	_ =	shalt  }
0x62: {  	_ =	shalt  }
0x63: {  	_ =	shalt  }
0x64: {  	_ =	shalt  }
0x65: {  	_ =	shalt  }
0x66: {  	_ =	shalt  }
0x67: {  	_ =	shalt  }
0x68: {  	_ =	shalt  }
0x69: {  	_ =	shalt  }
0x6a: {  	_ =	shalt  }
0x6b: {  	_ =	shalt  }
0x6c: {  	_ =	shalt  }
0x6d: {  	_ =	shalt  }
0x6e: {  	_ =	shalt  }
0x6f: {  	_ =	shalt  }
0x70: {  	_ =	shalt  }
0x71: {  	_ =	shalt  }
0x72: {  	_ =	shalt  }
0x73: {  	_ =	shalt  }
0x74: {  	_ =	shalt  }
0x75: {  	_ =	shalt  }
0x76: {  	_ =	shalt  }
0x77: {  	_ =	shalt  }
0x78: {  	_ =	shalt  }
0x79: {  	_ =	shalt  }
0x7a: {  	_ =	shalt  }
0x7b: {  	_ =	shalt  }
0x7c: {  	_ =	shalt  }
0x7d: {  	_ =	shalt  }
0x7e: {  	_ =	shalt  }
0x7f: {  	_ =	shalt  }
0x80: {  	_ =	shalt  }
0x81: {  	_ =	shalt  }
0x82: {  	_ =	shalt  }
0x83: {  	_ =	shalt  }
0x84: {  	_ =	shalt  }
0x85: {  	_ =	shalt  }
0x86: {  	_ =	shalt  }
0x87: {  	_ =	shalt  }
.Lfunc_end0:
.L_simem_size_0:
called_computation.2_lowered:
.L_overlay_start_0:
0x88: {  	s2 =	sld [smem:$0x3FD9]  }
0x89: {  	s3 =	sld [smem:$0x3FFE];
	_ =	sdelay $0x1  }
0x8a: {  	s1 =	srdreg.scid  }
0x8b: {  	s0 =	sand.u32 $0x1, s1  }
0x8c: {  	s16 =	sshll.u32 s0, $0xA;
	s2 =	sadd.s32 s3, s2  }
0x8d: {  	s2 =	sadd.s32 s2, s16  }
0x8e: {  	[smem:$0x3FBF] =	sst s2  }
0x8f: {  	_ = 	snop  }
0x90: {  	(tm) =	ssettm $0x1  }
0x91: {  	s17 =	sld [smem:$0x3FFB];
	_ =	sdelay $0x3  }
0x92: {  	_ =	strace s17  }
0x93: {  	s2 =	sld [smem:$0x3FFC];
	_ =	sdelay $0x3  }
0x94: {  	_ =	strace s2  }
0x95: {  	s2 =	sld [smem:$0x3FFD];
	_ =	sdelay $0x3  }
0x96: {  	_ =	strace s2  }
0x97: {  	_ =	strace $0x8FFFFFFF  }
0x98: {  	s18 =	sld [smem:$0x3FDB];
	_ =	sdelay $0x1  }
0x99: {  	s19 =	simm.s32 $_scs_section_size  }
0x9a: {  	s4 =	simm.s32 $_size__tile_overlayer_lowered;
	s5 =	simm.s32 $_tile_overlayer_lowered  }
0x9b: {  	s22 =	simm.s32 $0x1BFF;
	s21 =	sshll.u32 s5, $0x1;
	s2 =	sadd.s32 s19, s18  }
0x9c: {  	s6 =	simm.s32 $0x0;
	s20 =	sshll.u32 s4, $0x1;
	s4 =	sadd.s32 s21, s2  }
0x9d: {  	[timem:s6], [sflag:s22] =	dma.local [hbm:s4], s20  }
0x9e: {  	_ =	swait.ge [sflag:s22], s20  }
0x9f: {  	s3 =	ssub.s32 $0x0, s20;
	[sflag:s22] =	ssyncset.done $0x0  }
0xa0: {  	[sflag:s22] =	ssyncadd.s32 s3;
	_ =	sdelay $0x1  }
0xa1: {  	s23 =	simm.s32 $0x1B8B  }
0xa2: {  	_ =	swait.ge [sflag:s23], $0x1  }
0xa3: {  	[sflag:s23] =	ssyncset.done $0x0  }
0xa4: {  	s25 =	simm.s32 $0x1B8E;
	s24 =	sld [smem:$0x3FFE];
	[sflag:s23] =	ssyncadd.s32 $0xFFFFFFFF  }
0xa5: {  	s26 =	simm.s32 $execute0_lowered;
	[smem:$0x3FD2] =	sst s25  }
0xa6: {  	s4 =	sshll.u32 s26, $0x1;
	_ =	strace $0x8000004C;
	[dreg:$0x1] =	wrdreg $0xFFFFFFFF  }
0xa7: {  	s28 =	simm.s32 $_size_execute0_lowered;
	s2 =	sadd.s32 s2, s4;
	[dreg:$0x0] =	wrdreg $0x0  }
0xa8: {  	s4 =	sshll.u32 s28, $0x1;
	[dreg:$0x2] =	wrdreg s2  }
0xa9: {  	[dreg:$0x3] =	wrdreg s4  }
0xaa: {  	[dreg:$0x4] =	wrdreg $0xC0  }
0xab: {  	_ =	task [dreg:s6], $0x5FFFF  }
0xac: {  	[dreg:$0x1] =	wrdreg $0xFFFFFFFF  }
0xad: {  	[dreg:$0x0] =	wrdreg $0x60  }
0xae: {  	[dreg:$0x2] =	wrdreg s24  }
0xaf: {  	[dreg:$0x3] =	wrdreg $0x9  }
0xb0: {  	_ =	task.clear_ibuf [dreg:s6], $0x4FFFF;
	_ =	strace $0x9000004C  }
0xb1: {  	s29 =	simm.s32 $0x9;
	_ =	strace $0x8000004E  }
0xb2: {  	_ =	swait.ge [sflag:s29], $0x1  }
0xb3: {  	[sflag:s29] =	ssyncadd.s32 $0xFFFFFFFF  }
0xb4: {  	_ =	strace $0x9000004E  }
0xb5: {  	_ =	sfence  }
0xb6: {  	s30 =	sld [smem:$0x0];
	_ =	sdelay $0x2  }
0xb7: {  	s31 =	sshll.u32 s1, $0xD;
	s1 =	sshrl.u32 s1, $0x2  }
0xb8: {  	s3 =	sand.u32 $0x4000, s31;
	s1 =	sadd.s32 s1, s30  }
0xb9: {  	s0 =	sor.u32 s3, s0;
	s1 =	sshll.u32 s1, $0x11  }
0xba: {  	s0 =	sor.u32 s1, s0  }
0xbb: {  	s0 =	sadd.s32 $0x8F2B, s0  }
0xbc: {  	[sflag:s0] =	ssyncadd.remote.s32 $0x1  }
0xbd: {  	_ =	sfence.sel $0xFFFF  }
0xbe: {  	[dreg:$0x0] =	wrdreg $0xFFFFFFFF;
	(pc) =	sbr.abs _section_cstart, $3  }
0xbf: {  	[dreg:$0x1] =	wrdreg $0xFFFFFFFF  }
0xc0: {  	_ =	task.clear_ibuf [dreg:s6], $0x2FFFF;
	_ =	strace $0x9FFFFFFF  }
0xc1: {  	(tm) =	ssettm $0x7FFFFFFF  }
tec
execute0_lowered:
.L_overlay_start_1:
0x0: {  	(tag) =	ssettag $0x1  }
0x1: {  	s2 =	stileid.u32  }
0x2: {  	p0 =	sne.s32 s2, $0x0  }
.Ltmp0:
0x3: {  	_ = 	snop;
	(pc) =	sbr.rel @p0 .LBB2_4-.Ltmp0, $4  }
0x4: {  	_ = 	snop  }
0x5: {  	s8 =	rddreg [dreg:$0x0];
	s1 =	simm.s32 $0x0  }
0x6: {  	[smem:$0x7FF] =	sst s1  }
0x7: {  	s0 =	rddreg [dreg:$0x1];
	_ =	strace $0x8000004D  }
0x8: {  	s3 =	srdreg.scid  }
0x9: {  	s2 =	sshll.u32 s2, $0x1;
	s5 =	sand.u32 $0x1, s3  }
0xa: {  	s3 =	sadd.s32 $0x2A00, s8;
	s4 =	sor.u32 s5, s2  }
0xb: {  	[tilespmem:s1], [sflag:$0x2] =	stream.linear.gather [hbm4b:s3+s1], $0x80, $0x38;
	[tilespmem:$0x3480] =	vst v63  }
0xc: {  	s2 =	smul.u32 $0x27800, s4  }
0xd: {  	s7 =	simm.s32 $0x1;
	s10 =	ssub.s32 $0x2, s5;
	s9 =	smul.u32 $0x680, s4  }
0xe: {  	s11 =	sshrl.u32 s10, $0x1;
	s6 =	sadd.s32 s2, s8;
	s2 =	simm.s32 $0x2  }
0xf: {  	s5 =	simm.s32 $0x68;
	s31 =	ssub.s32 s10, s11;
	_ =	swait.ge [sflag:s2], $0x80  }
0x10: {  	s30 =	sadd.s32 s9, s8;
	s9 =	smax.u32 s31, $0x1;
	[sflag:s2] =	ssyncset.done $0x0  }
0x11: {  	s4 =	sadd.s32 $0x40600, s6;
	s6 =	simm.s32 $0x80;
	[sflag:s2] =	ssyncadd.s32 $0xFFFFFF80  }
0x12: {  	[tilespmem:s6], [sflag:$0x1] =	stream.indirect.gather [hbm4b:s4+s5], $0x80, s1, s5, $0xb8;
	[tilespmem:$0x3480] =	vst v63  }
0x13: {  	p1 =	sne.s32 s9, $0x1;
	_ =	swait.ge [sflag:s7], $0x3400  }
.Ltmp1:
0x14: {  	[sflag:s7] =	ssyncset.done $0x0;
	(pc) =	sbr.rel @!p1 .LBB2_3-.Ltmp1, $4  }
0x15: {  	s8 =	sadd.s32 $0x2C00, s30;
	[sflag:s7] =	ssyncadd.s32 $0xFFFFCC00  }
0x16: {  	[hbm4b:s8+s1] =	stream.linear.scatter [tilespmem:s6], [sflag:$0x2], $0x3400, $0x38;
	[tilespmem:$0x3480] =	vst v63  }
0x17: {  	_ =	swait.ge [sflag:s2], $0x3400  }
0x18: {  	s9 =	sadd.s32 $0xFFFFFFFF, s9;
	[sflag:s2] =	ssyncset.done $0x0  }
.LBB2_2:
0x19: {  	p1 =	sne.s32 s9, $0x1;
	s9 =	sadd.s32 $0xFFFFFFFF, s9;
	[sflag:s2] =	ssyncadd.s32 $0xFFFFCC00  }
0x1a: {  	[tilespmem:s1], [sflag:$0x2] =	stream.linear.gather [hbm4b:s3+s1], $0x80, $0x38;
	[tilespmem:$0x3480] =	vst v63  }
0x1b: {  	_ =	swait.ge [sflag:s2], $0x80  }
0x1c: {  	[sflag:s2] =	ssyncset.done $0x0  }
0x1d: {  	[sflag:s2] =	ssyncadd.s32 $0xFFFFFF80  }
0x1e: {  	[tilespmem:s6], [sflag:$0x1] =	stream.indirect.gather [hbm4b:s4+s5], $0x80, s1, s5, $0xb8;
	[tilespmem:$0x3480] =	vst v63  }
0x1f: {  	_ =	swait.ge [sflag:s7], $0x3400  }
.Ltmp2:
0x20: {  	[sflag:s7] =	ssyncset.done $0x0;
	(pc) =	sbr.rel @p1 .LBB2_2-.Ltmp2, $4  }
0x21: {  	[sflag:s7] =	ssyncadd.s32 $0xFFFFCC00  }
0x22: {  	[hbm4b:s8+s1] =	stream.linear.scatter [tilespmem:s6], [sflag:$0x2], $0x3400, $0x38;
	[tilespmem:$0x3480] =	vst v63  }
0x23: {  	_ =	swait.ge [sflag:s2], $0x3400  }
0x24: {  	[sflag:s2] =	ssyncset.done $0x0  }
.LBB2_3:
0x25: {  	[sflag:s2] =	ssyncadd.s32 $0xFFFFCC00  }
.LBB2_4:
0x26: {  	_ =	sfence.sel $0x180000  }
0x27: {  	[bflag:$0x0] =	sbarrier.arrive $0xFFFF  }
0x28: {  	_ =	strace $0x9000004D  }
0x29: {  	s0 =	sadd.s32 @!p0 $0x100000, s0;
	[bflag:$0x2] =	sbarrier.arrive $0xFFFF  }
0x2a: {  	[sflag:s0] =	ssyncadd.tile.s32 @!p0 $0x1;
	_ =	shalt  }
.Lfunc_end2:
_tile_overlayer_lowered:
.L_overlay_start_2:
0x2b: {  	(tag) =	ssettag $0x2  }
0x2c: {  	s0 =	rddreg [dreg:$0x0];
	s2 =	stileid.u32  }
0x2d: {  	s1 =	rddreg [dreg:$0x1];
	p0 =	sne.s32 s2, $0x0  }
0x2e: {  	s3 =	rddreg [dreg:$0x2];
	[bflag:$0x3] =	sbarrier.arrive $0xFFFF;
	s2 =	simm.s32 @!p0 $0x1C02  }
0x2f: {  	[timem:s3], [sflag:s2] =	dma.local @!p0 [hbm:s0], s1  }
0x30: {  	s0 =	simm.s32 @!p0 $0x2  }
0x31: {  	_ =	swait.ge @!p0 [sflag:s0], s1  }
0x32: {  	s1 =	ssub.s32 @!p0 $0x0, s1;
	[sflag:s0] =	ssyncset.done @!p0 $0x0  }
0x33: {  	[sflag:s0] =	ssyncadd.s32 @!p0 s1  }
0x34: {  	[bflag:$0x3] =	sbarrier.arrive $0xFFFF  }
0x35: {  	_ =	shalt  }

// kernel: kernel.7.cloned.1.call-start
scs
__scs_entry_jumppad:
0x0: {  	(pc) =	sbr.rel $0x88, $3  }
0x1: {  	(tag) =	ssettag $0x0;
	lr =	simm.s32 $0x1  }
0x2: {  	[smem:$0x3F98] =	sst lr;
	_ =	strace $0xD0000000  }
0x3: {  	_ = 	snop  }
0x4: {  	_ = 	snop  }
0x5: {  	_ = 	snop  }
0x6: {  	_ = 	snop  }
0x7: {  	_ = 	snop  }
__scs_overlays_trampoline_lowered:
0x8: {  	[smem:$0x3FA7] =	sst s0  }
0x9: {  	[smem:$0x3FA8] =	sst s1  }
0xa: {  	[smem:$0x3FA9] =	sst s2  }
0xb: {  	[smem:$0x3FAA] =	sst s3  }
0xc: {  	[smem:$0x3FAB] =	sst s4  }
0xd: {  	[smem:$0x3FAC] =	sst s5  }
0xe: {  	[smem:$0x3FAD] =	sst s6  }
0xf: {  	[smem:$0x3FAE] =	sst s7  }
0x10: {  	[smem:$0x3FAF] =	sst s8  }
0x11: {  	[smem:$0x3FB0] =	sst s9;
	s0 =	simm.s32 @!p0 $0x0  }
0x12: {  	s1 =	sld [smem:$0x3F96];
	s0 =	simm.s32 @p0 $0x1  }
0x13: {  	[smem:$0x3FB1] =	sst s0;
	s0 =	simm.s32 @!p1 $0x0  }
0x14: {  	s2 =	sld [smem:$0x3F95];
	s0 =	simm.s32 @p1 $0x1  }
0x15: {  	[smem:$0x3FB2] =	sst s0;
	s0 =	simm.s32 @!p2 $0x0  }
0x16: {  	s3 =	sld [smem:$0x3FDB];
	s0 =	simm.s32 @p2 $0x1  }
0x17: {  	s4 =	simm.s32 $0x1BF5;
	[smem:$0x3FB4] =	sst s0  }
0x18: {  	s0 =	sld [smem:$0x3F97];
	_ =	swait.ge [sflag:s4], $0x0  }
0x19: {  	s7 =	sld [smem:$0x3F98]  }
0x1a: {  	s8 =	sadd.s32 $0xFFFFE003, lr  }
0x1b: {  	s9 =	sadd.s32 $0xFFFFFEF7, lr;
	s5 =	simm.s32 $0xFFFFFFFF;
	p2 =	slt.u32 s8, $0xFFFFF086  }
0x1c: {  	p1 =	slt.u32 s9, $0xF7A;
	s5 =	simm.s32 @!p2 $0x0  }
0x1d: {  	s5 =	simm.s32 @p1 $0x1;
	p0 =	seq.s32 s7, s2  }
0x1e: {  	s7 =	smul.u32 @!p0 $0xF7A, s2;
	p2 =	seq.s32 @!p0 s5, $0x0  }
0x1f: {  	s9 =	smul.u32 $0xF7A, s1;
	s8 =	simm.s32 @!p0 $0x1BF5;
	p2 =	por !p2, p0  }
0x20: {  	[sflag:s8] =	ssyncset.s32 @!p0 $0xFFFFF086;
	s6 =	sadd.s32 @!p0 s3, s7;
	s7 =	simm.s32 @!p0 $0x108  }
0x21: {  	s3 =	sadd.s32 s3, s9;
	s6 =	sadd.s32 @!p0 $0x88, s6;
	s7 =	simm.s32 @p2 $0x1082  }
0x22: {  	[simem:s7], [sflag:s8] =	dma.local @!p0 [hbm:s6], $0xF7A  }
0x23: {  	s9 =	sor.u32 $0xD0000000, s2;
	s6 =	simm.s32 $0x108;
	_ =	swait.ge @!p0 [sflag:s8], $0x0  }
0x24: {  	s3 =	sadd.s32 $0x88, s3;
	s6 =	simm.s32 @!p1 $0x1082;
	[sflag:s4] =	ssyncset.s32 $0xFFFFF086  }
0x25: {  	[simem:s6], [sflag:s4] =	dma.local [hbm:s3], $0xF7A  }
0x26: {  	[smem:$0x3F98] =	sst s1;
	(tag) =	ssettag s2;
	_ =	strace s9  }
0x27: {  	s1 =	sld [smem:$0x3FA8]  }
0x28: {  	s2 =	sld [smem:$0x3FA9]  }
0x29: {  	s4 =	sld [smem:$0x3FAB]  }
0x2a: {  	p0 =	seq.s32 s5, $0x0;
	s5 =	sld [smem:$0x3FAC]  }
0x2b: {  	s6 =	sld [smem:$0x3FAD]  }
0x2c: {  	s7 =	sld [smem:$0x3FAE]  }
0x2d: {  	s3 =	simm.s32 $0x108;
	s8 =	sld [smem:$0x3FAF]  }
0x2e: {  	s3 =	simm.s32 @!p0 $0x1082;
	s9 =	sld [smem:$0x3FB0]  }
0x2f: {  	lr =	sadd.s32 s0, s3;
	s0 =	sld [smem:$0x3FA7]  }
0x30: {  	s3 =	sld [smem:$0x3FAA]  }
0x31: {  	[smem:$0x3FB3] =	sst s10  }
0x32: {  	s10 =	sld [smem:$0x3FB1];
	_ =	sdelay $0x3  }
0x33: {  	p0 =	seq.s32 s10, $0x1;
	s10 =	sld [smem:$0x3FB3];
	_ =	sdelay $0x3  }
0x34: {  	[smem:$0x3FB3] =	sst s10  }
0x35: {  	s10 =	sld [smem:$0x3FB2];
	_ =	sdelay $0x3  }
0x36: {  	p1 =	seq.s32 s10, $0x1;
	s10 =	sld [smem:$0x3FB3];
	_ =	sdelay $0x3  }
0x37: {  	[smem:$0x3FB3] =	sst s10  }
0x38: {  	s10 =	sld [smem:$0x3FB4]  }
0x39: {  	_ = 	snop;
	(pc) =	sbr.ind lr, $3  }
0x3a: {  	_ = 	snop  }
0x3b: {  	_ = 	snop  }
0x3c: {  	p2 =	seq.s32 s10, $0x1;
	s10 =	sld [smem:$0x3FB3]  }
0x3d: {  	_ =	shalt  }
0x3e: {  	_ =	shalt  }
0x3f: {  	_ =	shalt  }
0x40: {  	_ =	shalt  }
0x41: {  	_ =	shalt  }
0x42: {  	_ =	shalt  }
0x43: {  	_ =	shalt  }
0x44: {  	_ =	shalt  }
0x45: {  	_ =	shalt  }
0x46: {  	_ =	shalt  }
0x47: {  	_ =	shalt  }
0x48: {  	_ =	shalt  }
0x49: {  	_ =	shalt  }
0x4a: {  	_ =	shalt  }
0x4b: {  	_ =	shalt  }
0x4c: {  	_ =	shalt  }
0x4d: {  	_ =	shalt  }
0x4e: {  	_ =	shalt  }
0x4f: {  	_ =	shalt  }
0x50: {  	_ =	shalt  }
0x51: {  	_ =	shalt  }
0x52: {  	_ =	shalt  }
0x53: {  	_ =	shalt  }
0x54: {  	_ =	shalt  }
0x55: {  	_ =	shalt  }
0x56: {  	_ =	shalt  }
0x57: {  	_ =	shalt  }
0x58: {  	_ =	shalt  }
0x59: {  	_ =	shalt  }
0x5a: {  	_ =	shalt  }
0x5b: {  	_ =	shalt  }
0x5c: {  	_ =	shalt  }
0x5d: {  	_ =	shalt  }
0x5e: {  	_ =	shalt  }
0x5f: {  	_ =	shalt  }
0x60: {  	_ =	shalt  }
0x61: {  	_ =	shalt  }
0x62: {  	_ =	shalt  }
0x63: {  	_ =	shalt  }
0x64: {  	_ =	shalt  }
0x65: {  	_ =	shalt  }
0x66: {  	_ =	shalt  }
0x67: {  	_ =	shalt  }
0x68: {  	_ =	shalt  }
0x69: {  	_ =	shalt  }
0x6a: {  	_ =	shalt  }
0x6b: {  	_ =	shalt  }
0x6c: {  	_ =	shalt  }
0x6d: {  	_ =	shalt  }
0x6e: {  	_ =	shalt  }
0x6f: {  	_ =	shalt  }
0x70: {  	_ =	shalt  }
0x71: {  	_ =	shalt  }
0x72: {  	_ =	shalt  }
0x73: {  	_ =	shalt  }
0x74: {  	_ =	shalt  }
0x75: {  	_ =	shalt  }
0x76: {  	_ =	shalt  }
0x77: {  	_ =	shalt  }
0x78: {  	_ =	shalt  }
0x79: {  	_ =	shalt  }
0x7a: {  	_ =	shalt  }
0x7b: {  	_ =	shalt  }
0x7c: {  	_ =	shalt  }
0x7d: {  	_ =	shalt  }
0x7e: {  	_ =	shalt  }
0x7f: {  	_ =	shalt  }
0x80: {  	_ =	shalt  }
0x81: {  	_ =	shalt  }
0x82: {  	_ =	shalt  }
0x83: {  	_ =	shalt  }
0x84: {  	_ =	shalt  }
0x85: {  	_ =	shalt  }
0x86: {  	_ =	shalt  }
0x87: {  	_ =	shalt  }
.Lfunc_end0:
.L_simem_size_0:
called_computation_lowered:
.L_overlay_start_0:
0x88: {  	s2 =	sld [smem:$0x3FD9]  }
0x89: {  	s3 =	sld [smem:$0x3FFE];
	_ =	sdelay $0x1  }
0x8a: {  	s1 =	srdreg.scid  }
0x8b: {  	s0 =	sand.u32 $0x1, s1  }
0x8c: {  	s17 =	sshll.u32 s0, $0xA;
	s2 =	sadd.s32 s3, s2  }
0x8d: {  	s2 =	sadd.s32 s2, s17  }
0x8e: {  	[smem:$0x3FBF] =	sst s2  }
0x8f: {  	_ = 	snop  }
0x90: {  	s2 =	sld [smem:$0x3FC9]  }
0x91: {  	s18 =	sld [smem:$0x3FD0];
	(tm) =	ssettm $0x1  }
0x92: {  	s4 =	sld [smem:$0x3FFB];
	_ =	sdelay $0x3  }
0x93: {  	_ =	strace s4  }
0x94: {  	s4 =	sld [smem:$0x3FFC];
	_ =	sdelay $0x3  }
0x95: {  	_ =	strace s4  }
0x96: {  	s4 =	sld [smem:$0x3FFD];
	_ =	sdelay $0x3  }
0x97: {  	_ =	strace s4  }
0x98: {  	_ =	strace $0x8FFFFFFF  }
0x99: {  	s19 =	sld [smem:$0x3FDB];
	_ =	sdelay $0x1  }
0x9a: {  	s5 =	simm.s32 $_scs_section_size  }
0x9b: {  	s6 =	simm.s32 $_size__tile_overlayer_lowered;
	s7 =	simm.s32 $_tile_overlayer_lowered  }
0x9c: {  	s22 =	simm.s32 $0x1BFF;
	s21 =	sshll.u32 s7, $0x1;
	s4 =	sadd.s32 s5, s19  }
0x9d: {  	s8 =	simm.s32 $0x0;
	s20 =	sshll.u32 s6, $0x1;
	s6 =	sadd.s32 s21, s4  }
0x9e: {  	[timem:s8], [sflag:s22] =	dma.local [hbm:s6], s20  }
0x9f: {  	_ =	swait.ge [sflag:s22], s20  }
0xa0: {  	s5 =	ssub.s32 $0x0, s20;
	[sflag:s22] =	ssyncset.done $0x0  }
0xa1: {  	[sflag:s22] =	ssyncadd.s32 s5;
	_ =	sdelay $0x1  }
0xa2: {  	s23 =	simm.s32 $0x1B8B  }
0xa3: {  	_ =	swait.ge [sflag:s23], $0x1  }
0xa4: {  	[sflag:s23] =	ssyncset.done $0x0  }
0xa5: {  	s25 =	simm.s32 $0x1B8E;
	s24 =	sld [smem:$0x3FFE];
	[sflag:s23] =	ssyncadd.s32 $0xFFFFFFFF  }
0xa6: {  	s26 =	simm.s32 $execute0_lowered;
	[smem:$0x3FD2] =	sst s25  }
0xa7: {  	s6 =	sshll.u32 s26, $0x1;
	_ =	strace $0x80000046;
	[dreg:$0x1] =	wrdreg $0xFFFFFFFF  }
0xa8: {  	s28 =	simm.s32 $_size_execute0_lowered;
	s4 =	sadd.s32 s4, s6;
	[dreg:$0x0] =	wrdreg $0x0  }
0xa9: {  	s6 =	sshll.u32 s28, $0x1;
	[dreg:$0x2] =	wrdreg s4  }
0xaa: {  	[dreg:$0x3] =	wrdreg s6  }
0xab: {  	[dreg:$0x4] =	wrdreg $0xC0  }
0xac: {  	_ =	task [dreg:s8], $0x5FFFF  }
0xad: {  	[dreg:$0x1] =	wrdreg $0xFFFFFFFF  }
0xae: {  	[dreg:$0x0] =	wrdreg $0x60  }
0xaf: {  	[dreg:$0x2] =	wrdreg s24  }
0xb0: {  	[dreg:$0x3] =	wrdreg s2  }
0xb1: {  	[dreg:$0x4] =	wrdreg s18  }
0xb2: {  	[dreg:$0x5] =	wrdreg $0x84000  }
0xb3: {  	[dreg:$0x6] =	wrdreg $0x9  }
0xb4: {  	_ =	task.clear_ibuf [dreg:s8], $0x7FFFF;
	_ =	strace $0x90000046  }
0xb5: {  	s29 =	simm.s32 $0x9;
	_ =	strace $0x80000048  }
0xb6: {  	_ =	swait.ge [sflag:s29], $0x1  }
0xb7: {  	[sflag:s29] =	ssyncadd.s32 $0xFFFFFFFF  }
0xb8: {  	_ =	strace $0x90000048  }
0xb9: {  	_ =	sfence  }
0xba: {  	s30 =	sld [smem:$0x0];
	_ =	sdelay $0x2  }
0xbb: {  	s31 =	sshll.u32 s1, $0xD;
	s1 =	sshrl.u32 s1, $0x2  }
0xbc: {  	s3 =	sand.u32 $0x4000, s31;
	s1 =	sadd.s32 s1, s30  }
0xbd: {  	s0 =	sor.u32 s3, s0;
	s1 =	sshll.u32 s1, $0x11  }
0xbe: {  	s0 =	sor.u32 s1, s0  }
0xbf: {  	s0 =	sadd.s32 $0x8F2B, s0  }
0xc0: {  	[sflag:s0] =	ssyncadd.remote.s32 $0x1  }
0xc1: {  	_ =	sfence.sel $0xFFFF  }
0xc2: {  	[dreg:$0x0] =	wrdreg $0xFFFFFFFF;
	(pc) =	sbr.abs _section_cstart, $3  }
0xc3: {  	[dreg:$0x1] =	wrdreg $0xFFFFFFFF  }
0xc4: {  	_ =	task.clear_ibuf [dreg:s8], $0x2FFFF;
	_ =	strace $0x9FFFFFFF  }
0xc5: {  	(tm) =	ssettm $0x7FFFFFFF  }
tec
execute0_lowered:
.L_overlay_start_1:
0x0: {  	(tag) =	ssettag $0x1  }
0x1: {  	s0 =	rddreg [dreg:$0x0]  }
0x2: {  	s1 =	rddreg [dreg:$0x1]  }
0x3: {  	s3 =	rddreg [dreg:$0x3]  }
0x4: {  	s4 =	simm.s32 $0x0;
	s2 =	srdreg.scid;
	s13 =	stileid.u32  }
0x5: {  	s28 =	simm.s32 $0x5;
	s29 =	simm.s32 $0x300;
	s30 =	simm.s32 $0x7  }
0x6: {  	s31 =	simm.s32 $0x3;
	[smem:$0x7FF] =	sst s4;
	s16 =	smul.u32 $0x13C00, s13  }
0x7: {  	s2 =	sand.u32 $0x1, s2;
	s5 =	sadd.s32 $0x2C00, s0;
	s17 =	smul.u32 $0x4F000, s13  }
0x8: {  	s7 =	sadd.s32 $0x16C00, s0;
	s8 =	sshll.u32 s13, $0x1;
	s20 =	smul.u32 $0xA0, s13  }
0x9: {  	s9 =	sadd.s32 $0x2A00, s0;
	s21 =	sshll.u32 s13, $0x6;
	s6 =	smul.u32 $0x13C000, s2  }
0xa: {  	s8 =	sor.u32 s2, s8;
	s18 =	ssub.s32 $0x2, s2;
	s2 =	smul.u32 $0x50, s2  }
0xb: {  	_ =	strace $0x80000047;
	[dreg:$0x5] =	wrdreg s7;
	s10 =	smul.u32 $0xA00, s8  }
0xc: {  	[dreg:$0x6] =	wrdreg s9;
	s11 =	sshrl.u32 s18, $0x1;
	s12 =	smul.u32 $0x5000, s8  }
0xd: {  	s9 =	sshrl.u32 s17, $0x2;
	p0 =	sne.s32 s8, $0x0;
	s6 =	sadd.s32 s16, s6  }
0xe: {  	s19 =	ssub.s32 s18, s11;
	s9 =	sadd.s32 s9, s3;
	s18 =	sor.u32 $0x1C0A, s21  }
0xf: {  	s2 =	sadd.s32 s2, s20;
	s20 =	simm.s32 $0x100;
	s21 =	simm.s32 $0x1  }
0x10: {  	s11 =	simm.s32 $0x0;
	s6 =	sshrl.u32 s6, $0x3;
	s22 =	sadd.s32 s5, s10  }
0x11: {  	s23 =	sshrl.u32 s12, $0x3;
	s2 =	sshll.u32 s2, $0x5;
	s26 =	smax.u32 s19, $0x1  }
0x12: {  	s19 =	sshrl.u32 s9, $0x3;
	s9 =	simm.s32 $0xA;
	[dreg:$0x7] =	wrdreg s18  }
0x13: {  	s0 =	sadd.s32 s6, s0;
	s10 =	sadd.s32 $0x20, s22;
	[dreg:$0x8] =	wrdreg s22  }
0x14: {  	s24 =	sadd.s32 $0x40, s22;
	s25 =	sadd.s32 s5, s23;
	s14 =	sadd.s32 s2, s5  }
0x15: {  	[dreg:$0xd] =	wrdreg s26;
	s22 =	simm.s32 $0x80;
	s23 =	simm.s32 $0x400  }
0x16: {  	s26 =	simm.s32 $0x4400;
	s5 =	simm.s32 $0x180;
	[dreg:$0xe] =	wrdreg s19  }
0x17: {  	s2 =	simm.s32 $0x8;
	s6 =	simm.s32 $0x4;
	[dreg:$0x9] =	wrdreg s10  }
0x18: {  	[dreg:$0xa] =	wrdreg s24;
	s7 =	sadd.s32 $0x9E0, s25;
	s0 =	sadd.s32 $0x19400, s0  }
0x19: {  	s16 =	sadd.s32 $0xC0, s14;
	s17 =	sadd.s32 $0x80, s14;
	s24 =	simm.s32 $0x200  }
0x1a: {  	s25 =	simm.s32 $0x2;
	s10 =	simm.s32 $0x380;
	[dreg:$0xb] =	wrdreg s7  }
0x1b: {  	[dreg:$0xc] =	wrdreg s0;
	s0 =	simm.s32 $0x6;
	s7 =	simm.s32 $0x280  }
.LBB2_1:
0x1c: {  	s8 =	rddreg [dreg:$0x5]  }
0x1d: {  	[spmem:s19], [sflag:s18] =	dma.local [hbm:s8], $0x2780  }
0x1e: {  	_ =	swait.ge [sflag:s9], $0x2780  }
0x1f: {  	[sflag:s9] =	ssyncset.done $0x0  }
0x20: {  	[sflag:s9] =	ssyncadd.s32 $0xFFFFD880  }
0x21: {  	[bflag:$0x0] =	sbarrier.arrive $0xFFFF  }
0x22: {  	s19 =	rddreg [dreg:$0x8]  }
0x23: {  	[tilespmem:s4], [sflag:$0x1] =	stream.linear.gather [hbm4b:s19+s4], $0x100, $0x38;
	[tilespmem:$0x1C080] =	vst v63  }
0x24: {  	s9 =	rddreg [dreg:$0x9]  }
0x25: {  	[tilespmem:s20], [sflag:$0x2] =	stream.linear.gather [hbm4b:s9+s4], $0x100, $0x38;
	[tilespmem:$0x1C080] =	vst v63  }
0x26: {  	_ =	swait.ge [sflag:s21], $0x100  }
0x27: {  	[sflag:s21] =	ssyncset.done $0x0  }
0x28: {  	[sflag:s21] =	ssyncadd.s32 $0xFFFFFF00  }
0x29: {  	[tilespmem:s23], [sflag:$0x5] =	stream.indirect.gather [hbm4b:s1+s22], $0x80, s4, s22, $0xb8;
	[tilespmem:$0x1C080] =	vst v63  }
0x2a: {  	s12 =	rddreg [dreg:$0xa]  }
0x2b: {  	[tilespmem:s24], [sflag:$0x3] =	stream.linear.gather [hbm4b:s12+s4], $0x100, $0x38;
	[tilespmem:$0x1C080] =	vst v63  }
0x2c: {  	_ =	swait.ge [sflag:s25], $0x100  }
0x2d: {  	[sflag:s25] =	ssyncset.done $0x0  }
0x2e: {  	[sflag:s25] =	ssyncadd.s32 $0xFFFFFF00  }
0x2f: {  	[tilespmem:s26], [sflag:$0x6] =	stream.indirect.gather [hbm4b:s1+s22], $0x80, s20, s22, $0xb8;
	[tilespmem:$0x1C080] =	vst v63  }
0x30: {  	_ =	swait.ge [sflag:s28], $0x4000  }
0x31: {  	[sflag:s28] =	ssyncset.done $0x0  }
0x32: {  	s13 =	sadd.s32 $0x0, s14;
	[sflag:s28] =	ssyncadd.s32 $0xFFFFC000  }
0x33: {  	[spmem:s3] =	stream.indirect.scatter.add.f32 [tilespmem:s23], [sflag:$0x7], $0x80, s22, s22, $0xb8;
	[tilespmem:$0x1C080] =	vst v63  }
0x34: {  	s15 =	sadd.s32 $0x60, s13  }
0x35: {  	[tilespmem:s29], [sflag:$0x4] =	stream.linear.gather [hbm4b:s15+s4], $0x100, $0x38;
	[tilespmem:$0x1C080] =	vst v63  }
0x36: {  	_ =	swait.ge [sflag:s30], $0x4000  }
0x37: {  	[sflag:s30] =	ssyncset.done $0x0  }
0x38: {  	[sflag:s30] =	ssyncadd.s32 $0xFFFFC000  }
0x39: {  	_ =	swait.ge [sflag:s31], $0x100  }
0x3a: {  	[sflag:s31] =	ssyncset.done $0x0  }
0x3b: {  	[sflag:s31] =	ssyncadd.s32 $0xFFFFFF00  }
0x3c: {  	[tilespmem:s23], [sflag:$0x5] =	stream.indirect.gather [hbm4b:s1+s22], $0x80, s24, s22, $0xb8;
	[tilespmem:$0x1C080] =	vst v63  }
0x3d: {  	_ =	swait.ge [sflag:s0], $0x4000  }
0x3e: {  	[sflag:s0] =	ssyncset.done $0x0  }
0x3f: {  	[sflag:s0] =	ssyncadd.s32 $0xFFFFC000  }
0x40: {  	[spmem:s3] =	stream.indirect.scatter.add.f32 [tilespmem:s26], [sflag:$0x8], $0x80, s5, s22, $0xb8;
	[tilespmem:$0x1C080] =	vst v63  }
0x41: {  	s18 =	sadd.s32 $0x0, s17  }
0x42: {  	[tilespmem:s4], [sflag:$0x1] =	stream.linear.gather [hbm4b:s18+s4], $0x100, $0x38;
	[tilespmem:$0x1C080] =	vst v63  }
0x43: {  	_ =	swait.ge [sflag:s2], $0x4000  }
0x44: {  	[sflag:s2] =	ssyncset.done $0x0  }
0x45: {  	[sflag:s2] =	ssyncadd.s32 $0xFFFFC000  }
0x46: {  	_ =	swait.ge [sflag:s6], $0x100  }
0x47: {  	[sflag:s6] =	ssyncset.done $0x0  }
0x48: {  	[sflag:s6] =	ssyncadd.s32 $0xFFFFFF00  }
0x49: {  	[tilespmem:s26], [sflag:$0x6] =	stream.indirect.gather [hbm4b:s1+s22], $0x80, s29, s22, $0xb8;
	[tilespmem:$0x1C080] =	vst v63  }
0x4a: {  	_ =	swait.ge [sflag:s28], $0x4000  }
0x4b: {  	[sflag:s28] =	ssyncset.done $0x0  }
0x4c: {  	[sflag:s28] =	ssyncadd.s32 $0xFFFFC000  }
0x4d: {  	[spmem:s3] =	stream.indirect.scatter.add.f32 [tilespmem:s23], [sflag:$0x7], $0x80, s7, s22, $0xb8;
	[tilespmem:$0x1C080] =	vst v63  }
0x4e: {  	s8 =	sadd.s32 $0xA0, s13  }
0x4f: {  	[tilespmem:s20], [sflag:$0x2] =	stream.linear.gather [hbm4b:s8+s4], $0x100, $0x38;
	[tilespmem:$0x1C080] =	vst v63  }
0x50: {  	_ =	swait.ge [sflag:s30], $0x4000  }
0x51: {  	[sflag:s30] =	ssyncset.done $0x0  }
0x52: {  	[sflag:s30] =	ssyncadd.s32 $0xFFFFC000  }
0x53: {  	_ =	swait.ge [sflag:s21], $0x100  }
0x54: {  	[sflag:s21] =	ssyncset.done $0x0  }
0x55: {  	[sflag:s21] =	ssyncadd.s32 $0xFFFFFF00  }
0x56: {  	[tilespmem:s23], [sflag:$0x5] =	stream.indirect.gather [hbm4b:s1+s22], $0x80, s4, s22, $0xb8;
	[tilespmem:$0x1C080] =	vst v63  }
0x57: {  	_ =	swait.ge [sflag:s0], $0x4000  }
0x58: {  	[sflag:s0] =	ssyncset.done $0x0  }
0x59: {  	[sflag:s0] =	ssyncadd.s32 $0xFFFFC000  }
0x5a: {  	[spmem:s3] =	stream.indirect.scatter.add.f32 [tilespmem:s26], [sflag:$0x8], $0x80, s10, s22, $0xb8;
	[tilespmem:$0x1C080] =	vst v63  }
0x5b: {  	s19 =	sadd.s32 $0x0, s16  }
0x5c: {  	[tilespmem:s24], [sflag:$0x3] =	stream.linear.gather [hbm4b:s19+s4], $0x100, $0x38;
	[tilespmem:$0x1C080] =	vst v63  }
0x5d: {  	_ =	swait.ge [sflag:s2], $0x4000  }
0x5e: {  	[sflag:s2] =	ssyncset.done $0x0  }
0x5f: {  	[sflag:s2] =	ssyncadd.s32 $0xFFFFC000  }
0x60: {  	_ =	swait.ge [sflag:s25], $0x100  }
0x61: {  	[sflag:s25] =	ssyncset.done $0x0  }
0x62: {  	[sflag:s25] =	ssyncadd.s32 $0xFFFFFF00  }
0x63: {  	[tilespmem:s26], [sflag:$0x6] =	stream.indirect.gather [hbm4b:s1+s22], $0x80, s20, s22, $0xb8;
	[tilespmem:$0x1C080] =	vst v63  }
0x64: {  	_ =	swait.ge [sflag:s28], $0x4000  }
0x65: {  	s13 =	sadd.s32 $0x80, s14;
	[sflag:s28] =	ssyncset.done $0x0  }
0x66: {  	s12 =	simm.s32 $0x80;
	s15 =	simm.s32 $0x100;
	[sflag:s28] =	ssyncadd.s32 $0xFFFFC000  }
.LBB2_2:
0x67: {  	[spmem:s3] =	stream.indirect.scatter.add.f32 [tilespmem:s23], [sflag:$0x7], $0x80, s22, s22, $0xb8;
	[tilespmem:$0x1C080] =	vst v63  }
0x68: {  	s9 =	smov.u32 s15  }
0x69: {  	s8 =	sadd.s32 $0x80, s15;
	s19 =	sadd.s32 $0x60, s13;
	s18 =	sadd.s32 s9, s14  }
0x6a: {  	[tilespmem:s29], [sflag:$0x4] =	stream.linear.gather [hbm4b:s19+s4], $0x100, $0x38;
	[tilespmem:$0x1C080] =	vst v63  }
0x6b: {  	p1 =	sne.s32 s15, $0x900;
	_ =	swait.ge [sflag:s30], $0x4000  }
0x6c: {  	[sflag:s30] =	ssyncset.done $0x0  }
0x6d: {  	[sflag:s30] =	ssyncadd.s32 $0xFFFFC000  }
0x6e: {  	_ =	swait.ge [sflag:s31], $0x100  }
0x6f: {  	[sflag:s31] =	ssyncset.done $0x0  }
0x70: {  	[sflag:s31] =	ssyncadd.s32 $0xFFFFFF00  }
0x71: {  	[tilespmem:s23], [sflag:$0x5] =	stream.indirect.gather [hbm4b:s1+s22], $0x80, s24, s22, $0xb8;
	[tilespmem:$0x1C080] =	vst v63  }
0x72: {  	_ =	swait.ge [sflag:s0], $0x4000  }
0x73: {  	[sflag:s0] =	ssyncset.done $0x0  }
0x74: {  	[sflag:s0] =	ssyncadd.s32 $0xFFFFC000  }
0x75: {  	[spmem:s3] =	stream.indirect.scatter.add.f32 [tilespmem:s26], [sflag:$0x8], $0x80, s5, s22, $0xb8;
	[tilespmem:$0x1C080] =	vst v63  }
0x76: {  	s15 =	sadd.s32 s12, s17  }
0x77: {  	[tilespmem:s4], [sflag:$0x1] =	stream.linear.gather [hbm4b:s15+s4], $0x100, $0x38;
	[tilespmem:$0x1C080] =	vst v63  }
0x78: {  	_ =	swait.ge [sflag:s2], $0x4000  }
0x79: {  	[sflag:s2] =	ssyncset.done $0x0  }
0x7a: {  	[sflag:s2] =	ssyncadd.s32 $0xFFFFC000  }
0x7b: {  	_ =	swait.ge [sflag:s6], $0x100  }
0x7c: {  	[sflag:s6] =	ssyncset.done $0x0  }
0x7d: {  	[sflag:s6] =	ssyncadd.s32 $0xFFFFFF00  }
0x7e: {  	[tilespmem:s26], [sflag:$0x6] =	stream.indirect.gather [hbm4b:s1+s22], $0x80, s29, s22, $0xb8;
	[tilespmem:$0x1C080] =	vst v63  }
0x7f: {  	_ =	swait.ge [sflag:s28], $0x4000  }
0x80: {  	[sflag:s28] =	ssyncset.done $0x0  }
0x81: {  	[sflag:s28] =	ssyncadd.s32 $0xFFFFC000  }
0x82: {  	[spmem:s3] =	stream.indirect.scatter.add.f32 [tilespmem:s23], [sflag:$0x7], $0x80, s7, s22, $0xb8;
	[tilespmem:$0x1C080] =	vst v63  }
0x83: {  	s15 =	sadd.s32 $0xA0, s13;
	s13 =	smov.u32 s18  }
0x84: {  	[tilespmem:s20], [sflag:$0x2] =	stream.linear.gather [hbm4b:s15+s4], $0x100, $0x38;
	[tilespmem:$0x1C080] =	vst v63  }
0x85: {  	_ =	swait.ge [sflag:s30], $0x4000  }
0x86: {  	[sflag:s30] =	ssyncset.done $0x0  }
0x87: {  	[sflag:s30] =	ssyncadd.s32 $0xFFFFC000  }
0x88: {  	_ =	swait.ge [sflag:s21], $0x100  }
0x89: {  	[sflag:s21] =	ssyncset.done $0x0  }
0x8a: {  	[sflag:s21] =	ssyncadd.s32 $0xFFFFFF00  }
0x8b: {  	[tilespmem:s23], [sflag:$0x5] =	stream.indirect.gather [hbm4b:s1+s22], $0x80, s4, s22, $0xb8;
	[tilespmem:$0x1C080] =	vst v63  }
0x8c: {  	_ =	swait.ge [sflag:s0], $0x4000  }
0x8d: {  	[sflag:s0] =	ssyncset.done $0x0  }
0x8e: {  	[sflag:s0] =	ssyncadd.s32 $0xFFFFC000  }
0x8f: {  	[spmem:s3] =	stream.indirect.scatter.add.f32 [tilespmem:s26], [sflag:$0x8], $0x80, s10, s22, $0xb8;
	[tilespmem:$0x1C080] =	vst v63  }
0x90: {  	s15 =	sadd.s32 s12, s16;
	s12 =	smov.u32 s9  }
0x91: {  	[tilespmem:s24], [sflag:$0x3] =	stream.linear.gather [hbm4b:s15+s4], $0x100, $0x38;
	[tilespmem:$0x1C080] =	vst v63  }
0x92: {  	_ =	swait.ge [sflag:s2], $0x4000  }
0x93: {  	[sflag:s2] =	ssyncset.done $0x0  }
0x94: {  	[sflag:s2] =	ssyncadd.s32 $0xFFFFC000  }
0x95: {  	_ =	swait.ge [sflag:s25], $0x100  }
0x96: {  	[sflag:s25] =	ssyncset.done $0x0  }
.Ltmp0:
0x97: {  	[sflag:s25] =	ssyncadd.s32 $0xFFFFFF00;
	(pc) =	sbr.rel @p1 .LBB2_2-.Ltmp0, $4  }
0x98: {  	[tilespmem:s26], [sflag:$0x6] =	stream.indirect.gather [hbm4b:s1+s22], $0x80, s20, s22, $0xb8;
	[tilespmem:$0x1C080] =	vst v63  }
0x99: {  	_ =	swait.ge [sflag:s28], $0x4000  }
0x9a: {  	[sflag:s28] =	ssyncset.done $0x0  }
0x9b: {  	s15 =	smov.u32 s8;
	[sflag:s28] =	ssyncadd.s32 $0xFFFFC000  }
0x9c: {  	[spmem:s3] =	stream.indirect.scatter.add.f32 [tilespmem:s23], [sflag:$0x7], $0x80, s22, s22, $0xb8;
	[tilespmem:$0x1C080] =	vst v63  }
0x9d: {  	s8 =	sadd.s32 $0x60, s13  }
0x9e: {  	[tilespmem:s29], [sflag:$0x4] =	stream.linear.gather [hbm4b:s8+s4], $0x100, $0x38;
	[tilespmem:$0x1C080] =	vst v63  }
0x9f: {  	_ =	swait.ge [sflag:s30], $0x4000  }
0xa0: {  	[sflag:s30] =	ssyncset.done $0x0  }
0xa1: {  	[sflag:s30] =	ssyncadd.s32 $0xFFFFC000  }
0xa2: {  	_ =	swait.ge [sflag:s31], $0x100  }
0xa3: {  	[sflag:s31] =	ssyncset.done $0x0  }
0xa4: {  	[sflag:s31] =	ssyncadd.s32 $0xFFFFFF00  }
0xa5: {  	[tilespmem:s23], [sflag:$0x5] =	stream.indirect.gather [hbm4b:s1+s22], $0x80, s24, s22, $0xb8;
	[tilespmem:$0x1C080] =	vst v63  }
0xa6: {  	_ =	swait.ge [sflag:s0], $0x4000  }
0xa7: {  	[sflag:s0] =	ssyncset.done $0x0  }
0xa8: {  	[sflag:s0] =	ssyncadd.s32 $0xFFFFC000  }
0xa9: {  	[spmem:s3] =	stream.indirect.scatter.add.f32 [tilespmem:s26], [sflag:$0x8], $0x80, s5, s22, $0xb8;
	[tilespmem:$0x1C080] =	vst v63  }
0xaa: {  	s15 =	sadd.s32 s12, s17  }
0xab: {  	[tilespmem:s4], [sflag:$0x1] =	stream.linear.gather [hbm4b:s15+s4], $0x100, $0x38;
	[tilespmem:$0x1C080] =	vst v63  }
0xac: {  	_ =	swait.ge [sflag:s2], $0x4000  }
0xad: {  	[sflag:s2] =	ssyncset.done $0x0  }
0xae: {  	[sflag:s2] =	ssyncadd.s32 $0xFFFFC000  }
0xaf: {  	_ =	swait.ge [sflag:s6], $0x100  }
0xb0: {  	[sflag:s6] =	ssyncset.done $0x0  }
0xb1: {  	[sflag:s6] =	ssyncadd.s32 $0xFFFFFF00  }
0xb2: {  	[tilespmem:s26], [sflag:$0x6] =	stream.indirect.gather [hbm4b:s1+s22], $0x80, s29, s22, $0xb8;
	[tilespmem:$0x1C080] =	vst v63  }
0xb3: {  	_ =	swait.ge [sflag:s28], $0x4000  }
0xb4: {  	[sflag:s28] =	ssyncset.done $0x0  }
0xb5: {  	[sflag:s28] =	ssyncadd.s32 $0xFFFFC000  }
0xb6: {  	[spmem:s3] =	stream.indirect.scatter.add.f32 [tilespmem:s23], [sflag:$0x7], $0x80, s7, s22, $0xb8;
	[tilespmem:$0x1C080] =	vst v63  }
0xb7: {  	s18 =	sadd.s32 $0xA0, s13  }
0xb8: {  	[tilespmem:s20], [sflag:$0x2] =	stream.linear.gather [hbm4b:s18+s4], $0x100, $0x38;
	[tilespmem:$0x1C080] =	vst v63  }
0xb9: {  	_ =	swait.ge [sflag:s30], $0x4000  }
0xba: {  	[sflag:s30] =	ssyncset.done $0x0  }
0xbb: {  	[sflag:s30] =	ssyncadd.s32 $0xFFFFC000  }
0xbc: {  	_ =	swait.ge [sflag:s21], $0x100  }
0xbd: {  	[sflag:s21] =	ssyncset.done $0x0  }
0xbe: {  	[sflag:s21] =	ssyncadd.s32 $0xFFFFFF00  }
0xbf: {  	[tilespmem:s23], [sflag:$0x5] =	stream.indirect.gather [hbm4b:s1+s22], $0x80, s4, s22, $0xb8;
	[tilespmem:$0x1C080] =	vst v63  }
0xc0: {  	_ =	swait.ge [sflag:s0], $0x4000  }
0xc1: {  	[sflag:s0] =	ssyncset.done $0x0  }
0xc2: {  	[sflag:s0] =	ssyncadd.s32 $0xFFFFC000  }
0xc3: {  	[spmem:s3] =	stream.indirect.scatter.add.f32 [tilespmem:s26], [sflag:$0x8], $0x80, s10, s22, $0xb8;
	[tilespmem:$0x1C080] =	vst v63  }
0xc4: {  	s19 =	sadd.s32 s12, s16  }
0xc5: {  	[tilespmem:s24], [sflag:$0x3] =	stream.linear.gather [hbm4b:s19+s4], $0x100, $0x38;
	[tilespmem:$0x1C080] =	vst v63  }
0xc6: {  	_ =	swait.ge [sflag:s2], $0x4000  }
0xc7: {  	[sflag:s2] =	ssyncset.done $0x0  }
0xc8: {  	[sflag:s2] =	ssyncadd.s32 $0xFFFFC000  }
0xc9: {  	_ =	swait.ge [sflag:s25], $0x100  }
0xca: {  	[sflag:s25] =	ssyncset.done $0x0  }
0xcb: {  	[sflag:s25] =	ssyncadd.s32 $0xFFFFFF00  }
0xcc: {  	[tilespmem:s26], [sflag:$0x6] =	stream.indirect.gather [hbm4b:s1+s22], $0x80, s20, s22, $0xb8;
	[tilespmem:$0x1C080] =	vst v63  }
0xcd: {  	_ =	swait.ge [sflag:s28], $0x4000  }
0xce: {  	[sflag:s28] =	ssyncset.done $0x0  }
0xcf: {  	[sflag:s28] =	ssyncadd.s32 $0xFFFFC000  }
0xd0: {  	[spmem:s3] =	stream.indirect.scatter.add.f32 [tilespmem:s23], [sflag:$0x7], $0x80, s22, s22, $0xb8;
	[tilespmem:$0x1C080] =	vst v63  }
0xd1: {  	s9 =	rddreg [dreg:$0xb]  }
0xd2: {  	[tilespmem:s29], [sflag:$0x4] =	stream.linear.gather [hbm4b:s9+s4], $0x100, $0x38;
	[tilespmem:$0x1C080] =	vst v63  }
0xd3: {  	_ =	swait.ge [sflag:s30], $0x4000  }
0xd4: {  	[sflag:s30] =	ssyncset.done $0x0  }
0xd5: {  	[sflag:s30] =	ssyncadd.s32 $0xFFFFC000  }
0xd6: {  	_ =	swait.ge [sflag:s31], $0x100  }
0xd7: {  	[sflag:s31] =	ssyncset.done $0x0  }
0xd8: {  	[sflag:s31] =	ssyncadd.s32 $0xFFFFFF00  }
0xd9: {  	[tilespmem:s23], [sflag:$0x5] =	stream.indirect.gather [hbm4b:s1+s22], $0x80, s24, s22, $0xb8;
	[tilespmem:$0x1C080] =	vst v63  }
0xda: {  	_ =	swait.ge [sflag:s0], $0x4000  }
0xdb: {  	[sflag:s0] =	ssyncset.done $0x0  }
0xdc: {  	[sflag:s0] =	ssyncadd.s32 $0xFFFFC000  }
0xdd: {  	[spmem:s3] =	stream.indirect.scatter.add.f32 [tilespmem:s26], [sflag:$0x8], $0x80, s5, s22, $0xb8;
	[tilespmem:$0x1C080] =	vst v63  }
0xde: {  	_ =	swait.ge [sflag:s2], $0x4000  }
0xdf: {  	[sflag:s2] =	ssyncset.done $0x0  }
0xe0: {  	[sflag:s2] =	ssyncadd.s32 $0xFFFFC000  }
0xe1: {  	_ =	swait.ge [sflag:s6], $0x100  }
0xe2: {  	[sflag:s6] =	ssyncset.done $0x0  }
0xe3: {  	[sflag:s6] =	ssyncadd.s32 $0xFFFFFF00  }
0xe4: {  	[tilespmem:s26], [sflag:$0x6] =	stream.indirect.gather [hbm4b:s1+s22], $0x80, s29, s22, $0xb8;
	[tilespmem:$0x1C080] =	vst v63  }
0xe5: {  	_ =	swait.ge [sflag:s28], $0x4000  }
0xe6: {  	[sflag:s28] =	ssyncset.done $0x0  }
0xe7: {  	[sflag:s28] =	ssyncadd.s32 $0xFFFFC000  }
0xe8: {  	[spmem:s3] =	stream.indirect.scatter.add.f32 [tilespmem:s23], [sflag:$0x7], $0x80, s7, s22, $0xb8;
	[tilespmem:$0x1C080] =	vst v63  }
0xe9: {  	_ =	swait.ge [sflag:s0], $0x4000  }
0xea: {  	[sflag:s0] =	ssyncset.done $0x0  }
0xeb: {  	[sflag:s0] =	ssyncadd.s32 $0xFFFFC000  }
0xec: {  	[spmem:s3] =	stream.indirect.scatter.add.f32 [tilespmem:s26], [sflag:$0x8], $0x80, s10, s22, $0xb8;
	[tilespmem:$0x1C080] =	vst v63  }
0xed: {  	_ =	swait.ge [sflag:s30], $0x4000  }
0xee: {  	[sflag:s30] =	ssyncset.done $0x0  }
0xef: {  	[sflag:s30] =	ssyncadd.s32 $0xFFFFC000  }
0xf0: {  	_ =	swait.ge [sflag:s2], $0x4000  }
0xf1: {  	[sflag:s2] =	ssyncset.done $0x0  }
0xf2: {  	[sflag:s2] =	ssyncadd.s32 $0xFFFFC000  }
0xf3: {  	[bflag:$0x0] =	sbarrier.arrive $0xFFFF  }
0xf4: {  	s18 =	rddreg [dreg:$0x7]  }
0xf5: {  	s12 =	rddreg [dreg:$0xc]  }
0xf6: {  	s13 =	simm.s32 $0xA;
	s19 =	rddreg [dreg:$0xe]  }
0xf7: {  	[hbm:s12], [sflag:s18] =	dma.local [spmem:s19], $0x2780  }
0xf8: {  	_ =	swait.ge [sflag:s13], $0x2780  }
0xf9: {  	s8 =	simm.s32 @!p0 $0x0;
	[sflag:s13] =	ssyncset.done $0x0  }
0xfa: {  	s9 =	simm.s32 @!p0 $0x1C000;
	s12 =	rddreg [dreg:$0x6];
	[sflag:s13] =	ssyncadd.s32 $0xFFFFD880  }
0xfb: {  	[tilespmem:s9], [sflag:$0xA] =	stream.linear.gather @!p0 [hbm4b:s12+s8], $0x80, $0x38;
	[tilespmem:$0x1C080] =	vst v63  }
0xfc: {  	s12 =	simm.s32 @!p0 $0xA  }
0xfd: {  	_ =	swait.ge @!p0 [sflag:s12], $0x80  }
0xfe: {  	[sflag:s12] =	ssyncset.done @!p0 $0x0  }
0xff: {  	s15 =	simm.s32 @!p0 $0x400;
	s13 =	simm.s32 @!p0 $0x68;
	[sflag:s12] =	ssyncadd.s32 @!p0 $0xFFFFFF80  }
0x100: {  	[tilespmem:s15], [sflag:$0x9] =	stream.indirect.gather @!p0 [hbm4b:s1+s13], $0x80, s9, s13, $0xb8;
	[tilespmem:$0x1C080] =	vst v63  }
0x101: {  	s9 =	simm.s32 @!p0 $0x9  }
0x102: {  	_ =	swait.ge @!p0 [sflag:s9], $0x3400  }
0x103: {  	[sflag:s9] =	ssyncset.done @!p0 $0x0  }
0x104: {  	[sflag:s9] =	ssyncadd.s32 @!p0 $0xFFFFCC00  }
0x105: {  	s9 =	rddreg [dreg:$0x2]  }
0x106: {  	[hbm4b:s9+s8] =	stream.linear.scatter @!p0 [tilespmem:s15], [sflag:$0xA], $0x3400, $0x38;
	[tilespmem:$0x1C080] =	vst v63  }
0x107: {  	_ =	swait.ge @!p0 [sflag:s12], $0x3400  }
0x108: {  	s11 =	sadd.s32 $0x1, s11;
	s15 =	rddreg [dreg:$0xd]  }
0x109: {  	p1 =	sne.s32 s11, s15  }
.Ltmp1:
0x10a: {  	_ = 	snop;
	(pc) =	sbr.rel @p1 .LBB2_1-.Ltmp1, $3  }
0x10b: {  	_ =	sdelay $0x1  }
0x10c: {  	[sflag:s12] =	ssyncset.done @!p0 $0x0  }
0x10d: {  	s9 =	simm.s32 $0xA;
	[sflag:s12] =	ssyncadd.s32 @!p0 $0xFFFFCC00  }
0x10e: {  	_ =	sfence.sel $0x180000  }
0x10f: {  	[bflag:$0x0] =	sbarrier.arrive $0xFFFF  }
0x110: {  	_ =	strace $0x90000047  }
0x111: {  	s0 =	stileid.u32;
	[bflag:$0x2] =	sbarrier.arrive $0xFFFF  }
0x112: {  	p0 =	sne.s32 s0, $0x0;
	s0 =	rddreg [dreg:$0x4]  }
0x113: {  	s0 =	sadd.s32 @!p0 $0x100000, s0  }
0x114: {  	[sflag:s0] =	ssyncadd.tile.s32 @!p0 $0x1;
	_ =	shalt  }
.Lfunc_end2:
_tile_overlayer_lowered:
.L_overlay_start_2:
0x115: {  	(tag) =	ssettag $0x2  }
0x116: {  	s0 =	rddreg [dreg:$0x0];
	s2 =	stileid.u32  }
0x117: {  	s1 =	rddreg [dreg:$0x1];
	p0 =	sne.s32 s2, $0x0  }
0x118: {  	s3 =	rddreg [dreg:$0x2];
	[bflag:$0x3] =	sbarrier.arrive $0xFFFF;
	s2 =	simm.s32 @!p0 $0x1C0A  }
0x119: {  	[timem:s3], [sflag:s2] =	dma.local @!p0 [hbm:s0], s1  }
0x11a: {  	s0 =	simm.s32 @!p0 $0xA  }
0x11b: {  	_ =	swait.ge @!p0 [sflag:s0], s1  }
0x11c: {  	s1 =	ssub.s32 @!p0 $0x0, s1;
	[sflag:s0] =	ssyncset.done @!p0 $0x0  }
0x11d: {  	[sflag:s0] =	ssyncadd.s32 @!p0 s1  }
0x11e: {  	[bflag:$0x3] =	sbarrier.arrive $0xFFFF  }
0x11f: {  	_ =	shalt  }

</sc_bundles>
